<compile_context>
chip_gen: v7x
topology: tpu7x:2x2x1
jax: 0.10.2.dev20260603
libtpu: 0.0.44.dev20260713+nightly
codegen_flags: <defaults>
</compile_context>

<pallas_src>
import functools
import math

import jax
import jax.numpy as jnp
from jax import lax
from jax.experimental import pallas as pl
from jax.experimental.pallas import tpu as pltpu
from jax.experimental.pallas import tpu_sc as plsc

D_MODEL_ = 256
POS_DIM_ = 32
_CH = 256
_PADROWS = 8
_CHUNK = 64


def _fourier_table(M, dtype):
    half = POS_DIM_ // 2
    freqs = jnp.exp(jnp.linspace(math.log(1.0), math.log(1000.0), half))
    idx = jnp.arange(M, dtype=dtype)
    pos = jnp.clip(idx / max(1, M - 1), 0.0, 1.0)
    ang = pos[:, None] * freqs
    out = jnp.concatenate([jnp.sin(ang), jnp.cos(ang)], axis=-1)
    if out.shape[-1] < POS_DIM_:
        out = jnp.concatenate(
            [out, jnp.zeros(out.shape[:-1] + (POS_DIM_ - out.shape[-1],), out.dtype)],
            axis=-1)
    return out.astype(dtype)


def _tc_body(x_ref, w_ref, b_ref, ff_ref, q_ref, c_ref):
    T = x_ref.shape[1]
    D = D_MODEL_
    i = pl.program_id(0)

    xb = x_ref[0].astype(jnp.bfloat16)
    w_top = w_ref[:D, :].astype(jnp.bfloat16)
    y = jnp.dot(xb, w_top, preferred_element_type=jnp.float32)

    r16 = jax.lax.broadcasted_iota(jnp.int16, (_CH, _CH), 0)
    c16 = jax.lax.broadcasted_iota(jnp.int16, (_CH, _CH), 1)
    tri = jnp.where(r16 >= c16, jnp.bfloat16(1.0), jnp.bfloat16(0.0))

    carry = jnp.zeros((1, D), jnp.float32)
    for ch in range(T // _CH):
        blk = y[ch * _CH:(ch + 1) * _CH, :].astype(jnp.bfloat16)
        pc = jnp.dot(tri, blk, preferred_element_type=jnp.float32)
        q_ref[0, ch * _CH:(ch + 1) * _CH, :] = pc + carry
        carry = carry + pc[_CH - 1:_CH, :]
    q_ref[0, T:T + _PADROWS, :] = jnp.zeros((_PADROWS, D), jnp.float32)

    @pl.when(i == 0)
    def _const():
        w_bot = w_ref[D:, :]
        c_ref[...] = (jnp.dot(ff_ref[...], w_bot,
                              preferred_element_type=jnp.float32)
                      + b_ref[...][None, :])


def _make_sc_gather(n_items, D, n_workers):
    per_w = n_items // n_workers
    n_chunks = per_w // _CHUNK
    mesh = plsc.VectorSubcoreMesh(core_axis_name="c", subcore_axis_name="s")

    @functools.partial(
        pl.kernel, mesh=mesh,
        out_type=jax.ShapeDtypeStruct((n_items, D), jnp.float32),
        scratch_types=[
            pltpu.VMEM((_CHUNK,), jnp.int32),
            pltpu.VMEM((_CHUNK,), jnp.int32),
            pltpu.VMEM((_CHUNK, D), jnp.float32),
            pltpu.VMEM((_CHUNK, D), jnp.float32),
            pltpu.VMEM((_CHUNK, 16), jnp.float32),
            pltpu.VMEM((_CHUNK, D), jnp.float32),
            pltpu.SemaphoreType.DMA,
            pltpu.SemaphoreType.DMA,
        ],
    )
    def sc_gather(q_hbm, idxe_hbm, idxs_hbm, inv_hbm, c_hbm, out_hbm,
                  idxe_v, idxs_v, re_v, rs_v, inv_v, c_v, sem_e, sem_s):
        nc = jax.lax.axis_size("c")
        wid = lax.axis_index("s") * nc + lax.axis_index("c")
        base = wid * per_w
        for k in range(n_chunks):
            off = base + k * _CHUNK
            pltpu.sync_copy(idxe_hbm.at[pl.ds(off, _CHUNK)], idxe_v)
            pltpu.sync_copy(idxs_hbm.at[pl.ds(off, _CHUNK)], idxs_v)
            pltpu.sync_copy(inv_hbm.at[pl.ds(off, _CHUNK), :], inv_v)
            pltpu.sync_copy(c_hbm.at[pl.ds(off, _CHUNK), :], c_v)
            pltpu.async_copy(q_hbm.at[idxe_v], re_v, sem_e).wait()
            pltpu.async_copy(q_hbm.at[idxs_v], rs_v, sem_s).wait()

            def body(r, _):
                invv = inv_v[r, :]
                for j in range(D // 16):
                    sl = pl.ds(j * 16, 16)
                    re_v[r, sl] = ((re_v[r, sl] - rs_v[r, sl]) * invv
                                   + c_v[r, sl])
                return 0

            lax.fori_loop(0, _CHUNK, body, 0)
            pltpu.sync_copy(re_v, out_hbm.at[pl.ds(off, _CHUNK), :])

    return sc_gather


def kernel(frame_emb, beat_bounds, W, b):
    B, T, D = frame_emb.shape
    M = beat_bounds.shape[1]
    Tp = T + _PADROWS
    bounds = beat_bounds.astype(jnp.int32)
    ff = _fourier_table(M, frame_emb.dtype)

    q, c_tab = pl.pallas_call(
        _tc_body,
        grid=(B,),
        in_specs=[
            pl.BlockSpec((1, T, D), lambda i: (i, 0, 0)),
            pl.BlockSpec((D + POS_DIM_, D), lambda i: (0, 0)),
            pl.BlockSpec((D,), lambda i: (0,)),
            pl.BlockSpec((M, POS_DIM_), lambda i: (0, 0)),
        ],
        out_specs=[
            pl.BlockSpec((1, Tp, D), lambda i: (i, 0, 0)),
            pl.BlockSpec((M, D), lambda i: (0, 0)),
        ],
        out_shape=[
            jax.ShapeDtypeStruct((B, Tp, D), jnp.float32),
            jax.ShapeDtypeStruct((M, D), jnp.float32),
        ],
        compiler_params=pltpu.CompilerParams(
            dimension_semantics=("arbitrary",)),
    )(frame_emb, W, b, ff)

    s = jnp.clip(bounds[..., 0], 0, T - 1)
    e = jnp.minimum(bounds[..., 1], T)
    e = jnp.maximum(s + 1, e)
    cnt = (e - s).astype(jnp.float32)
    brow = jnp.arange(B, dtype=jnp.int32)[:, None] * Tp
    idx_e = (brow + e - 1).reshape(-1)
    idx_s = jnp.where(s > 0, brow + s - 1, brow + T).reshape(-1)
    inv_tile = jnp.broadcast_to((1.0 / cnt).reshape(-1)[:, None],
                                (B * M, 16)).astype(jnp.float32)

    info = plsc.get_sparse_core_info()
    n_workers = info.num_cores * info.num_subcores
    sc_gather = _make_sc_gather(B * M, D, n_workers)
    c_full = jnp.broadcast_to(c_tab[None, :, :], (B, M, D)).reshape(B * M, D)
    out = sc_gather(q.reshape(B * Tp, D), idx_e, idx_s, inv_tile, c_full)
    return out.reshape(B, M, D)

# --- scband reference (transcript-rebuilt; emitter-appended) ---
"""Pipeline reference for scband-beat-pooling-29618094473978 (READ-ONLY COPY).

The authoritative reference and input builder live on the scoring server;
editing this copy changes nothing except your own understanding.
"""

import math
import jax, jax.numpy as jnp
import numpy as np

D_MODEL = 256
POS_DIM = 32


def _fourier_features(pos, dim):
    # pos: [B, M] in [0, 1] -> [B, M, dim]
    half = dim // 2
    freqs = jnp.exp(jnp.linspace(math.log(1.0), math.log(1000.0), half))
    ang = pos[..., None] * freqs
    s = jnp.sin(ang)
    c = jnp.cos(ang)
    out = jnp.concatenate([s, c], axis=-1)
    if out.shape[-1] < dim:
        pad = jnp.zeros(out.shape[:-1] + (dim - out.shape[-1],), dtype=out.dtype)
        out = jnp.concatenate([out, pad], axis=-1)
    return out


def setup_inputs(seed: int = 0) -> dict:
    key = jax.random.key(seed)
    k1, k2, k3, k4 = jax.random.split(key, 4)
    B, T, D, M = 16, 4096, D_MODEL, 512
    frame_emb = jax.random.normal(k1, (B, T, D), dtype=jnp.float32)
    beat_bounds = jnp.sort(jax.random.randint(k2, (B, M, 2), 0, T), axis=-1).astype(jnp.int64)
    fan_in = D + POS_DIM
    bound = 1.0 / math.sqrt(fan_in)
    W = jax.random.uniform(k3, (fan_in, D), dtype=jnp.float32, minval=-bound, maxval=bound)
    b = jax.random.uniform(k4, (D,), dtype=jnp.float32, minval=-bound, maxval=bound)
    return {"frame_emb": frame_emb, "beat_bounds": beat_bounds, "W": W, "b": b}


def reference(frame_emb, beat_bounds, W, b):
    B, T, D = frame_emb.shape
    M = beat_bounds.shape[1]
    s = jnp.clip(beat_bounds[..., 0], 0, T - 1)  # [B, M]
    e = jnp.minimum(beat_bounds[..., 1], T)
    e = jnp.maximum(s + 1, e)
    t = jnp.arange(T)
    mask = (t[None, None, :] >= s[..., None]) & (t[None, None, :] < e[..., None])  # [B, M, T]
    maskf = mask.astype(frame_emb.dtype)
    counts = maskf.sum(axis=-1)  # [B, M]
    summed = jnp.einsum('bmt,btd->bmd', maskf, frame_emb)
    out = summed / counts[..., None]
    # positional fourier features over beat index
    idx = jnp.arange(M, dtype=frame_emb.dtype)
    pos = jnp.clip(idx / max(1, M - 1), 0.0, 1.0)
    pos = jnp.broadcast_to(pos[None, :], (B, M))
    ff = _fourier_features(pos, POS_DIM)
    out = jnp.concatenate([out, ff], axis=-1) @ W + b
    return out

if __name__ == "__main__":
    import jax
    _d = setup_inputs()
    print(jax.jit(kernel)(*tuple(_d.values())))

</pallas_src>

<mosaic_0001>
#map = affine_map<(d0, d1) -> (0, 0)>
#map1 = affine_map<(d0, d1) -> (0)>
module attributes {stable_mosaic.version = 14 : i64} {
  func.func @sc_gather(%arg0: i32, %arg1: i32, %arg2: memref<65664x256xf32, #tpu.memory_space<hbm>>, %arg3: memref<8192xi32, #tpu.memory_space<hbm>>, %arg4: memref<8192xi32, #tpu.memory_space<hbm>>, %arg5: memref<8192x16xf32, #tpu.memory_space<hbm>>, %arg6: memref<8192x256xf32, #tpu.memory_space<hbm>>, %arg7: memref<8192x256xf32, #tpu.memory_space<hbm>>, %arg8: memref<64xi32, #tpu.memory_space<vmem>>, %arg9: memref<64xi32, #tpu.memory_space<vmem>>, %arg10: memref<64x256xf32, #tpu.memory_space<vmem>>, %arg11: memref<64x256xf32, #tpu.memory_space<vmem>>, %arg12: memref<64x16xf32, #tpu.memory_space<vmem>>, %arg13: memref<64x256xf32, #tpu.memory_space<vmem>>, %arg14: memref<!tpu.dma_semaphore, #tpu.memory_space<semaphore_mem>>, %arg15: memref<!tpu.dma_semaphore, #tpu.memory_space<semaphore_mem>>) attributes {dimension_semantics = [#tpu.dimension_semantics<core_parallel>, #tpu.dimension_semantics<subcore_parallel>], iteration_bounds = array<i64: 2, 16>, scalar_prefetch = 0 : i64, scratch_operands = 8 : i64, tpu.core_type = #tpu.core_type<sc_vector_subcore>, window_params = [{transform_indices = #map}, {transform_indices = #map1}, {transform_indices = #map1}, {transform_indices = #map}, {transform_indices = #map}, {transform_indices = #map}]} {
    %mul3A = arith.constant 2 : i32
    %mul3A_0 = arith.muli %arg1, %mul3A : i32
    %add3A = arith.addi %mul3A_0, %arg0 : i32
    %mul3A_1 = arith.constant 256 : i32
    %mul3A_2 = arith.muli %add3A, %mul3A_1 : i32
    %add3A_3 = arith.constant 0 : i32
    %add3A_4 = arith.addi %mul3A_2, %add3A_3 : i32
    "tpu.region"() ({
      %run_scoped3A = tpu.sem_alloc : memref<!tpu.dma_semaphore, #tpu.memory_space<semaphore_mem>>
      %dma_start3A_84 = tpu.memref_slice %arg3[%add3A_4] : memref<8192xi32, #tpu.memory_space<hbm>> -> memref<64xi32, #tpu.memory_space<hbm>>
      %dma_start3A_85 = tpu.memref_slice %arg3[%add3A_4] : memref<8192xi32, #tpu.memory_space<hbm>> -> memref<64xi32, #tpu.memory_space<hbm>>
      tpu.enqueue_dma source(%dma_start3A_85 : memref<64xi32, #tpu.memory_space<hbm>>) target(%arg8 : memref<64xi32, #tpu.memory_space<vmem>>) target_semaphore(%run_scoped3A : memref<!tpu.dma_semaphore, #tpu.memory_space<semaphore_mem>>)
      %dma_wait3A_86 = tpu.memref_slice %arg3[%add3A_4] : memref<8192xi32, #tpu.memory_space<hbm>> -> memref<64xi32, #tpu.memory_space<hbm>>
      %dma_wait3A_87 = tpu.memref_slice %arg3[%add3A_4] : memref<8192xi32, #tpu.memory_space<hbm>> -> memref<64xi32, #tpu.memory_space<hbm>>
      tpu.wait_dma2 semaphore(%run_scoped3A : memref<!tpu.dma_semaphore, #tpu.memory_space<semaphore_mem>>) src(%dma_wait3A_87 : memref<64xi32, #tpu.memory_space<hbm>>) dst(%arg8 : memref<64xi32, #tpu.memory_space<vmem>>)
      tpu.yield
    }) : () -> ()
    "tpu.region"() ({
      %run_scoped3A = tpu.sem_alloc : memref<!tpu.dma_semaphore, #tpu.memory_space<semaphore_mem>>
      %dma_start3A_84 = tpu.memref_slice %arg4[%add3A_4] : memref<8192xi32, #tpu.memory_space<hbm>> -> memref<64xi32, #tpu.memory_space<hbm>>
      %dma_start3A_85 = tpu.memref_slice %arg4[%add3A_4] : memref<8192xi32, #tpu.memory_space<hbm>> -> memref<64xi32, #tpu.memory_space<hbm>>
      tpu.enqueue_dma source(%dma_start3A_85 : memref<64xi32, #tpu.memory_space<hbm>>) target(%arg9 : memref<64xi32, #tpu.memory_space<vmem>>) target_semaphore(%run_scoped3A : memref<!tpu.dma_semaphore, #tpu.memory_space<semaphore_mem>>)
      %dma_wait3A_86 = tpu.memref_slice %arg4[%add3A_4] : memref<8192xi32, #tpu.memory_space<hbm>> -> memref<64xi32, #tpu.memory_space<hbm>>
      %dma_wait3A_87 = tpu.memref_slice %arg4[%add3A_4] : memref<8192xi32, #tpu.memory_space<hbm>> -> memref<64xi32, #tpu.memory_space<hbm>>
      tpu.wait_dma2 semaphore(%run_scoped3A : memref<!tpu.dma_semaphore, #tpu.memory_space<semaphore_mem>>) src(%dma_wait3A_87 : memref<64xi32, #tpu.memory_space<hbm>>) dst(%arg9 : memref<64xi32, #tpu.memory_space<vmem>>)
      tpu.yield
    }) : () -> ()
    "tpu.region"() ({
      %run_scoped3A = tpu.sem_alloc : memref<!tpu.dma_semaphore, #tpu.memory_space<semaphore_mem>>
      %dma_start3A_84 = arith.constant 0 : i32
      %dma_start3A_85 = tpu.memref_slice %arg5[%add3A_4, %dma_start3A_84] : memref<8192x16xf32, #tpu.memory_space<hbm>> -> memref<64x16xf32, #tpu.memory_space<hbm>>
      %dma_start3A_86 = arith.constant 0 : i32
      %dma_start3A_87 = tpu.memref_slice %arg5[%add3A_4, %dma_start3A_86] : memref<8192x16xf32, #tpu.memory_space<hbm>> -> memref<64x16xf32, #tpu.memory_space<hbm>>
      tpu.enqueue_dma source(%dma_start3A_87 : memref<64x16xf32, #tpu.memory_space<hbm>>) target(%arg12 : memref<64x16xf32, #tpu.memory_space<vmem>>) target_semaphore(%run_scoped3A : memref<!tpu.dma_semaphore, #tpu.memory_space<semaphore_mem>>)
      %dma_wait3A_88 = arith.constant 0 : i32
      %dma_wait3A_89 = tpu.memref_slice %arg5[%add3A_4, %dma_wait3A_88] : memref<8192x16xf32, #tpu.memory_space<hbm>> -> memref<64x16xf32, #tpu.memory_space<hbm>>
      %dma_wait3A_90 = arith.constant 0 : i32
      %dma_wait3A_91 = tpu.memref_slice %arg5[%add3A_4, %dma_wait3A_90] : memref<8192x16xf32, #tpu.memory_space<hbm>> -> memref<64x16xf32, #tpu.memory_space<hbm>>
      tpu.wait_dma2 semaphore(%run_scoped3A : memref<!tpu.dma_semaphore, #tpu.memory_space<semaphore_mem>>) src(%dma_wait3A_91 : memref<64x16xf32, #tpu.memory_space<hbm>>) dst(%arg12 : memref<64x16xf32, #tpu.memory_space<vmem>>)
      tpu.yield
    }) : () -> ()
    "tpu.region"() ({
      %run_scoped3A = tpu.sem_alloc : memref<!tpu.dma_semaphore, #tpu.memory_space<semaphore_mem>>
      %dma_start3A_84 = arith.constant 0 : i32
      %dma_start3A_85 = tpu.memref_slice %arg6[%add3A_4, %dma_start3A_84] : memref<8192x256xf32, #tpu.memory_space<hbm>> -> memref<64x256xf32, #tpu.memory_space<hbm>>
      %dma_start3A_86 = arith.constant 0 : i32
      %dma_start3A_87 = tpu.memref_slice %arg6[%add3A_4, %dma_start3A_86] : memref<8192x256xf32, #tpu.memory_space<hbm>> -> memref<64x256xf32, #tpu.memory_space<hbm>>
      tpu.enqueue_dma source(%dma_start3A_87 : memref<64x256xf32, #tpu.memory_space<hbm>>) target(%arg13 : memref<64x256xf32, #tpu.memory_space<vmem>>) target_semaphore(%run_scoped3A : memref<!tpu.dma_semaphore, #tpu.memory_space<semaphore_mem>>)
      %dma_wait3A_88 = arith.constant 0 : i32
      %dma_wait3A_89 = tpu.memref_slice %arg6[%add3A_4, %dma_wait3A_88] : memref<8192x256xf32, #tpu.memory_space<hbm>> -> memref<64x256xf32, #tpu.memory_space<hbm>>
      %dma_wait3A_90 = arith.constant 0 : i32
      %dma_wait3A_91 = tpu.memref_slice %arg6[%add3A_4, %dma_wait3A_90] : memref<8192x256xf32, #tpu.memory_space<hbm>> -> memref<64x256xf32, #tpu.memory_space<hbm>>
      tpu.wait_dma2 semaphore(%run_scoped3A : memref<!tpu.dma_semaphore, #tpu.memory_space<semaphore_mem>>) src(%dma_wait3A_91 : memref<64x256xf32, #tpu.memory_space<hbm>>) dst(%arg13 : memref<64x256xf32, #tpu.memory_space<vmem>>)
      tpu.yield
    }) : () -> ()
    %dma_start3A = arith.constant 0 : i32
    %dma_start3A_5 = arith.constant 0 : i32
    %dma_start3A_6 = tpu.memref_slice %arg2[%dma_start3A, %dma_start3A_5] : memref<65664x256xf32, #tpu.memory_space<hbm>> -> memref<65664x256xf32, #tpu.memory_space<hbm>>
    tpu.enqueue_indirect_dma source(%dma_start3A_6 : memref<65664x256xf32, #tpu.memory_space<hbm>>) target(%arg10 : memref<64x256xf32, #tpu.memory_space<vmem>>) offsets(%arg8 : memref<64xi32, #tpu.memory_space<vmem>>) semaphore(%arg14 : memref<!tpu.dma_semaphore, #tpu.memory_space<semaphore_mem>>)
    %dma_wait3A = arith.constant 0 : i32
    %dma_wait3A_7 = arith.constant 0 : i32
    %dma_wait3A_8 = tpu.memref_slice %arg2[%dma_wait3A, %dma_wait3A_7] : memref<65664x256xf32, #tpu.memory_space<hbm>> -> memref<65664x256xf32, #tpu.memory_space<hbm>>
    tpu.wait_indirect_dma semaphore(%arg14 : memref<!tpu.dma_semaphore, #tpu.memory_space<semaphore_mem>>) src(%dma_wait3A_8 : memref<65664x256xf32, #tpu.memory_space<hbm>>) dst(%arg10 : memref<64x256xf32, #tpu.memory_space<vmem>>)
    %dma_start3A_9 = arith.constant 0 : i32
    %dma_start3A_10 = arith.constant 0 : i32
    %dma_start3A_11 = tpu.memref_slice %arg2[%dma_start3A_9, %dma_start3A_10] : memref<65664x256xf32, #tpu.memory_space<hbm>> -> memref<65664x256xf32, #tpu.memory_space<hbm>>
    tpu.enqueue_indirect_dma source(%dma_start3A_11 : memref<65664x256xf32, #tpu.memory_space<hbm>>) target(%arg11 : memref<64x256xf32, #tpu.memory_space<vmem>>) offsets(%arg9 : memref<64xi32, #tpu.memory_space<vmem>>) semaphore(%arg15 : memref<!tpu.dma_semaphore, #tpu.memory_space<semaphore_mem>>)
    %dma_wait3A_12 = arith.constant 0 : i32
    %dma_wait3A_13 = arith.constant 0 : i32
    %dma_wait3A_14 = tpu.memref_slice %arg2[%dma_wait3A_12, %dma_wait3A_13] : memref<65664x256xf32, #tpu.memory_space<hbm>> -> memref<65664x256xf32, #tpu.memory_space<hbm>>
    tpu.wait_indirect_dma semaphore(%arg15 : memref<!tpu.dma_semaphore, #tpu.memory_space<semaphore_mem>>) src(%dma_wait3A_14 : memref<65664x256xf32, #tpu.memory_space<hbm>>) dst(%arg11 : memref<64x256xf32, #tpu.memory_space<vmem>>)
    %scan3A = arith.constant 0 : i32
    %scan3A_15 = arith.constant 0 : i32
    %scan3A_16 = arith.constant 64 : i32
    %scan3A_17 = arith.addi %scan3A_15, %scan3A_16 : i32
    %scan3A_18 = arith.constant 1 : i32
    %scan3A_19 = scf.for %scan3A_84 = %scan3A_15 to %scan3A_17 step %scan3A_18 iter_args(%scan3A_85 = %scan3A) -> (i32)  : i32 {
      %get3A = arith.index_cast %scan3A_84 : i32 to index
      %get3A_86 = arith.constant 0 : index
      %get3A_87 = tpu.vector_load %arg12[%get3A, %get3A_86] {strides = array<i32>} : memref<64x16xf32, #tpu.memory_space<vmem>>, vector<1x16xf32>,
      %get3A_88 = vector.shape_cast %get3A_87 : vector<1x16xf32> to vector<16xf32>
      %get3A_89 = arith.index_cast %scan3A_84 : i32 to index
      %get3A_90 = arith.constant 0 : index
      %get3A_91 = tpu.vector_load %arg10[%get3A_89, %get3A_90] {strides = array<i32>} : memref<64x256xf32, #tpu.memory_space<vmem>>, vector<1x16xf32>,
      %get3A_92 = vector.shape_cast %get3A_91 : vector<1x16xf32> to vector<16xf32>
      %get3A_93 = arith.index_cast %scan3A_84 : i32 to index
      %get3A_94 = arith.constant 0 : index
      %get3A_95 = tpu.vector_load %arg11[%get3A_93, %get3A_94] {strides = array<i32>} : memref<64x256xf32, #tpu.memory_space<vmem>>, vector<1x16xf32>,
      %get3A_96 = vector.shape_cast %get3A_95 : vector<1x16xf32> to vector<16xf32>
      %sub3A = arith.subf %get3A_92, %get3A_96 : vector<16xf32>
      %mul3A_97 = arith.mulf %sub3A, %get3A_88 : vector<16xf32>
      %get3A_98 = arith.index_cast %scan3A_84 : i32 to index
      %get3A_99 = arith.constant 0 : index
      %get3A_100 = tpu.vector_load %arg13[%get3A_98, %get3A_99] {strides = array<i32>} : memref<64x256xf32, #tpu.memory_space<vmem>>, vector<1x16xf32>,
      %get3A_101 = vector.shape_cast %get3A_100 : vector<1x16xf32> to vector<16xf32>
      %add3A_102 = arith.addf %mul3A_97, %get3A_101 : vector<16xf32>
      %swap3A = arith.index_cast %scan3A_84 : i32 to index
      %swap3A_103 = arith.constant 0 : index
      %swap3A_104 = tpu.vector_load %arg10[%swap3A, %swap3A_103] {strides = array<i32>} : memref<64x256xf32, #tpu.memory_space<vmem>>, vector<1x16xf32>,
      %swap3A_105 = vector.shape_cast %swap3A_104 : vector<1x16xf32> to vector<16xf32>
      %swap3A_106 = vector.shape_cast %add3A_102 : vector<16xf32> to vector<1x16xf32>
      tpu.vector_store %arg10[%swap3A, %swap3A_103], %swap3A_106 {strides = array<i32>} : memref<64x256xf32, #tpu.memory_space<vmem>>, vector<1x16xf32>,
      %get3A_107 = arith.index_cast %scan3A_84 : i32 to index
      %get3A_108 = arith.constant 16 : index
      %get3A_109 = tpu.vector_load %arg10[%get3A_107, %get3A_108] {strides = array<i32>} : memref<64x256xf32, #tpu.memory_space<vmem>>, vector<1x16xf32>,
      %get3A_110 = vector.shape_cast %get3A_109 : vector<1x16xf32> to vector<16xf32>
      %get3A_111 = arith.index_cast %scan3A_84 : i32 to index
      %get3A_112 = arith.constant 16 : index
      %get3A_113 = tpu.vector_load %arg11[%get3A_111, %get3A_112] {strides = array<i32>} : memref<64x256xf32, #tpu.memory_space<vmem>>, vector<1x16xf32>,
      %get3A_114 = vector.shape_cast %get3A_113 : vector<1x16xf32> to vector<16xf32>
      %sub3A_115 = arith.subf %get3A_110, %get3A_114 : vector<16xf32>
      %mul3A_116 = arith.mulf %sub3A_115, %get3A_88 : vector<16xf32>
      %get3A_117 = arith.index_cast %scan3A_84 : i32 to index
      %get3A_118 = arith.constant 16 : index
      %get3A_119 = tpu.vector_load %arg13[%get3A_117, %get3A_118] {strides = array<i32>} : memref<64x256xf32, #tpu.memory_space<vmem>>, vector<1x16xf32>,
      %get3A_120 = vector.shape_cast %get3A_119 : vector<1x16xf32> to vector<16xf32>
      %add3A_121 = arith.addf %mul3A_116, %get3A_120 : vector<16xf32>
      %swap3A_122 = arith.index_cast %scan3A_84 : i32 to index
      %swap3A_123 = arith.constant 16 : index
      %swap3A_124 = tpu.vector_load %arg10[%swap3A_122, %swap3A_123] {strides = array<i32>} : memref<64x256xf32, #tpu.memory_space<vmem>>, vector<1x16xf32>,
      %swap3A_125 = vector.shape_cast %swap3A_124 : vector<1x16xf32> to vector<16xf32>
      %swap3A_126 = vector.shape_cast %add3A_121 : vector<16xf32> to vector<1x16xf32>
      tpu.vector_store %arg10[%swap3A_122, %swap3A_123], %swap3A_126 {strides = array<i32>} : memref<64x256xf32, #tpu.memory_space<vmem>>, vector<1x16xf32>,
      %get3A_127 = arith.index_cast %scan3A_84 : i32 to index
      %get3A_128 = arith.constant 32 : index
      %get3A_129 = tpu.vector_load %arg10[%get3A_127, %get3A_128] {strides = array<i32>} : memref<64x256xf32, #tpu.memory_space<vmem>>, vector<1x16xf32>,
      %get3A_130 = vector.shape_cast %get3A_129 : vector<1x16xf32> to vector<16xf32>
      %get3A_131 = arith.index_cast %scan3A_84 : i32 to index
      %get3A_132 = arith.constant 32 : index
      %get3A_133 = tpu.vector_load %arg11[%get3A_131, %get3A_132] {strides = array<i32>} : memref<64x256xf32, #tpu.memory_space<vmem>>, vector<1x16xf32>,
      %get3A_134 = vector.shape_cast %get3A_133 : vector<1x16xf32> to vector<16xf32>
      %sub3A_135 = arith.subf %get3A_130, %get3A_134 : vector<16xf32>
      %mul3A_136 = arith.mulf %sub3A_135, %get3A_88 : vector<16xf32>
      %get3A_137 = arith.index_cast %scan3A_84 : i32 to index
      %get3A_138 = arith.constant 32 : index
      %get3A_139 = tpu.vector_load %arg13[%get3A_137, %get3A_138] {strides = array<i32>} : memref<64x256xf32, #tpu.memory_space<vmem>>, vector<1x16xf32>,
      %get3A_140 = vector.shape_cast %get3A_139 : vector<1x16xf32> to vector<16xf32>
      %add3A_141 = arith.addf %mul3A_136, %get3A_140 : vector<16xf32>
      %swap3A_142 = arith.index_cast %scan3A_84 : i32 to index
      %swap3A_143 = arith.constant 32 : index
      %swap3A_144 = tpu.vector_load %arg10[%swap3A_142, %swap3A_143] {strides = array<i32>} : memref<64x256xf32, #tpu.memory_space<vmem>>, vector<1x16xf32>,
      %swap3A_145 = vector.shape_cast %swap3A_144 : vector<1x16xf32> to vector<16xf32>
      %swap3A_146 = vector.shape_cast %add3A_141 : vector<16xf32> to vector<1x16xf32>
      tpu.vector_store %arg10[%swap3A_142, %swap3A_143], %swap3A_146 {strides = array<i32>} : memref<64x256xf32, #tpu.memory_space<vmem>>, vector<1x16xf32>,
      %get3A_147 = arith.index_cast %scan3A_84 : i32 to index
      %get3A_148 = arith.constant 48 : index
      %get3A_149 = tpu.vector_load %arg10[%get3A_147, %get3A_148] {strides = array<i32>} : memref<64x256xf32, #tpu.memory_space<vmem>>, vector<1x16xf32>,
      %get3A_150 = vector.shape_cast %get3A_149 : vector<1x16xf32> to vector<16xf32>
      %get3A_151 = arith.index_cast %scan3A_84 : i32 to index
      %get3A_152 = arith.constant 48 : index
      %get3A_153 = tpu.vector_load %arg11[%get3A_151, %get3A_152] {strides = array<i32>} : memref<64x256xf32, #tpu.memory_space<vmem>>, vector<1x16xf32>,
      %get3A_154 = vector.shape_cast %get3A_153 : vector<1x16xf32> to vector<16xf32>
      %sub3A_155 = arith.subf %get3A_150, %get3A_154 : vector<16xf32>
      %mul3A_156 = arith.mulf %sub3A_155, %get3A_88 : vector<16xf32>
      %get3A_157 = arith.index_cast %scan3A_84 : i32 to index
      %get3A_158 = arith.constant 48 : index
      %get3A_159 = tpu.vector_load %arg13[%get3A_157, %get3A_158] {strides = array<i32>} : memref<64x256xf32, #tpu.memory_space<vmem>>, vector<1x16xf32>,
      %get3A_160 = vector.shape_cast %get3A_159 : vector<1x16xf32> to vector<16xf32>
      %add3A_161 = arith.addf %mul3A_156, %get3A_160 : vector<16xf32>
      %swap3A_162 = arith.index_cast %scan3A_84 : i32 to index
      %swap3A_163 = arith.constant 48 : index
      %swap3A_164 = tpu.vector_load %arg10[%swap3A_162, %swap3A_163] {strides = array<i32>} : memref<64x256xf32, #tpu.memory_space<vmem>>, vector<1x16xf32>,
      %swap3A_165 = vector.shape_cast %swap3A_164 : vector<1x16xf32> to vector<16xf32>
      %swap3A_166 = vector.shape_cast %add3A_161 : vector<16xf32> to vector<1x16xf32>
      tpu.vector_store %arg10[%swap3A_162, %swap3A_163], %swap3A_166 {strides = array<i32>} : memref<64x256xf32, #tpu.memory_space<vmem>>, vector<1x16xf32>,
      %get3A_167 = arith.index_cast %scan3A_84 : i32 to index
      %get3A_168 = arith.constant 64 : index
      %get3A_169 = tpu.vector_load %arg10[%get3A_167, %get3A_168] {strides = array<i32>} : memref<64x256xf32, #tpu.memory_space<vmem>>, vector<1x16xf32>,
      %get3A_170 = vector.shape_cast %get3A_169 : vector<1x16xf32> to vector<16xf32>
      %get3A_171 = arith.index_cast %scan3A_84 : i32 to index
      %get3A_172 = arith.constant 64 : index
      %get3A_173 = tpu.vector_load %arg11[%get3A_171, %get3A_172] {strides = array<i32>} : memref<64x256xf32, #tpu.memory_space<vmem>>, vector<1x16xf32>,
      %get3A_174 = vector.shape_cast %get3A_173 : vector<1x16xf32> to vector<16xf32>
      %sub3A_175 = arith.subf %get3A_170, %get3A_174 : vector<16xf32>
      %mul3A_176 = arith.mulf %sub3A_175, %get3A_88 : vector<16xf32>
      %get3A_177 = arith.index_cast %scan3A_84 : i32 to index
      %get3A_178 = arith.constant 64 : index
      %get3A_179 = tpu.vector_load %arg13[%get3A_177, %get3A_178] {strides = array<i32>} : memref<64x256xf32, #tpu.memory_space<vmem>>, vector<1x16xf32>,
      %get3A_180 = vector.shape_cast %get3A_179 : vector<1x16xf32> to vector<16xf32>
      %add3A_181 = arith.addf %mul3A_176, %get3A_180 : vector<16xf32>
      %swap3A_182 = arith.index_cast %scan3A_84 : i32 to index
      %swap3A_183 = arith.constant 64 : index
      %swap3A_184 = tpu.vector_load %arg10[%swap3A_182, %swap3A_183] {strides = array<i32>} : memref<64x256xf32, #tpu.memory_space<vmem>>, vector<1x16xf32>,
      %swap3A_185 = vector.shape_cast %swap3A_184 : vector<1x16xf32> to vector<16xf32>
      %swap3A_186 = vector.shape_cast %add3A_181 : vector<16xf32> to vector<1x16xf32>
      tpu.vector_store %arg10[%swap3A_182, %swap3A_183], %swap3A_186 {strides = array<i32>} : memref<64x256xf32, #tpu.memory_space<vmem>>, vector<1x16xf32>,
      %get3A_187 = arith.index_cast %scan3A_84 : i32 to index
      %get3A_188 = arith.constant 80 : index
      %get3A_189 = tpu.vector_load %arg10[%get3A_187, %get3A_188] {strides = array<i32>} : memref<64x256xf32, #tpu.memory_space<vmem>>, vector<1x16xf32>,
      %get3A_190 = vector.shape_cast %get3A_189 : vector<1x16xf32> to vector<16xf32>
      %get3A_191 = arith.index_cast %scan3A_84 : i32 to index
      %get3A_192 = arith.constant 80 : index
      %get3A_193 = tpu.vector_load %arg11[%get3A_191, %get3A_192] {strides = array<i32>} : memref<64x256xf32, #tpu.memory_space<vmem>>, vector<1x16xf32>,
      %get3A_194 = vector.shape_cast %get3A_193 : vector<1x16xf32> to vector<16xf32>
      %sub3A_195 = arith.subf %get3A_190, %get3A_194 : vector<16xf32>
      %mul3A_196 = arith.mulf %sub3A_195, %get3A_88 : vector<16xf32>
      %get3A_197 = arith.index_cast %scan3A_84 : i32 to index
      %get3A_198 = arith.constant 80 : index
      %get3A_199 = tpu.vector_load %arg13[%get3A_197, %get3A_198] {strides = array<i32>} : memref<64x256xf32, #tpu.memory_space<vmem>>, vector<1x16xf32>,
      %get3A_200 = vector.shape_cast %get3A_199 : vector<1x16xf32> to vector<16xf32>
      %add3A_201 = arith.addf %mul3A_196, %get3A_200 : vector<16xf32>
      %swap3A_202 = arith.index_cast %scan3A_84 : i32 to index
      %swap3A_203 = arith.constant 80 : index
      %swap3A_204 = tpu.vector_load %arg10[%swap3A_202, %swap3A_203] {strides = array<i32>} : memref<64x256xf32, #tpu.memory_space<vmem>>, vector<1x16xf32>,
      %swap3A_205 = vector.shape_cast %swap3A_204 : vector<1x16xf32> to vector<16xf32>
      %swap3A_206 = vector.shape_cast %add3A_201 : vector<16xf32> to vector<1x16xf32>
      tpu.vector_store %arg10[%swap3A_202, %swap3A_203], %swap3A_206 {strides = array<i32>} : memref<64x256xf32, #tpu.memory_space<vmem>>, vector<1x16xf32>,
      %get3A_207 = arith.index_cast %scan3A_84 : i32 to index
      %get3A_208 = arith.constant 96 : index
      %get3A_209 = tpu.vector_load %arg10[%get3A_207, %get3A_208] {strides = array<i32>} : memref<64x256xf32, #tpu.memory_space<vmem>>, vector<1x16xf32>,
      %get3A_210 = vector.shape_cast %get3A_209 : vector<1x16xf32> to vector<16xf32>
      %get3A_211 = arith.index_cast %scan3A_84 : i32 to index
      %get3A_212 = arith.constant 96 : index
      %get3A_213 = tpu.vector_load %arg11[%get3A_211, %get3A_212] {strides = array<i32>} : memref<64x256xf32, #tpu.memory_space<vmem>>, vector<1x16xf32>,
      %get3A_214 = vector.shape_cast %get3A_213 : vector<1x16xf32> to vector<16xf32>
      %sub3A_215 = arith.subf %get3A_210, %get3A_214 : vector<16xf32>
      %mul3A_216 = arith.mulf %sub3A_215, %get3A_88 : vector<16xf32>
      %get3A_217 = arith.index_cast %scan3A_84 : i32 to index
      %get3A_218 = arith.constant 96 : index
      %get3A_219 = tpu.vector_load %arg13[%get3A_217, %get3A_218] {strides = array<i32>} : memref<64x256xf32, #tpu.memory_space<vmem>>, vector<1x16xf32>,
      %get3A_220 = vector.shape_cast %get3A_219 : vector<1x16xf32> to vector<16xf32>
      %add3A_221 = arith.addf %mul3A_216, %get3A_220 : vector<16xf32>
      %swap3A_222 = arith.index_cast %scan3A_84 : i32 to index
      %swap3A_223 = arith.constant 96 : index
      %swap3A_224 = tpu.vector_load %arg10[%swap3A_222, %swap3A_223] {strides = array<i32>} : memref<64x256xf32, #tpu.memory_space<vmem>>, vector<1x16xf32>,
      %swap3A_225 = vector.shape_cast %swap3A_224 : vector<1x16xf32> to vector<16xf32>
      %swap3A_226 = vector.shape_cast %add3A_221 : vector<16xf32> to vector<1x16xf32>
      tpu.vector_store %arg10[%swap3A_222, %swap3A_223], %swap3A_226 {strides = array<i32>} : memref<64x256xf32, #tpu.memory_space<vmem>>, vector<1x16xf32>,
      %get3A_227 = arith.index_cast %scan3A_84 : i32 to index
      %get3A_228 = arith.constant 112 : index
      %get3A_229 = tpu.vector_load %arg10[%get3A_227, %get3A_228] {strides = array<i32>} : memref<64x256xf32, #tpu.memory_space<vmem>>, vector<1x16xf32>,
      %get3A_230 = vector.shape_cast %get3A_229 : vector<1x16xf32> to vector<16xf32>
      %get3A_231 = arith.index_cast %scan3A_84 : i32 to index
      %get3A_232 = arith.constant 112 : index
      %get3A_233 = tpu.vector_load %arg11[%get3A_231, %get3A_232] {strides = array<i32>} : memref<64x256xf32, #tpu.memory_space<vmem>>, vector<1x16xf32>,
      %get3A_234 = vector.shape_cast %get3A_233 : vector<1x16xf32> to vector<16xf32>
      %sub3A_235 = arith.subf %get3A_230, %get3A_234 : vector<16xf32>
      %mul3A_236 = arith.mulf %sub3A_235, %get3A_88 : vector<16xf32>
      %get3A_237 = arith.index_cast %scan3A_84 : i32 to index
      %get3A_238 = arith.constant 112 : index
      %get3A_239 = tpu.vector_load %arg13[%get3A_237, %get3A_238] {strides = array<i32>} : memref<64x256xf32, #tpu.memory_space<vmem>>, vector<1x16xf32>,
      %get3A_240 = vector.shape_cast %get3A_239 : vector<1x16xf32> to vector<16xf32>
      %add3A_241 = arith.addf %mul3A_236, %get3A_240 : vector<16xf32>
      %swap3A_242 = arith.index_cast %scan3A_84 : i32 to index
      %swap3A_243 = arith.constant 112 : index
      %swap3A_244 = tpu.vector_load %arg10[%swap3A_242, %swap3A_243] {strides = array<i32>} : memref<64x256xf32, #tpu.memory_space<vmem>>, vector<1x16xf32>,
      %swap3A_245 = vector.shape_cast %swap3A_244 : vector<1x16xf32> to vector<16xf32>
      %swap3A_246 = vector.shape_cast %add3A_241 : vector<16xf32> to vector<1x16xf32>
      tpu.vector_store %arg10[%swap3A_242, %swap3A_243], %swap3A_246 {strides = array<i32>} : memref<64x256xf32, #tpu.memory_space<vmem>>, vector<1x16xf32>,
      %get3A_247 = arith.index_cast %scan3A_84 : i32 to index
      %get3A_248 = arith.constant 128 : index
      %get3A_249 = tpu.vector_load %arg10[%get3A_247, %get3A_248] {strides = array<i32>} : memref<64x256xf32, #tpu.memory_space<vmem>>, vector<1x16xf32>,
      %get3A_250 = vector.shape_cast %get3A_249 : vector<1x16xf32> to vector<16xf32>
      %get3A_251 = arith.index_cast %scan3A_84 : i32 to index
      %get3A_252 = arith.constant 128 : index
      %get3A_253 = tpu.vector_load %arg11[%get3A_251, %get3A_252] {strides = array<i32>} : memref<64x256xf32, #tpu.memory_space<vmem>>, vector<1x16xf32>,
      %get3A_254 = vector.shape_cast %get3A_253 : vector<1x16xf32> to vector<16xf32>
      %sub3A_255 = arith.subf %get3A_250, %get3A_254 : vector<16xf32>
      %mul3A_256 = arith.mulf %sub3A_255, %get3A_88 : vector<16xf32>
      %get3A_257 = arith.index_cast %scan3A_84 : i32 to index
      %get3A_258 = arith.constant 128 : index
      %get3A_259 = tpu.vector_load %arg13[%get3A_257, %get3A_258] {strides = array<i32>} : memref<64x256xf32, #tpu.memory_space<vmem>>, vector<1x16xf32>,
      %get3A_260 = vector.shape_cast %get3A_259 : vector<1x16xf32> to vector<16xf32>
      %add3A_261 = arith.addf %mul3A_256, %get3A_260 : vector<16xf32>
      %swap3A_262 = arith.index_cast %scan3A_84 : i32 to index
      %swap3A_263 = arith.constant 128 : index
      %swap3A_264 = tpu.vector_load %arg10[%swap3A_262, %swap3A_263] {strides = array<i32>} : memref<64x256xf32, #tpu.memory_space<vmem>>, vector<1x16xf32>,
      %swap3A_265 = vector.shape_cast %swap3A_264 : vector<1x16xf32> to vector<16xf32>
      %swap3A_266 = vector.shape_cast %add3A_261 : vector<16xf32> to vector<1x16xf32>
      tpu.vector_store %arg10[%swap3A_262, %swap3A_263], %swap3A_266 {strides = array<i32>} : memref<64x256xf32, #tpu.memory_space<vmem>>, vector<1x16xf32>,
      %get3A_267 = arith.index_cast %scan3A_84 : i32 to index
      %get3A_268 = arith.constant 144 : index
      %get3A_269 = tpu.vector_load %arg10[%get3A_267, %get3A_268] {strides = array<i32>} : memref<64x256xf32, #tpu.memory_space<vmem>>, vector<1x16xf32>,
      %get3A_270 = vector.shape_cast %get3A_269 : vector<1x16xf32> to vector<16xf32>
      %get3A_271 = arith.index_cast %scan3A_84 : i32 to index
      %get3A_272 = arith.constant 144 : index
      %get3A_273 = tpu.vector_load %arg11[%get3A_271, %get3A_272] {strides = array<i32>} : memref<64x256xf32, #tpu.memory_space<vmem>>, vector<1x16xf32>,
      %get3A_274 = vector.shape_cast %get3A_273 : vector<1x16xf32> to vector<16xf32>
      %sub3A_275 = arith.subf %get3A_270, %get3A_274 : vector<16xf32>
      %mul3A_276 = arith.mulf %sub3A_275, %get3A_88 : vector<16xf32>
      %get3A_277 = arith.index_cast %scan3A_84 : i32 to index
      %get3A_278 = arith.constant 144 : index
      %get3A_279 = tpu.vector_load %arg13[%get3A_277, %get3A_278] {strides = array<i32>} : memref<64x256xf32, #tpu.memory_space<vmem>>, vector<1x16xf32>,
      %get3A_280 = vector.shape_cast %get3A_279 : vector<1x16xf32> to vector<16xf32>
      %add3A_281 = arith.addf %mul3A_276, %get3A_280 : vector<16xf32>
      %swap3A_282 = arith.index_cast %scan3A_84 : i32 to index
      %swap3A_283 = arith.constant 144 : index
      %swap3A_284 = tpu.vector_load %arg10[%swap3A_282, %swap3A_283] {strides = array<i32>} : memref<64x256xf32, #tpu.memory_space<vmem>>, vector<1x16xf32>,
      %swap3A_285 = vector.shape_cast %swap3A_284 : vector<1x16xf32> to vector<16xf32>
      %swap3A_286 = vector.shape_cast %add3A_281 : vector<16xf32> to vector<1x16xf32>
      tpu.vector_store %arg10[%swap3A_282, %swap3A_283], %swap3A_286 {strides = array<i32>} : memref<64x256xf32, #tpu.memory_space<vmem>>, vector<1x16xf32>,
      %get3A_287 = arith.index_cast %scan3A_84 : i32 to index
      %get3A_288 = arith.constant 160 : index
      %get3A_289 = tpu.vector_load %arg10[%get3A_287, %get3A_288] {strides = array<i32>} : memref<64x256xf32, #tpu.memory_space<vmem>>, vector<1x16xf32>,
      %get3A_290 = vector.shape_cast %get3A_289 : vector<1x16xf32> to vector<16xf32>
      %get3A_291 = arith.index_cast %scan3A_84 : i32 to index
      %get3A_292 = arith.constant 160 : index
      %get3A_293 = tpu.vector_load %arg11[%get3A_291, %get3A_292] {strides = array<i32>} : memref<64x256xf32, #tpu.memory_space<vmem>>, vector<1x16xf32>,
      %get3A_294 = vector.shape_cast %get3A_293 : vector<1x16xf32> to vector<16xf32>
      %sub3A_295 = arith.subf %get3A_290, %get3A_294 : vector<16xf32>
      %mul3A_296 = arith.mulf %sub3A_295, %get3A_88 : vector<16xf32>
      %get3A_297 = arith.index_cast %scan3A_84 : i32 to index
      %get3A_298 = arith.constant 160 : index
      %get3A_299 = tpu.vector_load %arg13[%get3A_297, %get3A_298] {strides = array<i32>} : memref<64x256xf32, #tpu.memory_space<vmem>>, vector<1x16xf32>,
      %get3A_300 = vector.shape_cast %get3A_299 : vector<1x16xf32> to vector<16xf32>
      %add3A_301 = arith.addf %mul3A_296, %get3A_300 : vector<16xf32>
      %swap3A_302 = arith.index_cast %scan3A_84 : i32 to index
      %swap3A_303 = arith.constant 160 : index
      %swap3A_304 = tpu.vector_load %arg10[%swap3A_302, %swap3A_303] {strides = array<i32>} : memref<64x256xf32, #tpu.memory_space<vmem>>, vector<1x16xf32>,
      %swap3A_305 = vector.shape_cast %swap3A_304 : vector<1x16xf32> to vector<16xf32>
      %swap3A_306 = vector.shape_cast %add3A_301 : vector<16xf32> to vector<1x16xf32>
      tpu.vector_store %arg10[%swap3A_302, %swap3A_303], %swap3A_306 {strides = array<i32>} : memref<64x256xf32, #tpu.memory_space<vmem>>, vector<1x16xf32>,
      %get3A_307 = arith.index_cast %scan3A_84 : i32 to index
      %get3A_308 = arith.constant 176 : index
      %get3A_309 = tpu.vector_load %arg10[%get3A_307, %get3A_308] {strides = array<i32>} : memref<64x256xf32, #tpu.memory_space<vmem>>, vector<1x16xf32>,
      %get3A_310 = vector.shape_cast %get3A_309 : vector<1x16xf32> to vector<16xf32>
      %get3A_311 = arith.index_cast %scan3A_84 : i32 to index
      %get3A_312 = arith.constant 176 : index
      %get3A_313 = tpu.vector_load %arg11[%get3A_311, %get3A_312] {strides = array<i32>} : memref<64x256xf32, #tpu.memory_space<vmem>>, vector<1x16xf32>,
      %get3A_314 = vector.shape_cast %get3A_313 : vector<1x16xf32> to vector<16xf32>
      %sub3A_315 = arith.subf %get3A_310, %get3A_314 : vector<16xf32>
      %mul3A_316 = arith.mulf %sub3A_315, %get3A_88 : vector<16xf32>
      %get3A_317 = arith.index_cast %scan3A_84 : i32 to index
      %get3A_318 = arith.constant 176 : index
      %get3A_319 = tpu.vector_load %arg13[%get3A_317, %get3A_318] {strides = array<i32>} : memref<64x256xf32, #tpu.memory_space<vmem>>, vector<1x16xf32>,
      %get3A_320 = vector.shape_cast %get3A_319 : vector<1x16xf32> to vector<16xf32>
      %add3A_321 = arith.addf %mul3A_316, %get3A_320 : vector<16xf32>
      %swap3A_322 = arith.index_cast %scan3A_84 : i32 to index
      %swap3A_323 = arith.constant 176 : index
      %swap3A_324 = tpu.vector_load %arg10[%swap3A_322, %swap3A_323] {strides = array<i32>} : memref<64x256xf32, #tpu.memory_space<vmem>>, vector<1x16xf32>,
      %swap3A_325 = vector.shape_cast %swap3A_324 : vector<1x16xf32> to vector<16xf32>
      %swap3A_326 = vector.shape_cast %add3A_321 : vector<16xf32> to vector<1x16xf32>
      tpu.vector_store %arg10[%swap3A_322, %swap3A_323], %swap3A_326 {strides = array<i32>} : memref<64x256xf32, #tpu.memory_space<vmem>>, vector<1x16xf32>,
      %get3A_327 = arith.index_cast %scan3A_84 : i32 to index
      %get3A_328 = arith.constant 192 : index
      %get3A_329 = tpu.vector_load %arg10[%get3A_327, %get3A_328] {strides = array<i32>} : memref<64x256xf32, #tpu.memory_space<vmem>>, vector<1x16xf32>,
      %get3A_330 = vector.shape_cast %get3A_329 : vector<1x16xf32> to vector<16xf32>
      %get3A_331 = arith.index_cast %scan3A_84 : i32 to index
      %get3A_332 = arith.constant 192 : index
      %get3A_333 = tpu.vector_load %arg11[%get3A_331, %get3A_332] {strides = array<i32>} : memref<64x256xf32, #tpu.memory_space<vmem>>, vector<1x16xf32>,
      %get3A_334 = vector.shape_cast %get3A_333 : vector<1x16xf32> to vector<16xf32>
      %sub3A_335 = arith.subf %get3A_330, %get3A_334 : vector<16xf32>
      %mul3A_336 = arith.mulf %sub3A_335, %get3A_88 : vector<16xf32>
      %get3A_337 = arith.index_cast %scan3A_84 : i32 to index
      %get3A_338 = arith.constant 192 : index
      %get3A_339 = tpu.vector_load %arg13[%get3A_337, %get3A_338] {strides = array<i32>} : memref<64x256xf32, #tpu.memory_space<vmem>>, vector<1x16xf32>,
      %get3A_340 = vector.shape_cast %get3A_339 : vector<1x16xf32> to vector<16xf32>
      %add3A_341 = arith.addf %mul3A_336, %get3A_340 : vector<16xf32>
      %swap3A_342 = arith.index_cast %scan3A_84 : i32 to index
      %swap3A_343 = arith.constant 192 : index
      %swap3A_344 = tpu.vector_load %arg10[%swap3A_342, %swap3A_343] {strides = array<i32>} : memref<64x256xf32, #tpu.memory_space<vmem>>, vector<1x16xf32>,
      %swap3A_345 = vector.shape_cast %swap3A_344 : vector<1x16xf32> to vector<16xf32>
      %swap3A_346 = vector.shape_cast %add3A_341 : vector<16xf32> to vector<1x16xf32>
      tpu.vector_store %arg10[%swap3A_342, %swap3A_343], %swap3A_346 {strides = array<i32>} : memref<64x256xf32, #tpu.memory_space<vmem>>, vector<1x16xf32>,
      %get3A_347 = arith.index_cast %scan3A_84 : i32 to index
      %get3A_348 = arith.constant 208 : index
      %get3A_349 = tpu.vector_load %arg10[%get3A_347, %get3A_348] {strides = array<i32>} : memref<64x256xf32, #tpu.memory_space<vmem>>, vector<1x16xf32>,
      %get3A_350 = vector.shape_cast %get3A_349 : vector<1x16xf32> to vector<16xf32>
      %get3A_351 = arith.index_cast %scan3A_84 : i32 to index
      %get3A_352 = arith.constant 208 : index
      %get3A_353 = tpu.vector_load %arg11[%get3A_351, %get3A_352] {strides = array<i32>} : memref<64x256xf32, #tpu.memory_space<vmem>>, vector<1x16xf32>,
      %get3A_354 = vector.shape_cast %get3A_353 : vector<1x16xf32> to vector<16xf32>
      %sub3A_355 = arith.subf %get3A_350, %get3A_354 : vector<16xf32>
      %mul3A_356 = arith.mulf %sub3A_355, %get3A_88 : vector<16xf32>
      %get3A_357 = arith.index_cast %scan3A_84 : i32 to index
      %get3A_358 = arith.constant 208 : index
      %get3A_359 = tpu.vector_load %arg13[%get3A_357, %get3A_358] {strides = array<i32>} : memref<64x256xf32, #tpu.memory_space<vmem>>, vector<1x16xf32>,
      %get3A_360 = vector.shape_cast %get3A_359 : vector<1x16xf32> to vector<16xf32>
      %add3A_361 = arith.addf %mul3A_356, %get3A_360 : vector<16xf32>
      %swap3A_362 = arith.index_cast %scan3A_84 : i32 to index
      %swap3A_363 = arith.constant 208 : index
      %swap3A_364 = tpu.vector_load %arg10[%swap3A_362, %swap3A_363] {strides = array<i32>} : memref<64x256xf32, #tpu.memory_space<vmem>>, vector<1x16xf32>,
      %swap3A_365 = vector.shape_cast %swap3A_364 : vector<1x16xf32> to vector<16xf32>
      %swap3A_366 = vector.shape_cast %add3A_361 : vector<16xf32> to vector<1x16xf32>
      tpu.vector_store %arg10[%swap3A_362, %swap3A_363], %swap3A_366 {strides = array<i32>} : memref<64x256xf32, #tpu.memory_space<vmem>>, vector<1x16xf32>,
      %get3A_367 = arith.index_cast %scan3A_84 : i32 to index
      %get3A_368 = arith.constant 224 : index
      %get3A_369 = tpu.vector_load %arg10[%get3A_367, %get3A_368] {strides = array<i32>} : memref<64x256xf32, #tpu.memory_space<vmem>>, vector<1x16xf32>,
      %get3A_370 = vector.shape_cast %get3A_369 : vector<1x16xf32> to vector<16xf32>
      %get3A_371 = arith.index_cast %scan3A_84 : i32 to index
      %get3A_372 = arith.constant 224 : index
      %get3A_373 = tpu.vector_load %arg11[%get3A_371, %get3A_372] {strides = array<i32>} : memref<64x256xf32, #tpu.memory_space<vmem>>, vector<1x16xf32>,
      %get3A_374 = vector.shape_cast %get3A_373 : vector<1x16xf32> to vector<16xf32>
      %sub3A_375 = arith.subf %get3A_370, %get3A_374 : vector<16xf32>
      %mul3A_376 = arith.mulf %sub3A_375, %get3A_88 : vector<16xf32>
      %get3A_377 = arith.index_cast %scan3A_84 : i32 to index
      %get3A_378 = arith.constant 224 : index
      %get3A_379 = tpu.vector_load %arg13[%get3A_377, %get3A_378] {strides = array<i32>} : memref<64x256xf32, #tpu.memory_space<vmem>>, vector<1x16xf32>,
      %get3A_380 = vector.shape_cast %get3A_379 : vector<1x16xf32> to vector<16xf32>
      %add3A_381 = arith.addf %mul3A_376, %get3A_380 : vector<16xf32>
      %swap3A_382 = arith.index_cast %scan3A_84 : i32 to index
      %swap3A_383 = arith.constant 224 : index
      %swap3A_384 = tpu.vector_load %arg10[%swap3A_382, %swap3A_383] {strides = array<i32>} : memref<64x256xf32, #tpu.memory_space<vmem>>, vector<1x16xf32>,
      %swap3A_385 = vector.shape_cast %swap3A_384 : vector<1x16xf32> to vector<16xf32>
      %swap3A_386 = vector.shape_cast %add3A_381 : vector<16xf32> to vector<1x16xf32>
      tpu.vector_store %arg10[%swap3A_382, %swap3A_383], %swap3A_386 {strides = array<i32>} : memref<64x256xf32, #tpu.memory_space<vmem>>, vector<1x16xf32>,
      %get3A_387 = arith.index_cast %scan3A_84 : i32 to index
      %get3A_388 = arith.constant 240 : index
      %get3A_389 = tpu.vector_load %arg10[%get3A_387, %get3A_388] {strides = array<i32>} : memref<64x256xf32, #tpu.memory_space<vmem>>, vector<1x16xf32>,
      %get3A_390 = vector.shape_cast %get3A_389 : vector<1x16xf32> to vector<16xf32>
      %get3A_391 = arith.index_cast %scan3A_84 : i32 to index
      %get3A_392 = arith.constant 240 : index
      %get3A_393 = tpu.vector_load %arg11[%get3A_391, %get3A_392] {strides = array<i32>} : memref<64x256xf32, #tpu.memory_space<vmem>>, vector<1x16xf32>,
      %get3A_394 = vector.shape_cast %get3A_393 : vector<1x16xf32> to vector<16xf32>
      %sub3A_395 = arith.subf %get3A_390, %get3A_394 : vector<16xf32>
      %mul3A_396 = arith.mulf %sub3A_395, %get3A_88 : vector<16xf32>
      %get3A_397 = arith.index_cast %scan3A_84 : i32 to index
      %get3A_398 = arith.constant 240 : index
      %get3A_399 = tpu.vector_load %arg13[%get3A_397, %get3A_398] {strides = array<i32>} : memref<64x256xf32, #tpu.memory_space<vmem>>, vector<1x16xf32>,
      %get3A_400 = vector.shape_cast %get3A_399 : vector<1x16xf32> to vector<16xf32>
      %add3A_401 = arith.addf %mul3A_396, %get3A_400 : vector<16xf32>
      %swap3A_402 = arith.index_cast %scan3A_84 : i32 to index
      %swap3A_403 = arith.constant 240 : index
      %swap3A_404 = tpu.vector_load %arg10[%swap3A_402, %swap3A_403] {strides = array<i32>} : memref<64x256xf32, #tpu.memory_space<vmem>>, vector<1x16xf32>,
      %swap3A_405 = vector.shape_cast %swap3A_404 : vector<1x16xf32> to vector<16xf32>
      %swap3A_406 = vector.shape_cast %add3A_401 : vector<16xf32> to vector<1x16xf32>
      tpu.vector_store %arg10[%swap3A_402, %swap3A_403], %swap3A_406 {strides = array<i32>} : memref<64x256xf32, #tpu.memory_space<vmem>>, vector<1x16xf32>,
      %scan3A_407 = arith.constant 0 : i32
      scf.yield %scan3A_407 : i32
    }
    %scan3A_20 = arith.constant 64 : i32
    "tpu.region"() ({
      %run_scoped3A = tpu.sem_alloc : memref<!tpu.dma_semaphore, #tpu.memory_space<semaphore_mem>>
      %dma_start3A_84 = arith.constant 0 : i32
      %dma_start3A_85 = tpu.memref_slice %arg7[%add3A_4, %dma_start3A_84] : memref<8192x256xf32, #tpu.memory_space<hbm>> -> memref<64x256xf32, #tpu.memory_space<hbm>>
      %dma_start3A_86 = arith.constant 0 : i32
      %dma_start3A_87 = tpu.memref_slice %arg7[%add3A_4, %dma_start3A_86] : memref<8192x256xf32, #tpu.memory_space<hbm>> -> memref<64x256xf32, #tpu.memory_space<hbm>>
      tpu.enqueue_dma source(%arg10 : memref<64x256xf32, #tpu.memory_space<vmem>>) target(%dma_start3A_87 : memref<64x256xf32, #tpu.memory_space<hbm>>) target_semaphore(%run_scoped3A : memref<!tpu.dma_semaphore, #tpu.memory_space<semaphore_mem>>)
      %dma_wait3A_88 = arith.constant 0 : i32
      %dma_wait3A_89 = tpu.memref_slice %arg7[%add3A_4, %dma_wait3A_88] : memref<8192x256xf32, #tpu.memory_space<hbm>> -> memref<64x256xf32, #tpu.memory_space<hbm>>
      %dma_wait3A_90 = arith.constant 0 : i32
      %dma_wait3A_91 = tpu.memref_slice %arg7[%add3A_4, %dma_wait3A_90] : memref<8192x256xf32, #tpu.memory_space<hbm>> -> memref<64x256xf32, #tpu.memory_space<hbm>>
      tpu.wait_dma2 semaphore(%run_scoped3A : memref<!tpu.dma_semaphore, #tpu.memory_space<semaphore_mem>>) src(%arg10 : memref<64x256xf32, #tpu.memory_space<vmem>>) dst(%dma_wait3A_91 : memref<64x256xf32, #tpu.memory_space<hbm>>)
      tpu.yield
    }) : () -> ()
    %add3A_21 = arith.constant 64 : i32
    %add3A_22 = arith.addi %mul3A_2, %add3A_21 : i32
    "tpu.region"() ({
      %run_scoped3A = tpu.sem_alloc : memref<!tpu.dma_semaphore, #tpu.memory_space<semaphore_mem>>
      %dma_start3A_84 = tpu.memref_slice %arg3[%add3A_22] : memref<8192xi32, #tpu.memory_space<hbm>> -> memref<64xi32, #tpu.memory_space<hbm>>
      %dma_start3A_85 = tpu.memref_slice %arg3[%add3A_22] : memref<8192xi32, #tpu.memory_space<hbm>> -> memref<64xi32, #tpu.memory_space<hbm>>
      tpu.enqueue_dma source(%dma_start3A_85 : memref<64xi32, #tpu.memory_space<hbm>>) target(%arg8 : memref<64xi32, #tpu.memory_space<vmem>>) target_semaphore(%run_scoped3A : memref<!tpu.dma_semaphore, #tpu.memory_space<semaphore_mem>>)
      %dma_wait3A_86 = tpu.memref_slice %arg3[%add3A_22] : memref<8192xi32, #tpu.memory_space<hbm>> -> memref<64xi32, #tpu.memory_space<hbm>>
      %dma_wait3A_87 = tpu.memref_slice %arg3[%add3A_22] : memref<8192xi32, #tpu.memory_space<hbm>> -> memref<64xi32, #tpu.memory_space<hbm>>
      tpu.wait_dma2 semaphore(%run_scoped3A : memref<!tpu.dma_semaphore, #tpu.memory_space<semaphore_mem>>) src(%dma_wait3A_87 : memref<64xi32, #tpu.memory_space<hbm>>) dst(%arg8 : memref<64xi32, #tpu.memory_space<vmem>>)
      tpu.yield
    }) : () -> ()
    "tpu.region"() ({
      %run_scoped3A = tpu.sem_alloc : memref<!tpu.dma_semaphore, #tpu.memory_space<semaphore_mem>>
      %dma_start3A_84 = tpu.memref_slice %arg4[%add3A_22] : memref<8192xi32, #tpu.memory_space<hbm>> -> memref<64xi32, #tpu.memory_space<hbm>>
      %dma_start3A_85 = tpu.memref_slice %arg4[%add3A_22] : memref<8192xi32, #tpu.memory_space<hbm>> -> memref<64xi32, #tpu.memory_space<hbm>>
      tpu.enqueue_dma source(%dma_start3A_85 : memref<64xi32, #tpu.memory_space<hbm>>) target(%arg9 : memref<64xi32, #tpu.memory_space<vmem>>) target_semaphore(%run_scoped3A : memref<!tpu.dma_semaphore, #tpu.memory_space<semaphore_mem>>)
      %dma_wait3A_86 = tpu.memref_slice %arg4[%add3A_22] : memref<8192xi32, #tpu.memory_space<hbm>> -> memref<64xi32, #tpu.memory_space<hbm>>
      %dma_wait3A_87 = tpu.memref_slice %arg4[%add3A_22] : memref<8192xi32, #tpu.memory_space<hbm>> -> memref<64xi32, #tpu.memory_space<hbm>>
      tpu.wait_dma2 semaphore(%run_scoped3A : memref<!tpu.dma_semaphore, #tpu.memory_space<semaphore_mem>>) src(%dma_wait3A_87 : memref<64xi32, #tpu.memory_space<hbm>>) dst(%arg9 : memref<64xi32, #tpu.memory_space<vmem>>)
      tpu.yield
    }) : () -> ()
    "tpu.region"() ({
      %run_scoped3A = tpu.sem_alloc : memref<!tpu.dma_semaphore, #tpu.memory_space<semaphore_mem>>
      %dma_start3A_84 = arith.constant 0 : i32
      %dma_start3A_85 = tpu.memref_slice %arg5[%add3A_22, %dma_start3A_84] : memref<8192x16xf32, #tpu.memory_space<hbm>> -> memref<64x16xf32, #tpu.memory_space<hbm>>
      %dma_start3A_86 = arith.constant 0 : i32
      %dma_start3A_87 = tpu.memref_slice %arg5[%add3A_22, %dma_start3A_86] : memref<8192x16xf32, #tpu.memory_space<hbm>> -> memref<64x16xf32, #tpu.memory_space<hbm>>
      tpu.enqueue_dma source(%dma_start3A_87 : memref<64x16xf32, #tpu.memory_space<hbm>>) target(%arg12 : memref<64x16xf32, #tpu.memory_space<vmem>>) target_semaphore(%run_scoped3A : memref<!tpu.dma_semaphore, #tpu.memory_space<semaphore_mem>>)
      %dma_wait3A_88 = arith.constant 0 : i32
      %dma_wait3A_89 = tpu.memref_slice %arg5[%add3A_22, %dma_wait3A_88] : memref<8192x16xf32, #tpu.memory_space<hbm>> -> memref<64x16xf32, #tpu.memory_space<hbm>>
      %dma_wait3A_90 = arith.constant 0 : i32
      %dma_wait3A_91 = tpu.memref_slice %arg5[%add3A_22, %dma_wait3A_90] : memref<8192x16xf32, #tpu.memory_space<hbm>> -> memref<64x16xf32, #tpu.memory_space<hbm>>
      tpu.wait_dma2 semaphore(%run_scoped3A : memref<!tpu.dma_semaphore, #tpu.memory_space<semaphore_mem>>) src(%dma_wait3A_91 : memref<64x16xf32, #tpu.memory_space<hbm>>) dst(%arg12 : memref<64x16xf32, #tpu.memory_space<vmem>>)
      tpu.yield
    }) : () -> ()
    "tpu.region"() ({
      %run_scoped3A = tpu.sem_alloc : memref<!tpu.dma_semaphore, #tpu.memory_space<semaphore_mem>>
      %dma_start3A_84 = arith.constant 0 : i32
      %dma_start3A_85 = tpu.memref_slice %arg6[%add3A_22, %dma_start3A_84] : memref<8192x256xf32, #tpu.memory_space<hbm>> -> memref<64x256xf32, #tpu.memory_space<hbm>>
      %dma_start3A_86 = arith.constant 0 : i32
      %dma_start3A_87 = tpu.memref_slice %arg6[%add3A_22, %dma_start3A_86] : memref<8192x256xf32, #tpu.memory_space<hbm>> -> memref<64x256xf32, #tpu.memory_space<hbm>>
      tpu.enqueue_dma source(%dma_start3A_87 : memref<64x256xf32, #tpu.memory_space<hbm>>) target(%arg13 : memref<64x256xf32, #tpu.memory_space<vmem>>) target_semaphore(%run_scoped3A : memref<!tpu.dma_semaphore, #tpu.memory_space<semaphore_mem>>)
      %dma_wait3A_88 = arith.constant 0 : i32
      %dma_wait3A_89 = tpu.memref_slice %arg6[%add3A_22, %dma_wait3A_88] : memref<8192x256xf32, #tpu.memory_space<hbm>> -> memref<64x256xf32, #tpu.memory_space<hbm>>
      %dma_wait3A_90 = arith.constant 0 : i32
      %dma_wait3A_91 = tpu.memref_slice %arg6[%add3A_22, %dma_wait3A_90] : memref<8192x256xf32, #tpu.memory_space<hbm>> -> memref<64x256xf32, #tpu.memory_space<hbm>>
      tpu.wait_dma2 semaphore(%run_scoped3A : memref<!tpu.dma_semaphore, #tpu.memory_space<semaphore_mem>>) src(%dma_wait3A_91 : memref<64x256xf32, #tpu.memory_space<hbm>>) dst(%arg13 : memref<64x256xf32, #tpu.memory_space<vmem>>)
      tpu.yield
    }) : () -> ()
    %dma_start3A_23 = arith.constant 0 : i32
    %dma_start3A_24 = arith.constant 0 : i32
    %dma_start3A_25 = tpu.memref_slice %arg2[%dma_start3A_23, %dma_start3A_24] : memref<65664x256xf32, #tpu.memory_space<hbm>> -> memref<65664x256xf32, #tpu.memory_space<hbm>>
    tpu.enqueue_indirect_dma source(%dma_start3A_25 : memref<65664x256xf32, #tpu.memory_space<hbm>>) target(%arg10 : memref<64x256xf32, #tpu.memory_space<vmem>>) offsets(%arg8 : memref<64xi32, #tpu.memory_space<vmem>>) semaphore(%arg14 : memref<!tpu.dma_semaphore, #tpu.memory_space<semaphore_mem>>)
    %dma_wait3A_26 = arith.constant 0 : i32
    %dma_wait3A_27 = arith.constant 0 : i32
    %dma_wait3A_28 = tpu.memref_slice %arg2[%dma_wait3A_26, %dma_wait3A_27] : memref<65664x256xf32, #tpu.memory_space<hbm>> -> memref<65664x256xf32, #tpu.memory_space<hbm>>
    tpu.wait_indirect_dma semaphore(%arg14 : memref<!tpu.dma_semaphore, #tpu.memory_space<semaphore_mem>>) src(%dma_wait3A_28 : memref<65664x256xf32, #tpu.memory_space<hbm>>) dst(%arg10 : memref<64x256xf32, #tpu.memory_space<vmem>>)
    %dma_start3A_29 = arith.constant 0 : i32
    %dma_start3A_30 = arith.constant 0 : i32
    %dma_start3A_31 = tpu.memref_slice %arg2[%dma_start3A_29, %dma_start3A_30] : memref<65664x256xf32, #tpu.memory_space<hbm>> -> memref<65664x256xf32, #tpu.memory_space<hbm>>
    tpu.enqueue_indirect_dma source(%dma_start3A_31 : memref<65664x256xf32, #tpu.memory_space<hbm>>) target(%arg11 : memref<64x256xf32, #tpu.memory_space<vmem>>) offsets(%arg9 : memref<64xi32, #tpu.memory_space<vmem>>) semaphore(%arg15 : memref<!tpu.dma_semaphore, #tpu.memory_space<semaphore_mem>>)
    %dma_wait3A_32 = arith.constant 0 : i32
    %dma_wait3A_33 = arith.constant 0 : i32
    %dma_wait3A_34 = tpu.memref_slice %arg2[%dma_wait3A_32, %dma_wait3A_33] : memref<65664x256xf32, #tpu.memory_space<hbm>> -> memref<65664x256xf32, #tpu.memory_space<hbm>>
    tpu.wait_indirect_dma semaphore(%arg15 : memref<!tpu.dma_semaphore, #tpu.memory_space<semaphore_mem>>) src(%dma_wait3A_34 : memref<65664x256xf32, #tpu.memory_space<hbm>>) dst(%arg11 : memref<64x256xf32, #tpu.memory_space<vmem>>)
    %scan3A_35 = arith.constant 0 : i32
    %scan3A_36 = arith.constant 0 : i32
    %scan3A_37 = arith.constant 64 : i32
    %scan3A_38 = arith.addi %scan3A_36, %scan3A_37 : i32
    %scan3A_39 = arith.constant 1 : i32
    %scan3A_40 = scf.for %scan3A_84 = %scan3A_36 to %scan3A_38 step %scan3A_39 iter_args(%scan3A_85 = %scan3A_35) -> (i32)  : i32 {
      %get3A = arith.index_cast %scan3A_84 : i32 to index
      %get3A_86 = arith.constant 0 : index
      %get3A_87 = tpu.vector_load %arg12[%get3A, %get3A_86] {strides = array<i32>} : memref<64x16xf32, #tpu.memory_space<vmem>>, vector<1x16xf32>,
      %get3A_88 = vector.shape_cast %get3A_87 : vector<1x16xf32> to vector<16xf32>
      %get3A_89 = arith.index_cast %scan3A_84 : i32 to index
      %get3A_90 = arith.constant 0 : index
      %get3A_91 = tpu.vector_load %arg10[%get3A_89, %get3A_90] {strides = array<i32>} : memref<64x256xf32, #tpu.memory_space<vmem>>, vector<1x16xf32>,
      %get3A_92 = vector.shape_cast %get3A_91 : vector<1x16xf32> to vector<16xf32>
      %get3A_93 = arith.index_cast %scan3A_84 : i32 to index
      %get3A_94 = arith.constant 0 : index
      %get3A_95 = tpu.vector_load %arg11[%get3A_93, %get3A_94] {strides = array<i32>} : memref<64x256xf32, #tpu.memory_space<vmem>>, vector<1x16xf32>,
      %get3A_96 = vector.shape_cast %get3A_95 : vector<1x16xf32> to vector<16xf32>
      %sub3A = arith.subf %get3A_92, %get3A_96 : vector<16xf32>
      %mul3A_97 = arith.mulf %sub3A, %get3A_88 : vector<16xf32>
      %get3A_98 = arith.index_cast %scan3A_84 : i32 to index
      %get3A_99 = arith.constant 0 : index
      %get3A_100 = tpu.vector_load %arg13[%get3A_98, %get3A_99] {strides = array<i32>} : memref<64x256xf32, #tpu.memory_space<vmem>>, vector<1x16xf32>,
      %get3A_101 = vector.shape_cast %get3A_100 : vector<1x16xf32> to vector<16xf32>
      %add3A_102 = arith.addf %mul3A_97, %get3A_101 : vector<16xf32>
      %swap3A = arith.index_cast %scan3A_84 : i32 to index
      %swap3A_103 = arith.constant 0 : index
      %swap3A_104 = tpu.vector_load %arg10[%swap3A, %swap3A_103] {strides = array<i32>} : memref<64x256xf32, #tpu.memory_space<vmem>>, vector<1x16xf32>,
      %swap3A_105 = vector.shape_cast %swap3A_104 : vector<1x16xf32> to vector<16xf32>
      %swap3A_106 = vector.shape_cast %add3A_102 : vector<16xf32> to vector<1x16xf32>
      tpu.vector_store %arg10[%swap3A, %swap3A_103], %swap3A_106 {strides = array<i32>} : memref<64x256xf32, #tpu.memory_space<vmem>>, vector<1x16xf32>,
      %get3A_107 = arith.index_cast %scan3A_84 : i32 to index
      %get3A_108 = arith.constant 16 : index
      %get3A_109 = tpu.vector_load %arg10[%get3A_107, %get3A_108] {strides = array<i32>} : memref<64x256xf32, #tpu.memory_space<vmem>>, vector<1x16xf32>,
      %get3A_110 = vector.shape_cast %get3A_109 : vector<1x16xf32> to vector<16xf32>
      %get3A_111 = arith.index_cast %scan3A_84 : i32 to index
      %get3A_112 = arith.constant 16 : index
      %get3A_113 = tpu.vector_load %arg11[%get3A_111, %get3A_112] {strides = array<i32>} : memref<64x256xf32, #tpu.memory_space<vmem>>, vector<1x16xf32>,
      %get3A_114 = vector.shape_cast %get3A_113 : vector<1x16xf32> to vector<16xf32>
      %sub3A_115 = arith.subf %get3A_110, %get3A_114 : vector<16xf32>
      %mul3A_116 = arith.mulf %sub3A_115, %get3A_88 : vector<16xf32>
      %get3A_117 = arith.index_cast %scan3A_84 : i32 to index
      %get3A_118 = arith.constant 16 : index
      %get3A_119 = tpu.vector_load %arg13[%get3A_117, %get3A_118] {strides = array<i32>} : memref<64x256xf32, #tpu.memory_space<vmem>>, vector<1x16xf32>,
      %get3A_120 = vector.shape_cast %get3A_119 : vector<1x16xf32> to vector<16xf32>
      %add3A_121 = arith.addf %mul3A_116, %get3A_120 : vector<16xf32>
      %swap3A_122 = arith.index_cast %scan3A_84 : i32 to index
      %swap3A_123 = arith.constant 16 : index
      %swap3A_124 = tpu.vector_load %arg10[%swap3A_122, %swap3A_123] {strides = array<i32>} : memref<64x256xf32, #tpu.memory_space<vmem>>, vector<1x16xf32>,
      %swap3A_125 = vector.shape_cast %swap3A_124 : vector<1x16xf32> to vector<16xf32>
      %swap3A_126 = vector.shape_cast %add3A_121 : vector<16xf32> to vector<1x16xf32>
      tpu.vector_store %arg10[%swap3A_122, %swap3A_123], %swap3A_126 {strides = array<i32>} : memref<64x256xf32, #tpu.memory_space<vmem>>, vector<1x16xf32>,
      %get3A_127 = arith.index_cast %scan3A_84 : i32 to index
      %get3A_128 = arith.constant 32 : index
      %get3A_129 = tpu.vector_load %arg10[%get3A_127, %get3A_128] {strides = array<i32>} : memref<64x256xf32, #tpu.memory_space<vmem>>, vector<1x16xf32>,
      %get3A_130 = vector.shape_cast %get3A_129 : vector<1x16xf32> to vector<16xf32>
      %get3A_131 = arith.index_cast %scan3A_84 : i32 to index
      %get3A_132 = arith.constant 32 : index
      %get3A_133 = tpu.vector_load %arg11[%get3A_131, %get3A_132] {strides = array<i32>} : memref<64x256xf32, #tpu.memory_space<vmem>>, vector<1x16xf32>,
      %get3A_134 = vector.shape_cast %get3A_133 : vector<1x16xf32> to vector<16xf32>
      %sub3A_135 = arith.subf %get3A_130, %get3A_134 : vector<16xf32>
      %mul3A_136 = arith.mulf %sub3A_135, %get3A_88 : vector<16xf32>
      %get3A_137 = arith.index_cast %scan3A_84 : i32 to index
      %get3A_138 = arith.constant 32 : index
      %get3A_139 = tpu.vector_load %arg13[%get3A_137, %get3A_138] {strides = array<i32>} : memref<64x256xf32, #tpu.memory_space<vmem>>, vector<1x16xf32>,
      %get3A_140 = vector.shape_cast %get3A_139 : vector<1x16xf32> to vector<16xf32>
      %add3A_141 = arith.addf %mul3A_136, %get3A_140 : vector<16xf32>
      %swap3A_142 = arith.index_cast %scan3A_84 : i32 to index
      %swap3A_143 = arith.constant 32 : index
      %swap3A_144 = tpu.vector_load %arg10[%swap3A_142, %swap3A_143] {strides = array<i32>} : memref<64x256xf32, #tpu.memory_space<vmem>>, vector<1x16xf32>,
      %swap3A_145 = vector.shape_cast %swap3A_144 : vector<1x16xf32> to vector<16xf32>
      %swap3A_146 = vector.shape_cast %add3A_141 : vector<16xf32> to vector<1x16xf32>
      tpu.vector_store %arg10[%swap3A_142, %swap3A_143], %swap3A_146 {strides = array<i32>} : memref<64x256xf32, #tpu.memory_space<vmem>>, vector<1x16xf32>,
      %get3A_147 = arith.index_cast %scan3A_84 : i32 to index
      %get3A_148 = arith.constant 48 : index
      %get3A_149 = tpu.vector_load %arg10[%get3A_147, %get3A_148] {strides = array<i32>} : memref<64x256xf32, #tpu.memory_space<vmem>>, vector<1x16xf32>,
      %get3A_150 = vector.shape_cast %get3A_149 : vector<1x16xf32> to vector<16xf32>
      %get3A_151 = arith.index_cast %scan3A_84 : i32 to index
      %get3A_152 = arith.constant 48 : index
      %get3A_153 = tpu.vector_load %arg11[%get3A_151, %get3A_152] {strides = array<i32>} : memref<64x256xf32, #tpu.memory_space<vmem>>, vector<1x16xf32>,
      %get3A_154 = vector.shape_cast %get3A_153 : vector<1x16xf32> to vector<16xf32>
      %sub3A_155 = arith.subf %get3A_150, %get3A_154 : vector<16xf32>
      %mul3A_156 = arith.mulf %sub3A_155, %get3A_88 : vector<16xf32>
      %get3A_157 = arith.index_cast %scan3A_84 : i32 to index
      %get3A_158 = arith.constant 48 : index
      %get3A_159 = tpu.vector_load %arg13[%get3A_157, %get3A_158] {strides = array<i32>} : memref<64x256xf32, #tpu.memory_space<vmem>>, vector<1x16xf32>,
      %get3A_160 = vector.shape_cast %get3A_159 : vector<1x16xf32> to vector<16xf32>
      %add3A_161 = arith.addf %mul3A_156, %get3A_160 : vector<16xf32>
      %swap3A_162 = arith.index_cast %scan3A_84 : i32 to index
      %swap3A_163 = arith.constant 48 : index
      %swap3A_164 = tpu.vector_load %arg10[%swap3A_162, %swap3A_163] {strides = array<i32>} : memref<64x256xf32, #tpu.memory_space<vmem>>, vector<1x16xf32>,
      %swap3A_165 = vector.shape_cast %swap3A_164 : vector<1x16xf32> to vector<16xf32>
      %swap3A_166 = vector.shape_cast %add3A_161 : vector<16xf32> to vector<1x16xf32>
      tpu.vector_store %arg10[%swap3A_162, %swap3A_163], %swap3A_166 {strides = array<i32>} : memref<64x256xf32, #tpu.memory_space<vmem>>, vector<1x16xf32>,
      %get3A_167 = arith.index_cast %scan3A_84 : i32 to index
      %get3A_168 = arith.constant 64 : index
      %get3A_169 = tpu.vector_load %arg10[%get3A_167, %get3A_168] {strides = array<i32>} : memref<64x256xf32, #tpu.memory_space<vmem>>, vector<1x16xf32>,
      %get3A_170 = vector.shape_cast %get3A_169 : vector<1x16xf32> to vector<16xf32>
      %get3A_171 = arith.index_cast %scan3A_84 : i32 to index
      %get3A_172 = arith.constant 64 : index
      %get3A_173 = tpu.vector_load %arg11[%get3A_171, %get3A_172] {strides = array<i32>} : memref<64x256xf32, #tpu.memory_space<vmem>>, vector<1x16xf32>,
      %get3A_174 = vector.shape_cast %get3A_173 : vector<1x16xf32> to vector<16xf32>
      %sub3A_175 = arith.subf %get3A_170, %get3A_174 : vector<16xf32>
      %mul3A_176 = arith.mulf %sub3A_175, %get3A_88 : vector<16xf32>
      %get3A_177 = arith.index_cast %scan3A_84 : i32 to index
      %get3A_178 = arith.constant 64 : index
      %get3A_179 = tpu.vector_load %arg13[%get3A_177, %get3A_178] {strides = array<i32>} : memref<64x256xf32, #tpu.memory_space<vmem>>, vector<1x16xf32>,
      %get3A_180 = vector.shape_cast %get3A_179 : vector<1x16xf32> to vector<16xf32>
      %add3A_181 = arith.addf %mul3A_176, %get3A_180 : vector<16xf32>
      %swap3A_182 = arith.index_cast %scan3A_84 : i32 to index
      %swap3A_183 = arith.constant 64 : index
      %swap3A_184 = tpu.vector_load %arg10[%swap3A_182, %swap3A_183] {strides = array<i32>} : memref<64x256xf32, #tpu.memory_space<vmem>>, vector<1x16xf32>,
      %swap3A_185 = vector.shape_cast %swap3A_184 : vector<1x16xf32> to vector<16xf32>
      %swap3A_186 = vector.shape_cast %add3A_181 : vector<16xf32> to vector<1x16xf32>
      tpu.vector_store %arg10[%swap3A_182, %swap3A_183], %swap3A_186 {strides = array<i32>} : memref<64x256xf32, #tpu.memory_space<vmem>>, vector<1x16xf32>,
      %get3A_187 = arith.index_cast %scan3A_84 : i32 to index
      %get3A_188 = arith.constant 80 : index
      %get3A_189 = tpu.vector_load %arg10[%get3A_187, %get3A_188] {strides = array<i32>} : memref<64x256xf32, #tpu.memory_space<vmem>>, vector<1x16xf32>,
      %get3A_190 = vector.shape_cast %get3A_189 : vector<1x16xf32> to vector<16xf32>
      %get3A_191 = arith.index_cast %scan3A_84 : i32 to index
      %get3A_192 = arith.constant 80 : index
      %get3A_193 = tpu.vector_load %arg11[%get3A_191, %get3A_192] {strides = array<i32>} : memref<64x256xf32, #tpu.memory_space<vmem>>, vector<1x16xf32>,
      %get3A_194 = vector.shape_cast %get3A_193 : vector<1x16xf32> to vector<16xf32>
      %sub3A_195 = arith.subf %get3A_190, %get3A_194 : vector<16xf32>
      %mul3A_196 = arith.mulf %sub3A_195, %get3A_88 : vector<16xf32>
      %get3A_197 = arith.index_cast %scan3A_84 : i32 to index
      %get3A_198 = arith.constant 80 : index
      %get3A_199 = tpu.vector_load %arg13[%get3A_197, %get3A_198] {strides = array<i32>} : memref<64x256xf32, #tpu.memory_space<vmem>>, vector<1x16xf32>,
      %get3A_200 = vector.shape_cast %get3A_199 : vector<1x16xf32> to vector<16xf32>
      %add3A_201 = arith.addf %mul3A_196, %get3A_200 : vector<16xf32>
      %swap3A_202 = arith.index_cast %scan3A_84 : i32 to index
      %swap3A_203 = arith.constant 80 : index
      %swap3A_204 = tpu.vector_load %arg10[%swap3A_202, %swap3A_203] {strides = array<i32>} : memref<64x256xf32, #tpu.memory_space<vmem>>, vector<1x16xf32>,
      %swap3A_205 = vector.shape_cast %swap3A_204 : vector<1x16xf32> to vector<16xf32>
      %swap3A_206 = vector.shape_cast %add3A_201 : vector<16xf32> to vector<1x16xf32>
      tpu.vector_store %arg10[%swap3A_202, %swap3A_203], %swap3A_206 {strides = array<i32>} : memref<64x256xf32, #tpu.memory_space<vmem>>, vector<1x16xf32>,
      %get3A_207 = arith.index_cast %scan3A_84 : i32 to index
      %get3A_208 = arith.constant 96 : index
      %get3A_209 = tpu.vector_load %arg10[%get3A_207, %get3A_208] {strides = array<i32>} : memref<64x256xf32, #tpu.memory_space<vmem>>, vector<1x16xf32>,
      %get3A_210 = vector.shape_cast %get3A_209 : vector<1x16xf32> to vector<16xf32>
      %get3A_211 = arith.index_cast %scan3A_84 : i32 to index
      %get3A_212 = arith.constant 96 : index
      %get3A_213 = tpu.vector_load %arg11[%get3A_211, %get3A_212] {strides = array<i32>} : memref<64x256xf32, #tpu.memory_space<vmem>>, vector<1x16xf32>,
      %get3A_214 = vector.shape_cast %get3A_213 : vector<1x16xf32> to vector<16xf32>
      %sub3A_215 = arith.subf %get3A_210, %get3A_214 : vector<16xf32>
      %mul3A_216 = arith.mulf %sub3A_215, %get3A_88 : vector<16xf32>
      %get3A_217 = arith.index_cast %scan3A_84 : i32 to index
      %get3A_218 = arith.constant 96 : index
      %get3A_219 = tpu.vector_load %arg13[%get3A_217, %get3A_218] {strides = array<i32>} : memref<64x256xf32, #tpu.memory_space<vmem>>, vector<1x16xf32>,
      %get3A_220 = vector.shape_cast %get3A_219 : vector<1x16xf32> to vector<16xf32>
      %add3A_221 = arith.addf %mul3A_216, %get3A_220 : vector<16xf32>
      %swap3A_222 = arith.index_cast %scan3A_84 : i32 to index
      %swap3A_223 = arith.constant 96 : index
      %swap3A_224 = tpu.vector_load %arg10[%swap3A_222, %swap3A_223] {strides = array<i32>} : memref<64x256xf32, #tpu.memory_space<vmem>>, vector<1x16xf32>,
      %swap3A_225 = vector.shape_cast %swap3A_224 : vector<1x16xf32> to vector<16xf32>
      %swap3A_226 = vector.shape_cast %add3A_221 : vector<16xf32> to vector<1x16xf32>
      tpu.vector_store %arg10[%swap3A_222, %swap3A_223], %swap3A_226 {strides = array<i32>} : memref<64x256xf32, #tpu.memory_space<vmem>>, vector<1x16xf32>,
      %get3A_227 = arith.index_cast %scan3A_84 : i32 to index
      %get3A_228 = arith.constant 112 : index
      %get3A_229 = tpu.vector_load %arg10[%get3A_227, %get3A_228] {strides = array<i32>} : memref<64x256xf32, #tpu.memory_space<vmem>>, vector<1x16xf32>,
      %get3A_230 = vector.shape_cast %get3A_229 : vector<1x16xf32> to vector<16xf32>
      %get3A_231 = arith.index_cast %scan3A_84 : i32 to index
      %get3A_232 = arith.constant 112 : index
      %get3A_233 = tpu.vector_load %arg11[%get3A_231, %get3A_232] {strides = array<i32>} : memref<64x256xf32, #tpu.memory_space<vmem>>, vector<1x16xf32>,
      %get3A_234 = vector.shape_cast %get3A_233 : vector<1x16xf32> to vector<16xf32>
      %sub3A_235 = arith.subf %get3A_230, %get3A_234 : vector<16xf32>
      %mul3A_236 = arith.mulf %sub3A_235, %get3A_88 : vector<16xf32>
      %get3A_237 = arith.index_cast %scan3A_84 : i32 to index
      %get3A_238 = arith.constant 112 : index
      %get3A_239 = tpu.vector_load %arg13[%get3A_237, %get3A_238] {strides = array<i32>} : memref<64x256xf32, #tpu.memory_space<vmem>>, vector<1x16xf32>,
      %get3A_240 = vector.shape_cast %get3A_239 : vector<1x16xf32> to vector<16xf32>
      %add3A_241 = arith.addf %mul3A_236, %get3A_240 : vector<16xf32>
      %swap3A_242 = arith.index_cast %scan3A_84 : i32 to index
      %swap3A_243 = arith.constant 112 : index
      %swap3A_244 = tpu.vector_load %arg10[%swap3A_242, %swap3A_243] {strides = array<i32>} : memref<64x256xf32, #tpu.memory_space<vmem>>, vector<1x16xf32>,
      %swap3A_245 = vector.shape_cast %swap3A_244 : vector<1x16xf32> to vector<16xf32>
      %swap3A_246 = vector.shape_cast %add3A_241 : vector<16xf32> to vector<1x16xf32>
      tpu.vector_store %arg10[%swap3A_242, %swap3A_243], %swap3A_246 {strides = array<i32>} : memref<64x256xf32, #tpu.memory_space<vmem>>, vector<1x16xf32>,
      %get3A_247 = arith.index_cast %scan3A_84 : i32 to index
      %get3A_248 = arith.constant 128 : index
      %get3A_249 = tpu.vector_load %arg10[%get3A_247, %get3A_248] {strides = array<i32>} : memref<64x256xf32, #tpu.memory_space<vmem>>, vector<1x16xf32>,
      %get3A_250 = vector.shape_cast %get3A_249 : vector<1x16xf32> to vector<16xf32>
      %get3A_251 = arith.index_cast %scan3A_84 : i32 to index
      %get3A_252 = arith.constant 128 : index
      %get3A_253 = tpu.vector_load %arg11[%get3A_251, %get3A_252] {strides = array<i32>} : memref<64x256xf32, #tpu.memory_space<vmem>>, vector<1x16xf32>,
      %get3A_254 = vector.shape_cast %get3A_253 : vector<1x16xf32> to vector<16xf32>
      %sub3A_255 = arith.subf %get3A_250, %get3A_254 : vector<16xf32>
      %mul3A_256 = arith.mulf %sub3A_255, %get3A_88 : vector<16xf32>
      %get3A_257 = arith.index_cast %scan3A_84 : i32 to index
      %get3A_258 = arith.constant 128 : index
      %get3A_259 = tpu.vector_load %arg13[%get3A_257, %get3A_258] {strides = array<i32>} : memref<64x256xf32, #tpu.memory_space<vmem>>, vector<1x16xf32>,
      %get3A_260 = vector.shape_cast %get3A_259 : vector<1x16xf32> to vector<16xf32>
      %add3A_261 = arith.addf %mul3A_256, %get3A_260 : vector<16xf32>
      %swap3A_262 = arith.index_cast %scan3A_84 : i32 to index
      %swap3A_263 = arith.constant 128 : index
      %swap3A_264 = tpu.vector_load %arg10[%swap3A_262, %swap3A_263] {strides = array<i32>} : memref<64x256xf32, #tpu.memory_space<vmem>>, vector<1x16xf32>,
      %swap3A_265 = vector.shape_cast %swap3A_264 : vector<1x16xf32> to vector<16xf32>
      %swap3A_266 = vector.shape_cast %add3A_261 : vector<16xf32> to vector<1x16xf32>
      tpu.vector_store %arg10[%swap3A_262, %swap3A_263], %swap3A_266 {strides = array<i32>} : memref<64x256xf32, #tpu.memory_space<vmem>>, vector<1x16xf32>,
      %get3A_267 = arith.index_cast %scan3A_84 : i32 to index
      %get3A_268 = arith.constant 144 : index
      %get3A_269 = tpu.vector_load %arg10[%get3A_267, %get3A_268] {strides = array<i32>} : memref<64x256xf32, #tpu.memory_space<vmem>>, vector<1x16xf32>,
      %get3A_270 = vector.shape_cast %get3A_269 : vector<1x16xf32> to vector<16xf32>
      %get3A_271 = arith.index_cast %scan3A_84 : i32 to index
      %get3A_272 = arith.constant 144 : index
      %get3A_273 = tpu.vector_load %arg11[%get3A_271, %get3A_272] {strides = array<i32>} : memref<64x256xf32, #tpu.memory_space<vmem>>, vector<1x16xf32>,
      %get3A_274 = vector.shape_cast %get3A_273 : vector<1x16xf32> to vector<16xf32>
      %sub3A_275 = arith.subf %get3A_270, %get3A_274 : vector<16xf32>
      %mul3A_276 = arith.mulf %sub3A_275, %get3A_88 : vector<16xf32>
      %get3A_277 = arith.index_cast %scan3A_84 : i32 to index
      %get3A_278 = arith.constant 144 : index
      %get3A_279 = tpu.vector_load %arg13[%get3A_277, %get3A_278] {strides = array<i32>} : memref<64x256xf32, #tpu.memory_space<vmem>>, vector<1x16xf32>,
      %get3A_280 = vector.shape_cast %get3A_279 : vector<1x16xf32> to vector<16xf32>
      %add3A_281 = arith.addf %mul3A_276, %get3A_280 : vector<16xf32>
      %swap3A_282 = arith.index_cast %scan3A_84 : i32 to index
      %swap3A_283 = arith.constant 144 : index
      %swap3A_284 = tpu.vector_load %arg10[%swap3A_282, %swap3A_283] {strides = array<i32>} : memref<64x256xf32, #tpu.memory_space<vmem>>, vector<1x16xf32>,
      %swap3A_285 = vector.shape_cast %swap3A_284 : vector<1x16xf32> to vector<16xf32>
      %swap3A_286 = vector.shape_cast %add3A_281 : vector<16xf32> to vector<1x16xf32>
      tpu.vector_store %arg10[%swap3A_282, %swap3A_283], %swap3A_286 {strides = array<i32>} : memref<64x256xf32, #tpu.memory_space<vmem>>, vector<1x16xf32>,
      %get3A_287 = arith.index_cast %scan3A_84 : i32 to index
      %get3A_288 = arith.constant 160 : index
      %get3A_289 = tpu.vector_load %arg10[%get3A_287, %get3A_288] {strides = array<i32>} : memref<64x256xf32, #tpu.memory_space<vmem>>, vector<1x16xf32>,
      %get3A_290 = vector.shape_cast %get3A_289 : vector<1x16xf32> to vector<16xf32>
      %get3A_291 = arith.index_cast %scan3A_84 : i32 to index
      %get3A_292 = arith.constant 160 : index
      %get3A_293 = tpu.vector_load %arg11[%get3A_291, %get3A_292] {strides = array<i32>} : memref<64x256xf32, #tpu.memory_space<vmem>>, vector<1x16xf32>,
      %get3A_294 = vector.shape_cast %get3A_293 : vector<1x16xf32> to vector<16xf32>
      %sub3A_295 = arith.subf %get3A_290, %get3A_294 : vector<16xf32>
      %mul3A_296 = arith.mulf %sub3A_295, %get3A_88 : vector<16xf32>
      %get3A_297 = arith.index_cast %scan3A_84 : i32 to index
      %get3A_298 = arith.constant 160 : index
      %get3A_299 = tpu.vector_load %arg13[%get3A_297, %get3A_298] {strides = array<i32>} : memref<64x256xf32, #tpu.memory_space<vmem>>, vector<1x16xf32>,
      %get3A_300 = vector.shape_cast %get3A_299 : vector<1x16xf32> to vector<16xf32>
      %add3A_301 = arith.addf %mul3A_296, %get3A_300 : vector<16xf32>
      %swap3A_302 = arith.index_cast %scan3A_84 : i32 to index
      %swap3A_303 = arith.constant 160 : index
      %swap3A_304 = tpu.vector_load %arg10[%swap3A_302, %swap3A_303] {strides = array<i32>} : memref<64x256xf32, #tpu.memory_space<vmem>>, vector<1x16xf32>,
      %swap3A_305 = vector.shape_cast %swap3A_304 : vector<1x16xf32> to vector<16xf32>
      %swap3A_306 = vector.shape_cast %add3A_301 : vector<16xf32> to vector<1x16xf32>
      tpu.vector_store %arg10[%swap3A_302, %swap3A_303], %swap3A_306 {strides = array<i32>} : memref<64x256xf32, #tpu.memory_space<vmem>>, vector<1x16xf32>,
      %get3A_307 = arith.index_cast %scan3A_84 : i32 to index
      %get3A_308 = arith.constant 176 : index
      %get3A_309 = tpu.vector_load %arg10[%get3A_307, %get3A_308] {strides = array<i32>} : memref<64x256xf32, #tpu.memory_space<vmem>>, vector<1x16xf32>,
      %get3A_310 = vector.shape_cast %get3A_309 : vector<1x16xf32> to vector<16xf32>
      %get3A_311 = arith.index_cast %scan3A_84 : i32 to index
      %get3A_312 = arith.constant 176 : index
      %get3A_313 = tpu.vector_load %arg11[%get3A_311, %get3A_312] {strides = array<i32>} : memref<64x256xf32, #tpu.memory_space<vmem>>, vector<1x16xf32>,
      %get3A_314 = vector.shape_cast %get3A_313 : vector<1x16xf32> to vector<16xf32>
      %sub3A_315 = arith.subf %get3A_310, %get3A_314 : vector<16xf32>
      %mul3A_316 = arith.mulf %sub3A_315, %get3A_88 : vector<16xf32>
      %get3A_317 = arith.index_cast %scan3A_84 : i32 to index
      %get3A_318 = arith.constant 176 : index
      %get3A_319 = tpu.vector_load %arg13[%get3A_317, %get3A_318] {strides = array<i32>} : memref<64x256xf32, #tpu.memory_space<vmem>>, vector<1x16xf32>,
      %get3A_320 = vector.shape_cast %get3A_319 : vector<1x16xf32> to vector<16xf32>
      %add3A_321 = arith.addf %mul3A_316, %get3A_320 : vector<16xf32>
      %swap3A_322 = arith.index_cast %scan3A_84 : i32 to index
      %swap3A_323 = arith.constant 176 : index
      %swap3A_324 = tpu.vector_load %arg10[%swap3A_322, %swap3A_323] {strides = array<i32>} : memref<64x256xf32, #tpu.memory_space<vmem>>, vector<1x16xf32>,
      %swap3A_325 = vector.shape_cast %swap3A_324 : vector<1x16xf32> to vector<16xf32>
      %swap3A_326 = vector.shape_cast %add3A_321 : vector<16xf32> to vector<1x16xf32>
      tpu.vector_store %arg10[%swap3A_322, %swap3A_323], %swap3A_326 {strides = array<i32>} : memref<64x256xf32, #tpu.memory_space<vmem>>, vector<1x16xf32>,
      %get3A_327 = arith.index_cast %scan3A_84 : i32 to index
      %get3A_328 = arith.constant 192 : index
      %get3A_329 = tpu.vector_load %arg10[%get3A_327, %get3A_328] {strides = array<i32>} : memref<64x256xf32, #tpu.memory_space<vmem>>, vector<1x16xf32>,
      %get3A_330 = vector.shape_cast %get3A_329 : vector<1x16xf32> to vector<16xf32>
      %get3A_331 = arith.index_cast %scan3A_84 : i32 to index
      %get3A_332 = arith.constant 192 : index
      %get3A_333 = tpu.vector_load %arg11[%get3A_331, %get3A_332] {strides = array<i32>} : memref<64x256xf32, #tpu.memory_space<vmem>>, vector<1x16xf32>,
      %get3A_334 = vector.shape_cast %get3A_333 : vector<1x16xf32> to vector<16xf32>
      %sub3A_335 = arith.subf %get3A_330, %get3A_334 : vector<16xf32>
      %mul3A_336 = arith.mulf %sub3A_335, %get3A_88 : vector<16xf32>
      %get3A_337 = arith.index_cast %scan3A_84 : i32 to index
      %get3A_338 = arith.constant 192 : index
      %get3A_339 = tpu.vector_load %arg13[%get3A_337, %get3A_338] {strides = array<i32>} : memref<64x256xf32, #tpu.memory_space<vmem>>, vector<1x16xf32>,
      %get3A_340 = vector.shape_cast %get3A_339 : vector<1x16xf32> to vector<16xf32>
      %add3A_341 = arith.addf %mul3A_336, %get3A_340 : vector<16xf32>
      %swap3A_342 = arith.index_cast %scan3A_84 : i32 to index
      %swap3A_343 = arith.constant 192 : index
      %swap3A_344 = tpu.vector_load %arg10[%swap3A_342, %swap3A_343] {strides = array<i32>} : memref<64x256xf32, #tpu.memory_space<vmem>>, vector<1x16xf32>,
      %swap3A_345 = vector.shape_cast %swap3A_344 : vector<1x16xf32> to vector<16xf32>
      %swap3A_346 = vector.shape_cast %add3A_341 : vector<16xf32> to vector<1x16xf32>
      tpu.vector_store %arg10[%swap3A_342, %swap3A_343], %swap3A_346 {strides = array<i32>} : memref<64x256xf32, #tpu.memory_space<vmem>>, vector<1x16xf32>,
      %get3A_347 = arith.index_cast %scan3A_84 : i32 to index
      %get3A_348 = arith.constant 208 : index
      %get3A_349 = tpu.vector_load %arg10[%get3A_347, %get3A_348] {strides = array<i32>} : memref<64x256xf32, #tpu.memory_space<vmem>>, vector<1x16xf32>,
      %get3A_350 = vector.shape_cast %get3A_349 : vector<1x16xf32> to vector<16xf32>
      %get3A_351 = arith.index_cast %scan3A_84 : i32 to index
      %get3A_352 = arith.constant 208 : index
      %get3A_353 = tpu.vector_load %arg11[%get3A_351, %get3A_352] {strides = array<i32>} : memref<64x256xf32, #tpu.memory_space<vmem>>, vector<1x16xf32>,
      %get3A_354 = vector.shape_cast %get3A_353 : vector<1x16xf32> to vector<16xf32>
      %sub3A_355 = arith.subf %get3A_350, %get3A_354 : vector<16xf32>
      %mul3A_356 = arith.mulf %sub3A_355, %get3A_88 : vector<16xf32>
      %get3A_357 = arith.index_cast %scan3A_84 : i32 to index
      %get3A_358 = arith.constant 208 : index
      %get3A_359 = tpu.vector_load %arg13[%get3A_357, %get3A_358] {strides = array<i32>} : memref<64x256xf32, #tpu.memory_space<vmem>>, vector<1x16xf32>,
      %get3A_360 = vector.shape_cast %get3A_359 : vector<1x16xf32> to vector<16xf32>
      %add3A_361 = arith.addf %mul3A_356, %get3A_360 : vector<16xf32>
      %swap3A_362 = arith.index_cast %scan3A_84 : i32 to index
      %swap3A_363 = arith.constant 208 : index
      %swap3A_364 = tpu.vector_load %arg10[%swap3A_362, %swap3A_363] {strides = array<i32>} : memref<64x256xf32, #tpu.memory_space<vmem>>, vector<1x16xf32>,
      %swap3A_365 = vector.shape_cast %swap3A_364 : vector<1x16xf32> to vector<16xf32>
      %swap3A_366 = vector.shape_cast %add3A_361 : vector<16xf32> to vector<1x16xf32>
      tpu.vector_store %arg10[%swap3A_362, %swap3A_363], %swap3A_366 {strides = array<i32>} : memref<64x256xf32, #tpu.memory_space<vmem>>, vector<1x16xf32>,
      %get3A_367 = arith.index_cast %scan3A_84 : i32 to index
      %get3A_368 = arith.constant 224 : index
      %get3A_369 = tpu.vector_load %arg10[%get3A_367, %get3A_368] {strides = array<i32>} : memref<64x256xf32, #tpu.memory_space<vmem>>, vector<1x16xf32>,
      %get3A_370 = vector.shape_cast %get3A_369 : vector<1x16xf32> to vector<16xf32>
      %get3A_371 = arith.index_cast %scan3A_84 : i32 to index
      %get3A_372 = arith.constant 224 : index
      %get3A_373 = tpu.vector_load %arg11[%get3A_371, %get3A_372] {strides = array<i32>} : memref<64x256xf32, #tpu.memory_space<vmem>>, vector<1x16xf32>,
      %get3A_374 = vector.shape_cast %get3A_373 : vector<1x16xf32> to vector<16xf32>
      %sub3A_375 = arith.subf %get3A_370, %get3A_374 : vector<16xf32>
      %mul3A_376 = arith.mulf %sub3A_375, %get3A_88 : vector<16xf32>
      %get3A_377 = arith.index_cast %scan3A_84 : i32 to index
      %get3A_378 = arith.constant 224 : index
      %get3A_379 = tpu.vector_load %arg13[%get3A_377, %get3A_378] {strides = array<i32>} : memref<64x256xf32, #tpu.memory_space<vmem>>, vector<1x16xf32>,
      %get3A_380 = vector.shape_cast %get3A_379 : vector<1x16xf32> to vector<16xf32>
      %add3A_381 = arith.addf %mul3A_376, %get3A_380 : vector<16xf32>
      %swap3A_382 = arith.index_cast %scan3A_84 : i32 to index
      %swap3A_383 = arith.constant 224 : index
      %swap3A_384 = tpu.vector_load %arg10[%swap3A_382, %swap3A_383] {strides = array<i32>} : memref<64x256xf32, #tpu.memory_space<vmem>>, vector<1x16xf32>,
      %swap3A_385 = vector.shape_cast %swap3A_384 : vector<1x16xf32> to vector<16xf32>
      %swap3A_386 = vector.shape_cast %add3A_381 : vector<16xf32> to vector<1x16xf32>
      tpu.vector_store %arg10[%swap3A_382, %swap3A_383], %swap3A_386 {strides = array<i32>} : memref<64x256xf32, #tpu.memory_space<vmem>>, vector<1x16xf32>,
      %get3A_387 = arith.index_cast %scan3A_84 : i32 to index
      %get3A_388 = arith.constant 240 : index
      %get3A_389 = tpu.vector_load %arg10[%get3A_387, %get3A_388] {strides = array<i32>} : memref<64x256xf32, #tpu.memory_space<vmem>>, vector<1x16xf32>,
      %get3A_390 = vector.shape_cast %get3A_389 : vector<1x16xf32> to vector<16xf32>
      %get3A_391 = arith.index_cast %scan3A_84 : i32 to index
      %get3A_392 = arith.constant 240 : index
      %get3A_393 = tpu.vector_load %arg11[%get3A_391, %get3A_392] {strides = array<i32>} : memref<64x256xf32, #tpu.memory_space<vmem>>, vector<1x16xf32>,
      %get3A_394 = vector.shape_cast %get3A_393 : vector<1x16xf32> to vector<16xf32>
      %sub3A_395 = arith.subf %get3A_390, %get3A_394 : vector<16xf32>
      %mul3A_396 = arith.mulf %sub3A_395, %get3A_88 : vector<16xf32>
      %get3A_397 = arith.index_cast %scan3A_84 : i32 to index
      %get3A_398 = arith.constant 240 : index
      %get3A_399 = tpu.vector_load %arg13[%get3A_397, %get3A_398] {strides = array<i32>} : memref<64x256xf32, #tpu.memory_space<vmem>>, vector<1x16xf32>,
      %get3A_400 = vector.shape_cast %get3A_399 : vector<1x16xf32> to vector<16xf32>
      %add3A_401 = arith.addf %mul3A_396, %get3A_400 : vector<16xf32>
      %swap3A_402 = arith.index_cast %scan3A_84 : i32 to index
      %swap3A_403 = arith.constant 240 : index
      %swap3A_404 = tpu.vector_load %arg10[%swap3A_402, %swap3A_403] {strides = array<i32>} : memref<64x256xf32, #tpu.memory_space<vmem>>, vector<1x16xf32>,
      %swap3A_405 = vector.shape_cast %swap3A_404 : vector<1x16xf32> to vector<16xf32>
      %swap3A_406 = vector.shape_cast %add3A_401 : vector<16xf32> to vector<1x16xf32>
      tpu.vector_store %arg10[%swap3A_402, %swap3A_403], %swap3A_406 {strides = array<i32>} : memref<64x256xf32, #tpu.memory_space<vmem>>, vector<1x16xf32>,
      %scan3A_407 = arith.constant 0 : i32
      scf.yield %scan3A_407 : i32
    }
    %scan3A_41 = arith.constant 64 : i32
    "tpu.region"() ({
      %run_scoped3A = tpu.sem_alloc : memref<!tpu.dma_semaphore, #tpu.memory_space<semaphore_mem>>
      %dma_start3A_84 = arith.constant 0 : i32
      %dma_start3A_85 = tpu.memref_slice %arg7[%add3A_22, %dma_start3A_84] : memref<8192x256xf32, #tpu.memory_space<hbm>> -> memref<64x256xf32, #tpu.memory_space<hbm>>
      %dma_start3A_86 = arith.constant 0 : i32
      %dma_start3A_87 = tpu.memref_slice %arg7[%add3A_22, %dma_start3A_86] : memref<8192x256xf32, #tpu.memory_space<hbm>> -> memref<64x256xf32, #tpu.memory_space<hbm>>
      tpu.enqueue_dma source(%arg10 : memref<64x256xf32, #tpu.memory_space<vmem>>) target(%dma_start3A_87 : memref<64x256xf32, #tpu.memory_space<hbm>>) target_semaphore(%run_scoped3A : memref<!tpu.dma_semaphore, #tpu.memory_space<semaphore_mem>>)
      %dma_wait3A_88 = arith.constant 0 : i32
      %dma_wait3A_89 = tpu.memref_slice %arg7[%add3A_22, %dma_wait3A_88] : memref<8192x256xf32, #tpu.memory_space<hbm>> -> memref<64x256xf32, #tpu.memory_space<hbm>>
      %dma_wait3A_90 = arith.constant 0 : i32
      %dma_wait3A_91 = tpu.memref_slice %arg7[%add3A_22, %dma_wait3A_90] : memref<8192x256xf32, #tpu.memory_space<hbm>> -> memref<64x256xf32, #tpu.memory_space<hbm>>
      tpu.wait_dma2 semaphore(%run_scoped3A : memref<!tpu.dma_semaphore, #tpu.memory_space<semaphore_mem>>) src(%arg10 : memref<64x256xf32, #tpu.memory_space<vmem>>) dst(%dma_wait3A_91 : memref<64x256xf32, #tpu.memory_space<hbm>>)
      tpu.yield
    }) : () -> ()
    %add3A_42 = arith.constant 128 : i32
    %add3A_43 = arith.addi %mul3A_2, %add3A_42 : i32
    "tpu.region"() ({
      %run_scoped3A = tpu.sem_alloc : memref<!tpu.dma_semaphore, #tpu.memory_space<semaphore_mem>>
      %dma_start3A_84 = tpu.memref_slice %arg3[%add3A_43] : memref<8192xi32, #tpu.memory_space<hbm>> -> memref<64xi32, #tpu.memory_space<hbm>>
      %dma_start3A_85 = tpu.memref_slice %arg3[%add3A_43] : memref<8192xi32, #tpu.memory_space<hbm>> -> memref<64xi32, #tpu.memory_space<hbm>>
      tpu.enqueue_dma source(%dma_start3A_85 : memref<64xi32, #tpu.memory_space<hbm>>) target(%arg8 : memref<64xi32, #tpu.memory_space<vmem>>) target_semaphore(%run_scoped3A : memref<!tpu.dma_semaphore, #tpu.memory_space<semaphore_mem>>)
      %dma_wait3A_86 = tpu.memref_slice %arg3[%add3A_43] : memref<8192xi32, #tpu.memory_space<hbm>> -> memref<64xi32, #tpu.memory_space<hbm>>
      %dma_wait3A_87 = tpu.memref_slice %arg3[%add3A_43] : memref<8192xi32, #tpu.memory_space<hbm>> -> memref<64xi32, #tpu.memory_space<hbm>>
      tpu.wait_dma2 semaphore(%run_scoped3A : memref<!tpu.dma_semaphore, #tpu.memory_space<semaphore_mem>>) src(%dma_wait3A_87 : memref<64xi32, #tpu.memory_space<hbm>>) dst(%arg8 : memref<64xi32, #tpu.memory_space<vmem>>)
      tpu.yield
    }) : () -> ()
    "tpu.region"() ({
      %run_scoped3A = tpu.sem_alloc : memref<!tpu.dma_semaphore, #tpu.memory_space<semaphore_mem>>
      %dma_start3A_84 = tpu.memref_slice %arg4[%add3A_43] : memref<8192xi32, #tpu.memory_space<hbm>> -> memref<64xi32, #tpu.memory_space<hbm>>
      %dma_start3A_85 = tpu.memref_slice %arg4[%add3A_43] : memref<8192xi32, #tpu.memory_space<hbm>> -> memref<64xi32, #tpu.memory_space<hbm>>
      tpu.enqueue_dma source(%dma_start3A_85 : memref<64xi32, #tpu.memory_space<hbm>>) target(%arg9 : memref<64xi32, #tpu.memory_space<vmem>>) target_semaphore(%run_scoped3A : memref<!tpu.dma_semaphore, #tpu.memory_space<semaphore_mem>>)
      %dma_wait3A_86 = tpu.memref_slice %arg4[%add3A_43] : memref<8192xi32, #tpu.memory_space<hbm>> -> memref<64xi32, #tpu.memory_space<hbm>>
      %dma_wait3A_87 = tpu.memref_slice %arg4[%add3A_43] : memref<8192xi32, #tpu.memory_space<hbm>> -> memref<64xi32, #tpu.memory_space<hbm>>
      tpu.wait_dma2 semaphore(%run_scoped3A : memref<!tpu.dma_semaphore, #tpu.memory_space<semaphore_mem>>) src(%dma_wait3A_87 : memref<64xi32, #tpu.memory_space<hbm>>) dst(%arg9 : memref<64xi32, #tpu.memory_space<vmem>>)
      tpu.yield
    }) : () -> ()
    "tpu.region"() ({
      %run_scoped3A = tpu.sem_alloc : memref<!tpu.dma_semaphore, #tpu.memory_space<semaphore_mem>>
      %dma_start3A_84 = arith.constant 0 : i32
      %dma_start3A_85 = tpu.memref_slice %arg5[%add3A_43, %dma_start3A_84] : memref<8192x16xf32, #tpu.memory_space<hbm>> -> memref<64x16xf32, #tpu.memory_space<hbm>>
      %dma_start3A_86 = arith.constant 0 : i32
      %dma_start3A_87 = tpu.memref_slice %arg5[%add3A_43, %dma_start3A_86] : memref<8192x16xf32, #tpu.memory_space<hbm>> -> memref<64x16xf32, #tpu.memory_space<hbm>>
      tpu.enqueue_dma source(%dma_start3A_87 : memref<64x16xf32, #tpu.memory_space<hbm>>) target(%arg12 : memref<64x16xf32, #tpu.memory_space<vmem>>) target_semaphore(%run_scoped3A : memref<!tpu.dma_semaphore, #tpu.memory_space<semaphore_mem>>)
      %dma_wait3A_88 = arith.constant 0 : i32
      %dma_wait3A_89 = tpu.memref_slice %arg5[%add3A_43, %dma_wait3A_88] : memref<8192x16xf32, #tpu.memory_space<hbm>> -> memref<64x16xf32, #tpu.memory_space<hbm>>
      %dma_wait3A_90 = arith.constant 0 : i32
      %dma_wait3A_91 = tpu.memref_slice %arg5[%add3A_43, %dma_wait3A_90] : memref<8192x16xf32, #tpu.memory_space<hbm>> -> memref<64x16xf32, #tpu.memory_space<hbm>>
      tpu.wait_dma2 semaphore(%run_scoped3A : memref<!tpu.dma_semaphore, #tpu.memory_space<semaphore_mem>>) src(%dma_wait3A_91 : memref<64x16xf32, #tpu.memory_space<hbm>>) dst(%arg12 : memref<64x16xf32, #tpu.memory_space<vmem>>)
      tpu.yield
    }) : () -> ()
    "tpu.region"() ({
      %run_scoped3A = tpu.sem_alloc : memref<!tpu.dma_semaphore, #tpu.memory_space<semaphore_mem>>
      %dma_start3A_84 = arith.constant 0 : i32
      %dma_start3A_85 = tpu.memref_slice %arg6[%add3A_43, %dma_start3A_84] : memref<8192x256xf32, #tpu.memory_space<hbm>> -> memref<64x256xf32, #tpu.memory_space<hbm>>
      %dma_start3A_86 = arith.constant 0 : i32
      %dma_start3A_87 = tpu.memref_slice %arg6[%add3A_43, %dma_start3A_86] : memref<8192x256xf32, #tpu.memory_space<hbm>> -> memref<64x256xf32, #tpu.memory_space<hbm>>
      tpu.enqueue_dma source(%dma_start3A_87 : memref<64x256xf32, #tpu.memory_space<hbm>>) target(%arg13 : memref<64x256xf32, #tpu.memory_space<vmem>>) target_semaphore(%run_scoped3A : memref<!tpu.dma_semaphore, #tpu.memory_space<semaphore_mem>>)
      %dma_wait3A_88 = arith.constant 0 : i32
      %dma_wait3A_89 = tpu.memref_slice %arg6[%add3A_43, %dma_wait3A_88] : memref<8192x256xf32, #tpu.memory_space<hbm>> -> memref<64x256xf32, #tpu.memory_space<hbm>>
      %dma_wait3A_90 = arith.constant 0 : i32
      %dma_wait3A_91 = tpu.memref_slice %arg6[%add3A_43, %dma_wait3A_90] : memref<8192x256xf32, #tpu.memory_space<hbm>> -> memref<64x256xf32, #tpu.memory_space<hbm>>
      tpu.wait_dma2 semaphore(%run_scoped3A : memref<!tpu.dma_semaphore, #tpu.memory_space<semaphore_mem>>) src(%dma_wait3A_91 : memref<64x256xf32, #tpu.memory_space<hbm>>) dst(%arg13 : memref<64x256xf32, #tpu.memory_space<vmem>>)
      tpu.yield
    }) : () -> ()
    %dma_start3A_44 = arith.constant 0 : i32
    %dma_start3A_45 = arith.constant 0 : i32
    %dma_start3A_46 = tpu.memref_slice %arg2[%dma_start3A_44, %dma_start3A_45] : memref<65664x256xf32, #tpu.memory_space<hbm>> -> memref<65664x256xf32, #tpu.memory_space<hbm>>
    tpu.enqueue_indirect_dma source(%dma_start3A_46 : memref<65664x256xf32, #tpu.memory_space<hbm>>) target(%arg10 : memref<64x256xf32, #tpu.memory_space<vmem>>) offsets(%arg8 : memref<64xi32, #tpu.memory_space<vmem>>) semaphore(%arg14 : memref<!tpu.dma_semaphore, #tpu.memory_space<semaphore_mem>>)
    %dma_wait3A_47 = arith.constant 0 : i32
    %dma_wait3A_48 = arith.constant 0 : i32
    %dma_wait3A_49 = tpu.memref_slice %arg2[%dma_wait3A_47, %dma_wait3A_48] : memref<65664x256xf32, #tpu.memory_space<hbm>> -> memref<65664x256xf32, #tpu.memory_space<hbm>>
    tpu.wait_indirect_dma semaphore(%arg14 : memref<!tpu.dma_semaphore, #tpu.memory_space<semaphore_mem>>) src(%dma_wait3A_49 : memref<65664x256xf32, #tpu.memory_space<hbm>>) dst(%arg10 : memref<64x256xf32, #tpu.memory_space<vmem>>)
    %dma_start3A_50 = arith.constant 0 : i32
    %dma_start3A_51 = arith.constant 0 : i32
    %dma_start3A_52 = tpu.memref_slice %arg2[%dma_start3A_50, %dma_start3A_51] : memref<65664x256xf32, #tpu.memory_space<hbm>> -> memref<65664x256xf32, #tpu.memory_space<hbm>>
    tpu.enqueue_indirect_dma source(%dma_start3A_52 : memref<65664x256xf32, #tpu.memory_space<hbm>>) target(%arg11 : memref<64x256xf32, #tpu.memory_space<vmem>>) offsets(%arg9 : memref<64xi32, #tpu.memory_space<vmem>>) semaphore(%arg15 : memref<!tpu.dma_semaphore, #tpu.memory_space<semaphore_mem>>)
    %dma_wait3A_53 = arith.constant 0 : i32
    %dma_wait3A_54 = arith.constant 0 : i32
    %dma_wait3A_55 = tpu.memref_slice %arg2[%dma_wait3A_53, %dma_wait3A_54] : memref<65664x256xf32, #tpu.memory_space<hbm>> -> memref<65664x256xf32, #tpu.memory_space<hbm>>
    tpu.wait_indirect_dma semaphore(%arg15 : memref<!tpu.dma_semaphore, #tpu.memory_space<semaphore_mem>>) src(%dma_wait3A_55 : memref<65664x256xf32, #tpu.memory_space<hbm>>) dst(%arg11 : memref<64x256xf32, #tpu.memory_space<vmem>>)
    %scan3A_56 = arith.constant 0 : i32
    %scan3A_57 = arith.constant 0 : i32
    %scan3A_58 = arith.constant 64 : i32
    %scan3A_59 = arith.addi %scan3A_57, %scan3A_58 : i32
    %scan3A_60 = arith.constant 1 : i32
    %scan3A_61 = scf.for %scan3A_84 = %scan3A_57 to %scan3A_59 step %scan3A_60 iter_args(%scan3A_85 = %scan3A_56) -> (i32)  : i32 {
      %get3A = arith.index_cast %scan3A_84 : i32 to index
      %get3A_86 = arith.constant 0 : index
      %get3A_87 = tpu.vector_load %arg12[%get3A, %get3A_86] {strides = array<i32>} : memref<64x16xf32, #tpu.memory_space<vmem>>, vector<1x16xf32>,
      %get3A_88 = vector.shape_cast %get3A_87 : vector<1x16xf32> to vector<16xf32>
      %get3A_89 = arith.index_cast %scan3A_84 : i32 to index
      %get3A_90 = arith.constant 0 : index
      %get3A_91 = tpu.vector_load %arg10[%get3A_89, %get3A_90] {strides = array<i32>} : memref<64x256xf32, #tpu.memory_space<vmem>>, vector<1x16xf32>,
      %get3A_92 = vector.shape_cast %get3A_91 : vector<1x16xf32> to vector<16xf32>
      %get3A_93 = arith.index_cast %scan3A_84 : i32 to index
      %get3A_94 = arith.constant 0 : index
      %get3A_95 = tpu.vector_load %arg11[%get3A_93, %get3A_94] {strides = array<i32>} : memref<64x256xf32, #tpu.memory_space<vmem>>, vector<1x16xf32>,
      %get3A_96 = vector.shape_cast %get3A_95 : vector<1x16xf32> to vector<16xf32>
      %sub3A = arith.subf %get3A_92, %get3A_96 : vector<16xf32>
      %mul3A_97 = arith.mulf %sub3A, %get3A_88 : vector<16xf32>
      %get3A_98 = arith.index_cast %scan3A_84 : i32 to index
      %get3A_99 = arith.constant 0 : index
      %get3A_100 = tpu.vector_load %arg13[%get3A_98, %get3A_99] {strides = array<i32>} : memref<64x256xf32, #tpu.memory_space<vmem>>, vector<1x16xf32>,
      %get3A_101 = vector.shape_cast %get3A_100 : vector<1x16xf32> to vector<16xf32>
      %add3A_102 = arith.addf %mul3A_97, %get3A_101 : vector<16xf32>
      %swap3A = arith.index_cast %scan3A_84 : i32 to index
      %swap3A_103 = arith.constant 0 : index
      %swap3A_104 = tpu.vector_load %arg10[%swap3A, %swap3A_103] {strides = array<i32>} : memref<64x256xf32, #tpu.memory_space<vmem>>, vector<1x16xf32>,
      %swap3A_105 = vector.shape_cast %swap3A_104 : vector<1x16xf32> to vector<16xf32>
      %swap3A_106 = vector.shape_cast %add3A_102 : vector<16xf32> to vector<1x16xf32>
      tpu.vector_store %arg10[%swap3A, %swap3A_103], %swap3A_106 {strides = array<i32>} : memref<64x256xf32, #tpu.memory_space<vmem>>, vector<1x16xf32>,
      %get3A_107 = arith.index_cast %scan3A_84 : i32 to index
      %get3A_108 = arith.constant 16 : index
      %get3A_109 = tpu.vector_load %arg10[%get3A_107, %get3A_108] {strides = array<i32>} : memref<64x256xf32, #tpu.memory_space<vmem>>, vector<1x16xf32>,
      %get3A_110 = vector.shape_cast %get3A_109 : vector<1x16xf32> to vector<16xf32>
      %get3A_111 = arith.index_cast %scan3A_84 : i32 to index
      %get3A_112 = arith.constant 16 : index
      %get3A_113 = tpu.vector_load %arg11[%get3A_111, %get3A_112] {strides = array<i32>} : memref<64x256xf32, #tpu.memory_space<vmem>>, vector<1x16xf32>,
      %get3A_114 = vector.shape_cast %get3A_113 : vector<1x16xf32> to vector<16xf32>
      %sub3A_115 = arith.subf %get3A_110, %get3A_114 : vector<16xf32>
      %mul3A_116 = arith.mulf %sub3A_115, %get3A_88 : vector<16xf32>
      %get3A_117 = arith.index_cast %scan3A_84 : i32 to index
      %get3A_118 = arith.constant 16 : index
      %get3A_119 = tpu.vector_load %arg13[%get3A_117, %get3A_118] {strides = array<i32>} : memref<64x256xf32, #tpu.memory_space<vmem>>, vector<1x16xf32>,
      %get3A_120 = vector.shape_cast %get3A_119 : vector<1x16xf32> to vector<16xf32>
      %add3A_121 = arith.addf %mul3A_116, %get3A_120 : vector<16xf32>
      %swap3A_122 = arith.index_cast %scan3A_84 : i32 to index
      %swap3A_123 = arith.constant 16 : index
      %swap3A_124 = tpu.vector_load %arg10[%swap3A_122, %swap3A_123] {strides = array<i32>} : memref<64x256xf32, #tpu.memory_space<vmem>>, vector<1x16xf32>,
      %swap3A_125 = vector.shape_cast %swap3A_124 : vector<1x16xf32> to vector<16xf32>
      %swap3A_126 = vector.shape_cast %add3A_121 : vector<16xf32> to vector<1x16xf32>
      tpu.vector_store %arg10[%swap3A_122, %swap3A_123], %swap3A_126 {strides = array<i32>} : memref<64x256xf32, #tpu.memory_space<vmem>>, vector<1x16xf32>,
      %get3A_127 = arith.index_cast %scan3A_84 : i32 to index
      %get3A_128 = arith.constant 32 : index
      %get3A_129 = tpu.vector_load %arg10[%get3A_127, %get3A_128] {strides = array<i32>} : memref<64x256xf32, #tpu.memory_space<vmem>>, vector<1x16xf32>,
      %get3A_130 = vector.shape_cast %get3A_129 : vector<1x16xf32> to vector<16xf32>
      %get3A_131 = arith.index_cast %scan3A_84 : i32 to index
      %get3A_132 = arith.constant 32 : index
      %get3A_133 = tpu.vector_load %arg11[%get3A_131, %get3A_132] {strides = array<i32>} : memref<64x256xf32, #tpu.memory_space<vmem>>, vector<1x16xf32>,
      %get3A_134 = vector.shape_cast %get3A_133 : vector<1x16xf32> to vector<16xf32>
      %sub3A_135 = arith.subf %get3A_130, %get3A_134 : vector<16xf32>
      %mul3A_136 = arith.mulf %sub3A_135, %get3A_88 : vector<16xf32>
      %get3A_137 = arith.index_cast %scan3A_84 : i32 to index
      %get3A_138 = arith.constant 32 : index
      %get3A_139 = tpu.vector_load %arg13[%get3A_137, %get3A_138] {strides = array<i32>} : memref<64x256xf32, #tpu.memory_space<vmem>>, vector<1x16xf32>,
      %get3A_140 = vector.shape_cast %get3A_139 : vector<1x16xf32> to vector<16xf32>
      %add3A_141 = arith.addf %mul3A_136, %get3A_140 : vector<16xf32>
      %swap3A_142 = arith.index_cast %scan3A_84 : i32 to index
      %swap3A_143 = arith.constant 32 : index
      %swap3A_144 = tpu.vector_load %arg10[%swap3A_142, %swap3A_143] {strides = array<i32>} : memref<64x256xf32, #tpu.memory_space<vmem>>, vector<1x16xf32>,
      %swap3A_145 = vector.shape_cast %swap3A_144 : vector<1x16xf32> to vector<16xf32>
      %swap3A_146 = vector.shape_cast %add3A_141 : vector<16xf32> to vector<1x16xf32>
      tpu.vector_store %arg10[%swap3A_142, %swap3A_143], %swap3A_146 {strides = array<i32>} : memref<64x256xf32, #tpu.memory_space<vmem>>, vector<1x16xf32>,
      %get3A_147 = arith.index_cast %scan3A_84 : i32 to index
      %get3A_148 = arith.constant 48 : index
      %get3A_149 = tpu.vector_load %arg10[%get3A_147, %get3A_148] {strides = array<i32>} : memref<64x256xf32, #tpu.memory_space<vmem>>, vector<1x16xf32>,
      %get3A_150 = vector.shape_cast %get3A_149 : vector<1x16xf32> to vector<16xf32>
      %get3A_151 = arith.index_cast %scan3A_84 : i32 to index
      %get3A_152 = arith.constant 48 : index
      %get3A_153 = tpu.vector_load %arg11[%get3A_151, %get3A_152] {strides = array<i32>} : memref<64x256xf32, #tpu.memory_space<vmem>>, vector<1x16xf32>,
      %get3A_154 = vector.shape_cast %get3A_153 : vector<1x16xf32> to vector<16xf32>
      %sub3A_155 = arith.subf %get3A_150, %get3A_154 : vector<16xf32>
      %mul3A_156 = arith.mulf %sub3A_155, %get3A_88 : vector<16xf32>
      %get3A_157 = arith.index_cast %scan3A_84 : i32 to index
      %get3A_158 = arith.constant 48 : index
      %get3A_159 = tpu.vector_load %arg13[%get3A_157, %get3A_158] {strides = array<i32>} : memref<64x256xf32, #tpu.memory_space<vmem>>, vector<1x16xf32>,
      %get3A_160 = vector.shape_cast %get3A_159 : vector<1x16xf32> to vector<16xf32>
      %add3A_161 = arith.addf %mul3A_156, %get3A_160 : vector<16xf32>
      %swap3A_162 = arith.index_cast %scan3A_84 : i32 to index
      %swap3A_163 = arith.constant 48 : index
      %swap3A_164 = tpu.vector_load %arg10[%swap3A_162, %swap3A_163] {strides = array<i32>} : memref<64x256xf32, #tpu.memory_space<vmem>>, vector<1x16xf32>,
      %swap3A_165 = vector.shape_cast %swap3A_164 : vector<1x16xf32> to vector<16xf32>
      %swap3A_166 = vector.shape_cast %add3A_161 : vector<16xf32> to vector<1x16xf32>
      tpu.vector_store %arg10[%swap3A_162, %swap3A_163], %swap3A_166 {strides = array<i32>} : memref<64x256xf32, #tpu.memory_space<vmem>>, vector<1x16xf32>,
      %get3A_167 = arith.index_cast %scan3A_84 : i32 to index
      %get3A_168 = arith.constant 64 : index
      %get3A_169 = tpu.vector_load %arg10[%get3A_167, %get3A_168] {strides = array<i32>} : memref<64x256xf32, #tpu.memory_space<vmem>>, vector<1x16xf32>,
      %get3A_170 = vector.shape_cast %get3A_169 : vector<1x16xf32> to vector<16xf32>
      %get3A_171 = arith.index_cast %scan3A_84 : i32 to index
      %get3A_172 = arith.constant 64 : index
      %get3A_173 = tpu.vector_load %arg11[%get3A_171, %get3A_172] {strides = array<i32>} : memref<64x256xf32, #tpu.memory_space<vmem>>, vector<1x16xf32>,
      %get3A_174 = vector.shape_cast %get3A_173 : vector<1x16xf32> to vector<16xf32>
      %sub3A_175 = arith.subf %get3A_170, %get3A_174 : vector<16xf32>
      %mul3A_176 = arith.mulf %sub3A_175, %get3A_88 : vector<16xf32>
      %get3A_177 = arith.index_cast %scan3A_84 : i32 to index
      %get3A_178 = arith.constant 64 : index
      %get3A_179 = tpu.vector_load %arg13[%get3A_177, %get3A_178] {strides = array<i32>} : memref<64x256xf32, #tpu.memory_space<vmem>>, vector<1x16xf32>,
      %get3A_180 = vector.shape_cast %get3A_179 : vector<1x16xf32> to vector<16xf32>
      %add3A_181 = arith.addf %mul3A_176, %get3A_180 : vector<16xf32>
      %swap3A_182 = arith.index_cast %scan3A_84 : i32 to index
      %swap3A_183 = arith.constant 64 : index
      %swap3A_184 = tpu.vector_load %arg10[%swap3A_182, %swap3A_183] {strides = array<i32>} : memref<64x256xf32, #tpu.memory_space<vmem>>, vector<1x16xf32>,
      %swap3A_185 = vector.shape_cast %swap3A_184 : vector<1x16xf32> to vector<16xf32>
      %swap3A_186 = vector.shape_cast %add3A_181 : vector<16xf32> to vector<1x16xf32>
      tpu.vector_store %arg10[%swap3A_182, %swap3A_183], %swap3A_186 {strides = array<i32>} : memref<64x256xf32, #tpu.memory_space<vmem>>, vector<1x16xf32>,
      %get3A_187 = arith.index_cast %scan3A_84 : i32 to index
      %get3A_188 = arith.constant 80 : index
      %get3A_189 = tpu.vector_load %arg10[%get3A_187, %get3A_188] {strides = array<i32>} : memref<64x256xf32, #tpu.memory_space<vmem>>, vector<1x16xf32>,
      %get3A_190 = vector.shape_cast %get3A_189 : vector<1x16xf32> to vector<16xf32>
      %get3A_191 = arith.index_cast %scan3A_84 : i32 to index
      %get3A_192 = arith.constant 80 : index
      %get3A_193 = tpu.vector_load %arg11[%get3A_191, %get3A_192] {strides = array<i32>} : memref<64x256xf32, #tpu.memory_space<vmem>>, vector<1x16xf32>,
      %get3A_194 = vector.shape_cast %get3A_193 : vector<1x16xf32> to vector<16xf32>
      %sub3A_195 = arith.subf %get3A_190, %get3A_194 : vector<16xf32>
      %mul3A_196 = arith.mulf %sub3A_195, %get3A_88 : vector<16xf32>
      %get3A_197 = arith.index_cast %scan3A_84 : i32 to index
      %get3A_198 = arith.constant 80 : index
      %get3A_199 = tpu.vector_load %arg13[%get3A_197, %get3A_198] {strides = array<i32>} : memref<64x256xf32, #tpu.memory_space<vmem>>, vector<1x16xf32>,
      %get3A_200 = vector.shape_cast %get3A_199 : vector<1x16xf32> to vector<16xf32>
      %add3A_201 = arith.addf %mul3A_196, %get3A_200 : vector<16xf32>
      %swap3A_202 = arith.index_cast %scan3A_84 : i32 to index
      %swap3A_203 = arith.constant 80 : index
      %swap3A_204 = tpu.vector_load %arg10[%swap3A_202, %swap3A_203] {strides = array<i32>} : memref<64x256xf32, #tpu.memory_space<vmem>>, vector<1x16xf32>,
      %swap3A_205 = vector.shape_cast %swap3A_204 : vector<1x16xf32> to vector<16xf32>
      %swap3A_206 = vector.shape_cast %add3A_201 : vector<16xf32> to vector<1x16xf32>
      tpu.vector_store %arg10[%swap3A_202, %swap3A_203], %swap3A_206 {strides = array<i32>} : memref<64x256xf32, #tpu.memory_space<vmem>>, vector<1x16xf32>,
      %get3A_207 = arith.index_cast %scan3A_84 : i32 to index
      %get3A_208 = arith.constant 96 : index
      %get3A_209 = tpu.vector_load %arg10[%get3A_207, %get3A_208] {strides = array<i32>} : memref<64x256xf32, #tpu.memory_space<vmem>>, vector<1x16xf32>,
      %get3A_210 = vector.shape_cast %get3A_209 : vector<1x16xf32> to vector<16xf32>
      %get3A_211 = arith.index_cast %scan3A_84 : i32 to index
      %get3A_212 = arith.constant 96 : index
      %get3A_213 = tpu.vector_load %arg11[%get3A_211, %get3A_212] {strides = array<i32>} : memref<64x256xf32, #tpu.memory_space<vmem>>, vector<1x16xf32>,
      %get3A_214 = vector.shape_cast %get3A_213 : vector<1x16xf32> to vector<16xf32>
      %sub3A_215 = arith.subf %get3A_210, %get3A_214 : vector<16xf32>
      %mul3A_216 = arith.mulf %sub3A_215, %get3A_88 : vector<16xf32>
      %get3A_217 = arith.index_cast %scan3A_84 : i32 to index
      %get3A_218 = arith.constant 96 : index
      %get3A_219 = tpu.vector_load %arg13[%get3A_217, %get3A_218] {strides = array<i32>} : memref<64x256xf32, #tpu.memory_space<vmem>>, vector<1x16xf32>,
      %get3A_220 = vector.shape_cast %get3A_219 : vector<1x16xf32> to vector<16xf32>
      %add3A_221 = arith.addf %mul3A_216, %get3A_220 : vector<16xf32>
      %swap3A_222 = arith.index_cast %scan3A_84 : i32 to index
      %swap3A_223 = arith.constant 96 : index
      %swap3A_224 = tpu.vector_load %arg10[%swap3A_222, %swap3A_223] {strides = array<i32>} : memref<64x256xf32, #tpu.memory_space<vmem>>, vector<1x16xf32>,
      %swap3A_225 = vector.shape_cast %swap3A_224 : vector<1x16xf32> to vector<16xf32>
      %swap3A_226 = vector.shape_cast %add3A_221 : vector<16xf32> to vector<1x16xf32>
      tpu.vector_store %arg10[%swap3A_222, %swap3A_223], %swap3A_226 {strides = array<i32>} : memref<64x256xf32, #tpu.memory_space<vmem>>, vector<1x16xf32>,
      %get3A_227 = arith.index_cast %scan3A_84 : i32 to index
      %get3A_228 = arith.constant 112 : index
      %get3A_229 = tpu.vector_load %arg10[%get3A_227, %get3A_228] {strides = array<i32>} : memref<64x256xf32, #tpu.memory_space<vmem>>, vector<1x16xf32>,
      %get3A_230 = vector.shape_cast %get3A_229 : vector<1x16xf32> to vector<16xf32>
      %get3A_231 = arith.index_cast %scan3A_84 : i32 to index
      %get3A_232 = arith.constant 112 : index
      %get3A_233 = tpu.vector_load %arg11[%get3A_231, %get3A_232] {strides = array<i32>} : memref<64x256xf32, #tpu.memory_space<vmem>>, vector<1x16xf32>,
      %get3A_234 = vector.shape_cast %get3A_233 : vector<1x16xf32> to vector<16xf32>
      %sub3A_235 = arith.subf %get3A_230, %get3A_234 : vector<16xf32>
      %mul3A_236 = arith.mulf %sub3A_235, %get3A_88 : vector<16xf32>
      %get3A_237 = arith.index_cast %scan3A_84 : i32 to index
      %get3A_238 = arith.constant 112 : index
      %get3A_239 = tpu.vector_load %arg13[%get3A_237, %get3A_238] {strides = array<i32>} : memref<64x256xf32, #tpu.memory_space<vmem>>, vector<1x16xf32>,
      %get3A_240 = vector.shape_cast %get3A_239 : vector<1x16xf32> to vector<16xf32>
      %add3A_241 = arith.addf %mul3A_236, %get3A_240 : vector<16xf32>
      %swap3A_242 = arith.index_cast %scan3A_84 : i32 to index
      %swap3A_243 = arith.constant 112 : index
      %swap3A_244 = tpu.vector_load %arg10[%swap3A_242, %swap3A_243] {strides = array<i32>} : memref<64x256xf32, #tpu.memory_space<vmem>>, vector<1x16xf32>,
      %swap3A_245 = vector.shape_cast %swap3A_244 : vector<1x16xf32> to vector<16xf32>
      %swap3A_246 = vector.shape_cast %add3A_241 : vector<16xf32> to vector<1x16xf32>
      tpu.vector_store %arg10[%swap3A_242, %swap3A_243], %swap3A_246 {strides = array<i32>} : memref<64x256xf32, #tpu.memory_space<vmem>>, vector<1x16xf32>,
      %get3A_247 = arith.index_cast %scan3A_84 : i32 to index
      %get3A_248 = arith.constant 128 : index
      %get3A_249 = tpu.vector_load %arg10[%get3A_247, %get3A_248] {strides = array<i32>} : memref<64x256xf32, #tpu.memory_space<vmem>>, vector<1x16xf32>,
      %get3A_250 = vector.shape_cast %get3A_249 : vector<1x16xf32> to vector<16xf32>
      %get3A_251 = arith.index_cast %scan3A_84 : i32 to index
      %get3A_252 = arith.constant 128 : index
      %get3A_253 = tpu.vector_load %arg11[%get3A_251, %get3A_252] {strides = array<i32>} : memref<64x256xf32, #tpu.memory_space<vmem>>, vector<1x16xf32>,
      %get3A_254 = vector.shape_cast %get3A_253 : vector<1x16xf32> to vector<16xf32>
      %sub3A_255 = arith.subf %get3A_250, %get3A_254 : vector<16xf32>
      %mul3A_256 = arith.mulf %sub3A_255, %get3A_88 : vector<16xf32>
      %get3A_257 = arith.index_cast %scan3A_84 : i32 to index
      %get3A_258 = arith.constant 128 : index
      %get3A_259 = tpu.vector_load %arg13[%get3A_257, %get3A_258] {strides = array<i32>} : memref<64x256xf32, #tpu.memory_space<vmem>>, vector<1x16xf32>,
      %get3A_260 = vector.shape_cast %get3A_259 : vector<1x16xf32> to vector<16xf32>
      %add3A_261 = arith.addf %mul3A_256, %get3A_260 : vector<16xf32>
      %swap3A_262 = arith.index_cast %scan3A_84 : i32 to index
      %swap3A_263 = arith.constant 128 : index
      %swap3A_264 = tpu.vector_load %arg10[%swap3A_262, %swap3A_263] {strides = array<i32>} : memref<64x256xf32, #tpu.memory_space<vmem>>, vector<1x16xf32>,
      %swap3A_265 = vector.shape_cast %swap3A_264 : vector<1x16xf32> to vector<16xf32>
      %swap3A_266 = vector.shape_cast %add3A_261 : vector<16xf32> to vector<1x16xf32>
      tpu.vector_store %arg10[%swap3A_262, %swap3A_263], %swap3A_266 {strides = array<i32>} : memref<64x256xf32, #tpu.memory_space<vmem>>, vector<1x16xf32>,
      %get3A_267 = arith.index_cast %scan3A_84 : i32 to index
      %get3A_268 = arith.constant 144 : index
      %get3A_269 = tpu.vector_load %arg10[%get3A_267, %get3A_268] {strides = array<i32>} : memref<64x256xf32, #tpu.memory_space<vmem>>, vector<1x16xf32>,
      %get3A_270 = vector.shape_cast %get3A_269 : vector<1x16xf32> to vector<16xf32>
      %get3A_271 = arith.index_cast %scan3A_84 : i32 to index
      %get3A_272 = arith.constant 144 : index
      %get3A_273 = tpu.vector_load %arg11[%get3A_271, %get3A_272] {strides = array<i32>} : memref<64x256xf32, #tpu.memory_space<vmem>>, vector<1x16xf32>,
      %get3A_274 = vector.shape_cast %get3A_273 : vector<1x16xf32> to vector<16xf32>
      %sub3A_275 = arith.subf %get3A_270, %get3A_274 : vector<16xf32>
      %mul3A_276 = arith.mulf %sub3A_275, %get3A_88 : vector<16xf32>
      %get3A_277 = arith.index_cast %scan3A_84 : i32 to index
      %get3A_278 = arith.constant 144 : index
      %get3A_279 = tpu.vector_load %arg13[%get3A_277, %get3A_278] {strides = array<i32>} : memref<64x256xf32, #tpu.memory_space<vmem>>, vector<1x16xf32>,
      %get3A_280 = vector.shape_cast %get3A_279 : vector<1x16xf32> to vector<16xf32>
      %add3A_281 = arith.addf %mul3A_276, %get3A_280 : vector<16xf32>
      %swap3A_282 = arith.index_cast %scan3A_84 : i32 to index
      %swap3A_283 = arith.constant 144 : index
      %swap3A_284 = tpu.vector_load %arg10[%swap3A_282, %swap3A_283] {strides = array<i32>} : memref<64x256xf32, #tpu.memory_space<vmem>>, vector<1x16xf32>,
      %swap3A_285 = vector.shape_cast %swap3A_284 : vector<1x16xf32> to vector<16xf32>
      %swap3A_286 = vector.shape_cast %add3A_281 : vector<16xf32> to vector<1x16xf32>
      tpu.vector_store %arg10[%swap3A_282, %swap3A_283], %swap3A_286 {strides = array<i32>} : memref<64x256xf32, #tpu.memory_space<vmem>>, vector<1x16xf32>,
      %get3A_287 = arith.index_cast %scan3A_84 : i32 to index
      %get3A_288 = arith.constant 160 : index
      %get3A_289 = tpu.vector_load %arg10[%get3A_287, %get3A_288] {strides = array<i32>} : memref<64x256xf32, #tpu.memory_space<vmem>>, vector<1x16xf32>,
      %get3A_290 = vector.shape_cast %get3A_289 : vector<1x16xf32> to vector<16xf32>
      %get3A_291 = arith.index_cast %scan3A_84 : i32 to index
      %get3A_292 = arith.constant 160 : index
      %get3A_293 = tpu.vector_load %arg11[%get3A_291, %get3A_292] {strides = array<i32>} : memref<64x256xf32, #tpu.memory_space<vmem>>, vector<1x16xf32>,
      %get3A_294 = vector.shape_cast %get3A_293 : vector<1x16xf32> to vector<16xf32>
      %sub3A_295 = arith.subf %get3A_290, %get3A_294 : vector<16xf32>
      %mul3A_296 = arith.mulf %sub3A_295, %get3A_88 : vector<16xf32>
      %get3A_297 = arith.index_cast %scan3A_84 : i32 to index
      %get3A_298 = arith.constant 160 : index
      %get3A_299 = tpu.vector_load %arg13[%get3A_297, %get3A_298] {strides = array<i32>} : memref<64x256xf32, #tpu.memory_space<vmem>>, vector<1x16xf32>,
      %get3A_300 = vector.shape_cast %get3A_299 : vector<1x16xf32> to vector<16xf32>
      %add3A_301 = arith.addf %mul3A_296, %get3A_300 : vector<16xf32>
      %swap3A_302 = arith.index_cast %scan3A_84 : i32 to index
      %swap3A_303 = arith.constant 160 : index
      %swap3A_304 = tpu.vector_load %arg10[%swap3A_302, %swap3A_303] {strides = array<i32>} : memref<64x256xf32, #tpu.memory_space<vmem>>, vector<1x16xf32>,
      %swap3A_305 = vector.shape_cast %swap3A_304 : vector<1x16xf32> to vector<16xf32>
      %swap3A_306 = vector.shape_cast %add3A_301 : vector<16xf32> to vector<1x16xf32>
      tpu.vector_store %arg10[%swap3A_302, %swap3A_303], %swap3A_306 {strides = array<i32>} : memref<64x256xf32, #tpu.memory_space<vmem>>, vector<1x16xf32>,
      %get3A_307 = arith.index_cast %scan3A_84 : i32 to index
      %get3A_308 = arith.constant 176 : index
      %get3A_309 = tpu.vector_load %arg10[%get3A_307, %get3A_308] {strides = array<i32>} : memref<64x256xf32, #tpu.memory_space<vmem>>, vector<1x16xf32>,
      %get3A_310 = vector.shape_cast %get3A_309 : vector<1x16xf32> to vector<16xf32>
      %get3A_311 = arith.index_cast %scan3A_84 : i32 to index
      %get3A_312 = arith.constant 176 : index
      %get3A_313 = tpu.vector_load %arg11[%get3A_311, %get3A_312] {strides = array<i32>} : memref<64x256xf32, #tpu.memory_space<vmem>>, vector<1x16xf32>,
      %get3A_314 = vector.shape_cast %get3A_313 : vector<1x16xf32> to vector<16xf32>
      %sub3A_315 = arith.subf %get3A_310, %get3A_314 : vector<16xf32>
      %mul3A_316 = arith.mulf %sub3A_315, %get3A_88 : vector<16xf32>
      %get3A_317 = arith.index_cast %scan3A_84 : i32 to index
      %get3A_318 = arith.constant 176 : index
      %get3A_319 = tpu.vector_load %arg13[%get3A_317, %get3A_318] {strides = array<i32>} : memref<64x256xf32, #tpu.memory_space<vmem>>, vector<1x16xf32>,
      %get3A_320 = vector.shape_cast %get3A_319 : vector<1x16xf32> to vector<16xf32>
      %add3A_321 = arith.addf %mul3A_316, %get3A_320 : vector<16xf32>
      %swap3A_322 = arith.index_cast %scan3A_84 : i32 to index
      %swap3A_323 = arith.constant 176 : index
      %swap3A_324 = tpu.vector_load %arg10[%swap3A_322, %swap3A_323] {strides = array<i32>} : memref<64x256xf32, #tpu.memory_space<vmem>>, vector<1x16xf32>,
      %swap3A_325 = vector.shape_cast %swap3A_324 : vector<1x16xf32> to vector<16xf32>
      %swap3A_326 = vector.shape_cast %add3A_321 : vector<16xf32> to vector<1x16xf32>
      tpu.vector_store %arg10[%swap3A_322, %swap3A_323], %swap3A_326 {strides = array<i32>} : memref<64x256xf32, #tpu.memory_space<vmem>>, vector<1x16xf32>,
      %get3A_327 = arith.index_cast %scan3A_84 : i32 to index
      %get3A_328 = arith.constant 192 : index
      %get3A_329 = tpu.vector_load %arg10[%get3A_327, %get3A_328] {strides = array<i32>} : memref<64x256xf32, #tpu.memory_space<vmem>>, vector<1x16xf32>,
      %get3A_330 = vector.shape_cast %get3A_329 : vector<1x16xf32> to vector<16xf32>
      %get3A_331 = arith.index_cast %scan3A_84 : i32 to index
      %get3A_332 = arith.constant 192 : index
      %get3A_333 = tpu.vector_load %arg11[%get3A_331, %get3A_332] {strides = array<i32>} : memref<64x256xf32, #tpu.memory_space<vmem>>, vector<1x16xf32>,
      %get3A_334 = vector.shape_cast %get3A_333 : vector<1x16xf32> to vector<16xf32>
      %sub3A_335 = arith.subf %get3A_330, %get3A_334 : vector<16xf32>
      %mul3A_336 = arith.mulf %sub3A_335, %get3A_88 : vector<16xf32>
      %get3A_337 = arith.index_cast %scan3A_84 : i32 to index
      %get3A_338 = arith.constant 192 : index
      %get3A_339 = tpu.vector_load %arg13[%get3A_337, %get3A_338] {strides = array<i32>} : memref<64x256xf32, #tpu.memory_space<vmem>>, vector<1x16xf32>,
      %get3A_340 = vector.shape_cast %get3A_339 : vector<1x16xf32> to vector<16xf32>
      %add3A_341 = arith.addf %mul3A_336, %get3A_340 : vector<16xf32>
      %swap3A_342 = arith.index_cast %scan3A_84 : i32 to index
      %swap3A_343 = arith.constant 192 : index
      %swap3A_344 = tpu.vector_load %arg10[%swap3A_342, %swap3A_343] {strides = array<i32>} : memref<64x256xf32, #tpu.memory_space<vmem>>, vector<1x16xf32>,
      %swap3A_345 = vector.shape_cast %swap3A_344 : vector<1x16xf32> to vector<16xf32>
      %swap3A_346 = vector.shape_cast %add3A_341 : vector<16xf32> to vector<1x16xf32>
      tpu.vector_store %arg10[%swap3A_342, %swap3A_343], %swap3A_346 {strides = array<i32>} : memref<64x256xf32, #tpu.memory_space<vmem>>, vector<1x16xf32>,
      %get3A_347 = arith.index_cast %scan3A_84 : i32 to index
      %get3A_348 = arith.constant 208 : index
      %get3A_349 = tpu.vector_load %arg10[%get3A_347, %get3A_348] {strides = array<i32>} : memref<64x256xf32, #tpu.memory_space<vmem>>, vector<1x16xf32>,
      %get3A_350 = vector.shape_cast %get3A_349 : vector<1x16xf32> to vector<16xf32>
      %get3A_351 = arith.index_cast %scan3A_84 : i32 to index
      %get3A_352 = arith.constant 208 : index
      %get3A_353 = tpu.vector_load %arg11[%get3A_351, %get3A_352] {strides = array<i32>} : memref<64x256xf32, #tpu.memory_space<vmem>>, vector<1x16xf32>,
      %get3A_354 = vector.shape_cast %get3A_353 : vector<1x16xf32> to vector<16xf32>
      %sub3A_355 = arith.subf %get3A_350, %get3A_354 : vector<16xf32>
      %mul3A_356 = arith.mulf %sub3A_355, %get3A_88 : vector<16xf32>
      %get3A_357 = arith.index_cast %scan3A_84 : i32 to index
      %get3A_358 = arith.constant 208 : index
      %get3A_359 = tpu.vector_load %arg13[%get3A_357, %get3A_358] {strides = array<i32>} : memref<64x256xf32, #tpu.memory_space<vmem>>, vector<1x16xf32>,
      %get3A_360 = vector.shape_cast %get3A_359 : vector<1x16xf32> to vector<16xf32>
      %add3A_361 = arith.addf %mul3A_356, %get3A_360 : vector<16xf32>
      %swap3A_362 = arith.index_cast %scan3A_84 : i32 to index
      %swap3A_363 = arith.constant 208 : index
      %swap3A_364 = tpu.vector_load %arg10[%swap3A_362, %swap3A_363] {strides = array<i32>} : memref<64x256xf32, #tpu.memory_space<vmem>>, vector<1x16xf32>,
      %swap3A_365 = vector.shape_cast %swap3A_364 : vector<1x16xf32> to vector<16xf32>
      %swap3A_366 = vector.shape_cast %add3A_361 : vector<16xf32> to vector<1x16xf32>
      tpu.vector_store %arg10[%swap3A_362, %swap3A_363], %swap3A_366 {strides = array<i32>} : memref<64x256xf32, #tpu.memory_space<vmem>>, vector<1x16xf32>,
      %get3A_367 = arith.index_cast %scan3A_84 : i32 to index
      %get3A_368 = arith.constant 224 : index
      %get3A_369 = tpu.vector_load %arg10[%get3A_367, %get3A_368] {strides = array<i32>} : memref<64x256xf32, #tpu.memory_space<vmem>>, vector<1x16xf32>,
      %get3A_370 = vector.shape_cast %get3A_369 : vector<1x16xf32> to vector<16xf32>
      %get3A_371 = arith.index_cast %scan3A_84 : i32 to index
      %get3A_372 = arith.constant 224 : index
      %get3A_373 = tpu.vector_load %arg11[%get3A_371, %get3A_372] {strides = array<i32>} : memref<64x256xf32, #tpu.memory_space<vmem>>, vector<1x16xf32>,
      %get3A_374 = vector.shape_cast %get3A_373 : vector<1x16xf32> to vector<16xf32>
      %sub3A_375 = arith.subf %get3A_370, %get3A_374 : vector<16xf32>
      %mul3A_376 = arith.mulf %sub3A_375, %get3A_88 : vector<16xf32>
      %get3A_377 = arith.index_cast %scan3A_84 : i32 to index
      %get3A_378 = arith.constant 224 : index
      %get3A_379 = tpu.vector_load %arg13[%get3A_377, %get3A_378] {strides = array<i32>} : memref<64x256xf32, #tpu.memory_space<vmem>>, vector<1x16xf32>,
      %get3A_380 = vector.shape_cast %get3A_379 : vector<1x16xf32> to vector<16xf32>
      %add3A_381 = arith.addf %mul3A_376, %get3A_380 : vector<16xf32>
      %swap3A_382 = arith.index_cast %scan3A_84 : i32 to index
      %swap3A_383 = arith.constant 224 : index
      %swap3A_384 = tpu.vector_load %arg10[%swap3A_382, %swap3A_383] {strides = array<i32>} : memref<64x256xf32, #tpu.memory_space<vmem>>, vector<1x16xf32>,
      %swap3A_385 = vector.shape_cast %swap3A_384 : vector<1x16xf32> to vector<16xf32>
      %swap3A_386 = vector.shape_cast %add3A_381 : vector<16xf32> to vector<1x16xf32>
      tpu.vector_store %arg10[%swap3A_382, %swap3A_383], %swap3A_386 {strides = array<i32>} : memref<64x256xf32, #tpu.memory_space<vmem>>, vector<1x16xf32>,
      %get3A_387 = arith.index_cast %scan3A_84 : i32 to index
      %get3A_388 = arith.constant 240 : index
      %get3A_389 = tpu.vector_load %arg10[%get3A_387, %get3A_388] {strides = array<i32>} : memref<64x256xf32, #tpu.memory_space<vmem>>, vector<1x16xf32>,
      %get3A_390 = vector.shape_cast %get3A_389 : vector<1x16xf32> to vector<16xf32>
      %get3A_391 = arith.index_cast %scan3A_84 : i32 to index
      %get3A_392 = arith.constant 240 : index
      %get3A_393 = tpu.vector_load %arg11[%get3A_391, %get3A_392] {strides = array<i32>} : memref<64x256xf32, #tpu.memory_space<vmem>>, vector<1x16xf32>,
      %get3A_394 = vector.shape_cast %get3A_393 : vector<1x16xf32> to vector<16xf32>
      %sub3A_395 = arith.subf %get3A_390, %get3A_394 : vector<16xf32>
      %mul3A_396 = arith.mulf %sub3A_395, %get3A_88 : vector<16xf32>
      %get3A_397 = arith.index_cast %scan3A_84 : i32 to index
      %get3A_398 = arith.constant 240 : index
      %get3A_399 = tpu.vector_load %arg13[%get3A_397, %get3A_398] {strides = array<i32>} : memref<64x256xf32, #tpu.memory_space<vmem>>, vector<1x16xf32>,
      %get3A_400 = vector.shape_cast %get3A_399 : vector<1x16xf32> to vector<16xf32>
      %add3A_401 = arith.addf %mul3A_396, %get3A_400 : vector<16xf32>
      %swap3A_402 = arith.index_cast %scan3A_84 : i32 to index
      %swap3A_403 = arith.constant 240 : index
      %swap3A_404 = tpu.vector_load %arg10[%swap3A_402, %swap3A_403] {strides = array<i32>} : memref<64x256xf32, #tpu.memory_space<vmem>>, vector<1x16xf32>,
      %swap3A_405 = vector.shape_cast %swap3A_404 : vector<1x16xf32> to vector<16xf32>
      %swap3A_406 = vector.shape_cast %add3A_401 : vector<16xf32> to vector<1x16xf32>
      tpu.vector_store %arg10[%swap3A_402, %swap3A_403], %swap3A_406 {strides = array<i32>} : memref<64x256xf32, #tpu.memory_space<vmem>>, vector<1x16xf32>,
      %scan3A_407 = arith.constant 0 : i32
      scf.yield %scan3A_407 : i32
    }
    %scan3A_62 = arith.constant 64 : i32
    "tpu.region"() ({
      %run_scoped3A = tpu.sem_alloc : memref<!tpu.dma_semaphore, #tpu.memory_space<semaphore_mem>>
      %dma_start3A_84 = arith.constant 0 : i32
      %dma_start3A_85 = tpu.memref_slice %arg7[%add3A_43, %dma_start3A_84] : memref<8192x256xf32, #tpu.memory_space<hbm>> -> memref<64x256xf32, #tpu.memory_space<hbm>>
      %dma_start3A_86 = arith.constant 0 : i32
      %dma_start3A_87 = tpu.memref_slice %arg7[%add3A_43, %dma_start3A_86] : memref<8192x256xf32, #tpu.memory_space<hbm>> -> memref<64x256xf32, #tpu.memory_space<hbm>>
      tpu.enqueue_dma source(%arg10 : memref<64x256xf32, #tpu.memory_space<vmem>>) target(%dma_start3A_87 : memref<64x256xf32, #tpu.memory_space<hbm>>) target_semaphore(%run_scoped3A : memref<!tpu.dma_semaphore, #tpu.memory_space<semaphore_mem>>)
      %dma_wait3A_88 = arith.constant 0 : i32
      %dma_wait3A_89 = tpu.memref_slice %arg7[%add3A_43, %dma_wait3A_88] : memref<8192x256xf32, #tpu.memory_space<hbm>> -> memref<64x256xf32, #tpu.memory_space<hbm>>
      %dma_wait3A_90 = arith.constant 0 : i32
      %dma_wait3A_91 = tpu.memref_slice %arg7[%add3A_43, %dma_wait3A_90] : memref<8192x256xf32, #tpu.memory_space<hbm>> -> memref<64x256xf32, #tpu.memory_space<hbm>>
      tpu.wait_dma2 semaphore(%run_scoped3A : memref<!tpu.dma_semaphore, #tpu.memory_space<semaphore_mem>>) src(%arg10 : memref<64x256xf32, #tpu.memory_space<vmem>>) dst(%dma_wait3A_91 : memref<64x256xf32, #tpu.memory_space<hbm>>)
      tpu.yield
    }) : () -> ()
    %add3A_63 = arith.constant 192 : i32
    %add3A_64 = arith.addi %mul3A_2, %add3A_63 : i32
    "tpu.region"() ({
      %run_scoped3A = tpu.sem_alloc : memref<!tpu.dma_semaphore, #tpu.memory_space<semaphore_mem>>
      %dma_start3A_84 = tpu.memref_slice %arg3[%add3A_64] : memref<8192xi32, #tpu.memory_space<hbm>> -> memref<64xi32, #tpu.memory_space<hbm>>
      %dma_start3A_85 = tpu.memref_slice %arg3[%add3A_64] : memref<8192xi32, #tpu.memory_space<hbm>> -> memref<64xi32, #tpu.memory_space<hbm>>
      tpu.enqueue_dma source(%dma_start3A_85 : memref<64xi32, #tpu.memory_space<hbm>>) target(%arg8 : memref<64xi32, #tpu.memory_space<vmem>>) target_semaphore(%run_scoped3A : memref<!tpu.dma_semaphore, #tpu.memory_space<semaphore_mem>>)
      %dma_wait3A_86 = tpu.memref_slice %arg3[%add3A_64] : memref<8192xi32, #tpu.memory_space<hbm>> -> memref<64xi32, #tpu.memory_space<hbm>>
      %dma_wait3A_87 = tpu.memref_slice %arg3[%add3A_64] : memref<8192xi32, #tpu.memory_space<hbm>> -> memref<64xi32, #tpu.memory_space<hbm>>
      tpu.wait_dma2 semaphore(%run_scoped3A : memref<!tpu.dma_semaphore, #tpu.memory_space<semaphore_mem>>) src(%dma_wait3A_87 : memref<64xi32, #tpu.memory_space<hbm>>) dst(%arg8 : memref<64xi32, #tpu.memory_space<vmem>>)
      tpu.yield
    }) : () -> ()
    "tpu.region"() ({
      %run_scoped3A = tpu.sem_alloc : memref<!tpu.dma_semaphore, #tpu.memory_space<semaphore_mem>>
      %dma_start3A_84 = tpu.memref_slice %arg4[%add3A_64] : memref<8192xi32, #tpu.memory_space<hbm>> -> memref<64xi32, #tpu.memory_space<hbm>>
      %dma_start3A_85 = tpu.memref_slice %arg4[%add3A_64] : memref<8192xi32, #tpu.memory_space<hbm>> -> memref<64xi32, #tpu.memory_space<hbm>>
      tpu.enqueue_dma source(%dma_start3A_85 : memref<64xi32, #tpu.memory_space<hbm>>) target(%arg9 : memref<64xi32, #tpu.memory_space<vmem>>) target_semaphore(%run_scoped3A : memref<!tpu.dma_semaphore, #tpu.memory_space<semaphore_mem>>)
      %dma_wait3A_86 = tpu.memref_slice %arg4[%add3A_64] : memref<8192xi32, #tpu.memory_space<hbm>> -> memref<64xi32, #tpu.memory_space<hbm>>
      %dma_wait3A_87 = tpu.memref_slice %arg4[%add3A_64] : memref<8192xi32, #tpu.memory_space<hbm>> -> memref<64xi32, #tpu.memory_space<hbm>>
      tpu.wait_dma2 semaphore(%run_scoped3A : memref<!tpu.dma_semaphore, #tpu.memory_space<semaphore_mem>>) src(%dma_wait3A_87 : memref<64xi32, #tpu.memory_space<hbm>>) dst(%arg9 : memref<64xi32, #tpu.memory_space<vmem>>)
      tpu.yield
    }) : () -> ()
    "tpu.region"() ({
      %run_scoped3A = tpu.sem_alloc : memref<!tpu.dma_semaphore, #tpu.memory_space<semaphore_mem>>
      %dma_start3A_84 = arith.constant 0 : i32
      %dma_start3A_85 = tpu.memref_slice %arg5[%add3A_64, %dma_start3A_84] : memref<8192x16xf32, #tpu.memory_space<hbm>> -> memref<64x16xf32, #tpu.memory_space<hbm>>
      %dma_start3A_86 = arith.constant 0 : i32
      %dma_start3A_87 = tpu.memref_slice %arg5[%add3A_64, %dma_start3A_86] : memref<8192x16xf32, #tpu.memory_space<hbm>> -> memref<64x16xf32, #tpu.memory_space<hbm>>
      tpu.enqueue_dma source(%dma_start3A_87 : memref<64x16xf32, #tpu.memory_space<hbm>>) target(%arg12 : memref<64x16xf32, #tpu.memory_space<vmem>>) target_semaphore(%run_scoped3A : memref<!tpu.dma_semaphore, #tpu.memory_space<semaphore_mem>>)
      %dma_wait3A_88 = arith.constant 0 : i32
      %dma_wait3A_89 = tpu.memref_slice %arg5[%add3A_64, %dma_wait3A_88] : memref<8192x16xf32, #tpu.memory_space<hbm>> -> memref<64x16xf32, #tpu.memory_space<hbm>>
      %dma_wait3A_90 = arith.constant 0 : i32
      %dma_wait3A_91 = tpu.memref_slice %arg5[%add3A_64, %dma_wait3A_90] : memref<8192x16xf32, #tpu.memory_space<hbm>> -> memref<64x16xf32, #tpu.memory_space<hbm>>
      tpu.wait_dma2 semaphore(%run_scoped3A : memref<!tpu.dma_semaphore, #tpu.memory_space<semaphore_mem>>) src(%dma_wait3A_91 : memref<64x16xf32, #tpu.memory_space<hbm>>) dst(%arg12 : memref<64x16xf32, #tpu.memory_space<vmem>>)
      tpu.yield
    }) : () -> ()
    "tpu.region"() ({
      %run_scoped3A = tpu.sem_alloc : memref<!tpu.dma_semaphore, #tpu.memory_space<semaphore_mem>>
      %dma_start3A_84 = arith.constant 0 : i32
      %dma_start3A_85 = tpu.memref_slice %arg6[%add3A_64, %dma_start3A_84] : memref<8192x256xf32, #tpu.memory_space<hbm>> -> memref<64x256xf32, #tpu.memory_space<hbm>>
      %dma_start3A_86 = arith.constant 0 : i32
      %dma_start3A_87 = tpu.memref_slice %arg6[%add3A_64, %dma_start3A_86] : memref<8192x256xf32, #tpu.memory_space<hbm>> -> memref<64x256xf32, #tpu.memory_space<hbm>>
      tpu.enqueue_dma source(%dma_start3A_87 : memref<64x256xf32, #tpu.memory_space<hbm>>) target(%arg13 : memref<64x256xf32, #tpu.memory_space<vmem>>) target_semaphore(%run_scoped3A : memref<!tpu.dma_semaphore, #tpu.memory_space<semaphore_mem>>)
      %dma_wait3A_88 = arith.constant 0 : i32
      %dma_wait3A_89 = tpu.memref_slice %arg6[%add3A_64, %dma_wait3A_88] : memref<8192x256xf32, #tpu.memory_space<hbm>> -> memref<64x256xf32, #tpu.memory_space<hbm>>
      %dma_wait3A_90 = arith.constant 0 : i32
      %dma_wait3A_91 = tpu.memref_slice %arg6[%add3A_64, %dma_wait3A_90] : memref<8192x256xf32, #tpu.memory_space<hbm>> -> memref<64x256xf32, #tpu.memory_space<hbm>>
      tpu.wait_dma2 semaphore(%run_scoped3A : memref<!tpu.dma_semaphore, #tpu.memory_space<semaphore_mem>>) src(%dma_wait3A_91 : memref<64x256xf32, #tpu.memory_space<hbm>>) dst(%arg13 : memref<64x256xf32, #tpu.memory_space<vmem>>)
      tpu.yield
    }) : () -> ()
    %dma_start3A_65 = arith.constant 0 : i32
    %dma_start3A_66 = arith.constant 0 : i32
    %dma_start3A_67 = tpu.memref_slice %arg2[%dma_start3A_65, %dma_start3A_66] : memref<65664x256xf32, #tpu.memory_space<hbm>> -> memref<65664x256xf32, #tpu.memory_space<hbm>>
    tpu.enqueue_indirect_dma source(%dma_start3A_67 : memref<65664x256xf32, #tpu.memory_space<hbm>>) target(%arg10 : memref<64x256xf32, #tpu.memory_space<vmem>>) offsets(%arg8 : memref<64xi32, #tpu.memory_space<vmem>>) semaphore(%arg14 : memref<!tpu.dma_semaphore, #tpu.memory_space<semaphore_mem>>)
    %dma_wait3A_68 = arith.constant 0 : i32
    %dma_wait3A_69 = arith.constant 0 : i32
    %dma_wait3A_70 = tpu.memref_slice %arg2[%dma_wait3A_68, %dma_wait3A_69] : memref<65664x256xf32, #tpu.memory_space<hbm>> -> memref<65664x256xf32, #tpu.memory_space<hbm>>
    tpu.wait_indirect_dma semaphore(%arg14 : memref<!tpu.dma_semaphore, #tpu.memory_space<semaphore_mem>>) src(%dma_wait3A_70 : memref<65664x256xf32, #tpu.memory_space<hbm>>) dst(%arg10 : memref<64x256xf32, #tpu.memory_space<vmem>>)
    %dma_start3A_71 = arith.constant 0 : i32
    %dma_start3A_72 = arith.constant 0 : i32
    %dma_start3A_73 = tpu.memref_slice %arg2[%dma_start3A_71, %dma_start3A_72] : memref<65664x256xf32, #tpu.memory_space<hbm>> -> memref<65664x256xf32, #tpu.memory_space<hbm>>
    tpu.enqueue_indirect_dma source(%dma_start3A_73 : memref<65664x256xf32, #tpu.memory_space<hbm>>) target(%arg11 : memref<64x256xf32, #tpu.memory_space<vmem>>) offsets(%arg9 : memref<64xi32, #tpu.memory_space<vmem>>) semaphore(%arg15 : memref<!tpu.dma_semaphore, #tpu.memory_space<semaphore_mem>>)
    %dma_wait3A_74 = arith.constant 0 : i32
    %dma_wait3A_75 = arith.constant 0 : i32
    %dma_wait3A_76 = tpu.memref_slice %arg2[%dma_wait3A_74, %dma_wait3A_75] : memref<65664x256xf32, #tpu.memory_space<hbm>> -> memref<65664x256xf32, #tpu.memory_space<hbm>>
    tpu.wait_indirect_dma semaphore(%arg15 : memref<!tpu.dma_semaphore, #tpu.memory_space<semaphore_mem>>) src(%dma_wait3A_76 : memref<65664x256xf32, #tpu.memory_space<hbm>>) dst(%arg11 : memref<64x256xf32, #tpu.memory_space<vmem>>)
    %scan3A_77 = arith.constant 0 : i32
    %scan3A_78 = arith.constant 0 : i32
    %scan3A_79 = arith.constant 64 : i32
    %scan3A_80 = arith.addi %scan3A_78, %scan3A_79 : i32
    %scan3A_81 = arith.constant 1 : i32
    %scan3A_82 = scf.for %scan3A_84 = %scan3A_78 to %scan3A_80 step %scan3A_81 iter_args(%scan3A_85 = %scan3A_77) -> (i32)  : i32 {
      %get3A = arith.index_cast %scan3A_84 : i32 to index
      %get3A_86 = arith.constant 0 : index
      %get3A_87 = tpu.vector_load %arg12[%get3A, %get3A_86] {strides = array<i32>} : memref<64x16xf32, #tpu.memory_space<vmem>>, vector<1x16xf32>,
      %get3A_88 = vector.shape_cast %get3A_87 : vector<1x16xf32> to vector<16xf32>
      %get3A_89 = arith.index_cast %scan3A_84 : i32 to index
      %get3A_90 = arith.constant 0 : index
      %get3A_91 = tpu.vector_load %arg10[%get3A_89, %get3A_90] {strides = array<i32>} : memref<64x256xf32, #tpu.memory_space<vmem>>, vector<1x16xf32>,
      %get3A_92 = vector.shape_cast %get3A_91 : vector<1x16xf32> to vector<16xf32>
      %get3A_93 = arith.index_cast %scan3A_84 : i32 to index
      %get3A_94 = arith.constant 0 : index
      %get3A_95 = tpu.vector_load %arg11[%get3A_93, %get3A_94] {strides = array<i32>} : memref<64x256xf32, #tpu.memory_space<vmem>>, vector<1x16xf32>,
      %get3A_96 = vector.shape_cast %get3A_95 : vector<1x16xf32> to vector<16xf32>
      %sub3A = arith.subf %get3A_92, %get3A_96 : vector<16xf32>
      %mul3A_97 = arith.mulf %sub3A, %get3A_88 : vector<16xf32>
      %get3A_98 = arith.index_cast %scan3A_84 : i32 to index
      %get3A_99 = arith.constant 0 : index
      %get3A_100 = tpu.vector_load %arg13[%get3A_98, %get3A_99] {strides = array<i32>} : memref<64x256xf32, #tpu.memory_space<vmem>>, vector<1x16xf32>,
      %get3A_101 = vector.shape_cast %get3A_100 : vector<1x16xf32> to vector<16xf32>
      %add3A_102 = arith.addf %mul3A_97, %get3A_101 : vector<16xf32>
      %swap3A = arith.index_cast %scan3A_84 : i32 to index
      %swap3A_103 = arith.constant 0 : index
      %swap3A_104 = tpu.vector_load %arg10[%swap3A, %swap3A_103] {strides = array<i32>} : memref<64x256xf32, #tpu.memory_space<vmem>>, vector<1x16xf32>,
      %swap3A_105 = vector.shape_cast %swap3A_104 : vector<1x16xf32> to vector<16xf32>
      %swap3A_106 = vector.shape_cast %add3A_102 : vector<16xf32> to vector<1x16xf32>
      tpu.vector_store %arg10[%swap3A, %swap3A_103], %swap3A_106 {strides = array<i32>} : memref<64x256xf32, #tpu.memory_space<vmem>>, vector<1x16xf32>,
      %get3A_107 = arith.index_cast %scan3A_84 : i32 to index
      %get3A_108 = arith.constant 16 : index
      %get3A_109 = tpu.vector_load %arg10[%get3A_107, %get3A_108] {strides = array<i32>} : memref<64x256xf32, #tpu.memory_space<vmem>>, vector<1x16xf32>,
      %get3A_110 = vector.shape_cast %get3A_109 : vector<1x16xf32> to vector<16xf32>
      %get3A_111 = arith.index_cast %scan3A_84 : i32 to index
      %get3A_112 = arith.constant 16 : index
      %get3A_113 = tpu.vector_load %arg11[%get3A_111, %get3A_112] {strides = array<i32>} : memref<64x256xf32, #tpu.memory_space<vmem>>, vector<1x16xf32>,
      %get3A_114 = vector.shape_cast %get3A_113 : vector<1x16xf32> to vector<16xf32>
      %sub3A_115 = arith.subf %get3A_110, %get3A_114 : vector<16xf32>
      %mul3A_116 = arith.mulf %sub3A_115, %get3A_88 : vector<16xf32>
      %get3A_117 = arith.index_cast %scan3A_84 : i32 to index
      %get3A_118 = arith.constant 16 : index
      %get3A_119 = tpu.vector_load %arg13[%get3A_117, %get3A_118] {strides = array<i32>} : memref<64x256xf32, #tpu.memory_space<vmem>>, vector<1x16xf32>,
      %get3A_120 = vector.shape_cast %get3A_119 : vector<1x16xf32> to vector<16xf32>
      %add3A_121 = arith.addf %mul3A_116, %get3A_120 : vector<16xf32>
      %swap3A_122 = arith.index_cast %scan3A_84 : i32 to index
      %swap3A_123 = arith.constant 16 : index
      %swap3A_124 = tpu.vector_load %arg10[%swap3A_122, %swap3A_123] {strides = array<i32>} : memref<64x256xf32, #tpu.memory_space<vmem>>, vector<1x16xf32>,
      %swap3A_125 = vector.shape_cast %swap3A_124 : vector<1x16xf32> to vector<16xf32>
      %swap3A_126 = vector.shape_cast %add3A_121 : vector<16xf32> to vector<1x16xf32>
      tpu.vector_store %arg10[%swap3A_122, %swap3A_123], %swap3A_126 {strides = array<i32>} : memref<64x256xf32, #tpu.memory_space<vmem>>, vector<1x16xf32>,
      %get3A_127 = arith.index_cast %scan3A_84 : i32 to index
      %get3A_128 = arith.constant 32 : index
      %get3A_129 = tpu.vector_load %arg10[%get3A_127, %get3A_128] {strides = array<i32>} : memref<64x256xf32, #tpu.memory_space<vmem>>, vector<1x16xf32>,
      %get3A_130 = vector.shape_cast %get3A_129 : vector<1x16xf32> to vector<16xf32>
      %get3A_131 = arith.index_cast %scan3A_84 : i32 to index
      %get3A_132 = arith.constant 32 : index
      %get3A_133 = tpu.vector_load %arg11[%get3A_131, %get3A_132] {strides = array<i32>} : memref<64x256xf32, #tpu.memory_space<vmem>>, vector<1x16xf32>,
      %get3A_134 = vector.shape_cast %get3A_133 : vector<1x16xf32> to vector<16xf32>
      %sub3A_135 = arith.subf %get3A_130, %get3A_134 : vector<16xf32>
      %mul3A_136 = arith.mulf %sub3A_135, %get3A_88 : vector<16xf32>
      %get3A_137 = arith.index_cast %scan3A_84 : i32 to index
      %get3A_138 = arith.constant 32 : index
      %get3A_139 = tpu.vector_load %arg13[%get3A_137, %get3A_138] {strides = array<i32>} : memref<64x256xf32, #tpu.memory_space<vmem>>, vector<1x16xf32>,
      %get3A_140 = vector.shape_cast %get3A_139 : vector<1x16xf32> to vector<16xf32>
      %add3A_141 = arith.addf %mul3A_136, %get3A_140 : vector<16xf32>
      %swap3A_142 = arith.index_cast %scan3A_84 : i32 to index
      %swap3A_143 = arith.constant 32 : index
      %swap3A_144 = tpu.vector_load %arg10[%swap3A_142, %swap3A_143] {strides = array<i32>} : memref<64x256xf32, #tpu.memory_space<vmem>>, vector<1x16xf32>,
      %swap3A_145 = vector.shape_cast %swap3A_144 : vector<1x16xf32> to vector<16xf32>
      %swap3A_146 = vector.shape_cast %add3A_141 : vector<16xf32> to vector<1x16xf32>
      tpu.vector_store %arg10[%swap3A_142, %swap3A_143], %swap3A_146 {strides = array<i32>} : memref<64x256xf32, #tpu.memory_space<vmem>>, vector<1x16xf32>,
      %get3A_147 = arith.index_cast %scan3A_84 : i32 to index
      %get3A_148 = arith.constant 48 : index
      %get3A_149 = tpu.vector_load %arg10[%get3A_147, %get3A_148] {strides = array<i32>} : memref<64x256xf32, #tpu.memory_space<vmem>>, vector<1x16xf32>,
      %get3A_150 = vector.shape_cast %get3A_149 : vector<1x16xf32> to vector<16xf32>
      %get3A_151 = arith.index_cast %scan3A_84 : i32 to index
      %get3A_152 = arith.constant 48 : index
      %get3A_153 = tpu.vector_load %arg11[%get3A_151, %get3A_152] {strides = array<i32>} : memref<64x256xf32, #tpu.memory_space<vmem>>, vector<1x16xf32>,
      %get3A_154 = vector.shape_cast %get3A_153 : vector<1x16xf32> to vector<16xf32>
      %sub3A_155 = arith.subf %get3A_150, %get3A_154 : vector<16xf32>
      %mul3A_156 = arith.mulf %sub3A_155, %get3A_88 : vector<16xf32>
      %get3A_157 = arith.index_cast %scan3A_84 : i32 to index
      %get3A_158 = arith.constant 48 : index
      %get3A_159 = tpu.vector_load %arg13[%get3A_157, %get3A_158] {strides = array<i32>} : memref<64x256xf32, #tpu.memory_space<vmem>>, vector<1x16xf32>,
      %get3A_160 = vector.shape_cast %get3A_159 : vector<1x16xf32> to vector<16xf32>
      %add3A_161 = arith.addf %mul3A_156, %get3A_160 : vector<16xf32>
      %swap3A_162 = arith.index_cast %scan3A_84 : i32 to index
      %swap3A_163 = arith.constant 48 : index
      %swap3A_164 = tpu.vector_load %arg10[%swap3A_162, %swap3A_163] {strides = array<i32>} : memref<64x256xf32, #tpu.memory_space<vmem>>, vector<1x16xf32>,
      %swap3A_165 = vector.shape_cast %swap3A_164 : vector<1x16xf32> to vector<16xf32>
      %swap3A_166 = vector.shape_cast %add3A_161 : vector<16xf32> to vector<1x16xf32>
      tpu.vector_store %arg10[%swap3A_162, %swap3A_163], %swap3A_166 {strides = array<i32>} : memref<64x256xf32, #tpu.memory_space<vmem>>, vector<1x16xf32>,
      %get3A_167 = arith.index_cast %scan3A_84 : i32 to index
      %get3A_168 = arith.constant 64 : index
      %get3A_169 = tpu.vector_load %arg10[%get3A_167, %get3A_168] {strides = array<i32>} : memref<64x256xf32, #tpu.memory_space<vmem>>, vector<1x16xf32>,
      %get3A_170 = vector.shape_cast %get3A_169 : vector<1x16xf32> to vector<16xf32>
      %get3A_171 = arith.index_cast %scan3A_84 : i32 to index
      %get3A_172 = arith.constant 64 : index
      %get3A_173 = tpu.vector_load %arg11[%get3A_171, %get3A_172] {strides = array<i32>} : memref<64x256xf32, #tpu.memory_space<vmem>>, vector<1x16xf32>,
      %get3A_174 = vector.shape_cast %get3A_173 : vector<1x16xf32> to vector<16xf32>
      %sub3A_175 = arith.subf %get3A_170, %get3A_174 : vector<16xf32>
      %mul3A_176 = arith.mulf %sub3A_175, %get3A_88 : vector<16xf32>
      %get3A_177 = arith.index_cast %scan3A_84 : i32 to index
      %get3A_178 = arith.constant 64 : index
      %get3A_179 = tpu.vector_load %arg13[%get3A_177, %get3A_178] {strides = array<i32>} : memref<64x256xf32, #tpu.memory_space<vmem>>, vector<1x16xf32>,
      %get3A_180 = vector.shape_cast %get3A_179 : vector<1x16xf32> to vector<16xf32>
      %add3A_181 = arith.addf %mul3A_176, %get3A_180 : vector<16xf32>
      %swap3A_182 = arith.index_cast %scan3A_84 : i32 to index
      %swap3A_183 = arith.constant 64 : index
      %swap3A_184 = tpu.vector_load %arg10[%swap3A_182, %swap3A_183] {strides = array<i32>} : memref<64x256xf32, #tpu.memory_space<vmem>>, vector<1x16xf32>,
      %swap3A_185 = vector.shape_cast %swap3A_184 : vector<1x16xf32> to vector<16xf32>
      %swap3A_186 = vector.shape_cast %add3A_181 : vector<16xf32> to vector<1x16xf32>
      tpu.vector_store %arg10[%swap3A_182, %swap3A_183], %swap3A_186 {strides = array<i32>} : memref<64x256xf32, #tpu.memory_space<vmem>>, vector<1x16xf32>,
      %get3A_187 = arith.index_cast %scan3A_84 : i32 to index
      %get3A_188 = arith.constant 80 : index
      %get3A_189 = tpu.vector_load %arg10[%get3A_187, %get3A_188] {strides = array<i32>} : memref<64x256xf32, #tpu.memory_space<vmem>>, vector<1x16xf32>,
      %get3A_190 = vector.shape_cast %get3A_189 : vector<1x16xf32> to vector<16xf32>
      %get3A_191 = arith.index_cast %scan3A_84 : i32 to index
      %get3A_192 = arith.constant 80 : index
      %get3A_193 = tpu.vector_load %arg11[%get3A_191, %get3A_192] {strides = array<i32>} : memref<64x256xf32, #tpu.memory_space<vmem>>, vector<1x16xf32>,
      %get3A_194 = vector.shape_cast %get3A_193 : vector<1x16xf32> to vector<16xf32>
      %sub3A_195 = arith.subf %get3A_190, %get3A_194 : vector<16xf32>
      %mul3A_196 = arith.mulf %sub3A_195, %get3A_88 : vector<16xf32>
      %get3A_197 = arith.index_cast %scan3A_84 : i32 to index
      %get3A_198 = arith.constant 80 : index
      %get3A_199 = tpu.vector_load %arg13[%get3A_197, %get3A_198] {strides = array<i32>} : memref<64x256xf32, #tpu.memory_space<vmem>>, vector<1x16xf32>,
      %get3A_200 = vector.shape_cast %get3A_199 : vector<1x16xf32> to vector<16xf32>
      %add3A_201 = arith.addf %mul3A_196, %get3A_200 : vector<16xf32>
      %swap3A_202 = arith.index_cast %scan3A_84 : i32 to index
      %swap3A_203 = arith.constant 80 : index
      %swap3A_204 = tpu.vector_load %arg10[%swap3A_202, %swap3A_203] {strides = array<i32>} : memref<64x256xf32, #tpu.memory_space<vmem>>, vector<1x16xf32>,
      %swap3A_205 = vector.shape_cast %swap3A_204 : vector<1x16xf32> to vector<16xf32>
      %swap3A_206 = vector.shape_cast %add3A_201 : vector<16xf32> to vector<1x16xf32>
      tpu.vector_store %arg10[%swap3A_202, %swap3A_203], %swap3A_206 {strides = array<i32>} : memref<64x256xf32, #tpu.memory_space<vmem>>, vector<1x16xf32>,
      %get3A_207 = arith.index_cast %scan3A_84 : i32 to index
      %get3A_208 = arith.constant 96 : index
      %get3A_209 = tpu.vector_load %arg10[%get3A_207, %get3A_208] {strides = array<i32>} : memref<64x256xf32, #tpu.memory_space<vmem>>, vector<1x16xf32>,
      %get3A_210 = vector.shape_cast %get3A_209 : vector<1x16xf32> to vector<16xf32>
      %get3A_211 = arith.index_cast %scan3A_84 : i32 to index
      %get3A_212 = arith.constant 96 : index
      %get3A_213 = tpu.vector_load %arg11[%get3A_211, %get3A_212] {strides = array<i32>} : memref<64x256xf32, #tpu.memory_space<vmem>>, vector<1x16xf32>,
      %get3A_214 = vector.shape_cast %get3A_213 : vector<1x16xf32> to vector<16xf32>
      %sub3A_215 = arith.subf %get3A_210, %get3A_214 : vector<16xf32>
      %mul3A_216 = arith.mulf %sub3A_215, %get3A_88 : vector<16xf32>
      %get3A_217 = arith.index_cast %scan3A_84 : i32 to index
      %get3A_218 = arith.constant 96 : index
      %get3A_219 = tpu.vector_load %arg13[%get3A_217, %get3A_218] {strides = array<i32>} : memref<64x256xf32, #tpu.memory_space<vmem>>, vector<1x16xf32>,
      %get3A_220 = vector.shape_cast %get3A_219 : vector<1x16xf32> to vector<16xf32>
      %add3A_221 = arith.addf %mul3A_216, %get3A_220 : vector<16xf32>
      %swap3A_222 = arith.index_cast %scan3A_84 : i32 to index
      %swap3A_223 = arith.constant 96 : index
      %swap3A_224 = tpu.vector_load %arg10[%swap3A_222, %swap3A_223] {strides = array<i32>} : memref<64x256xf32, #tpu.memory_space<vmem>>, vector<1x16xf32>,
      %swap3A_225 = vector.shape_cast %swap3A_224 : vector<1x16xf32> to vector<16xf32>
      %swap3A_226 = vector.shape_cast %add3A_221 : vector<16xf32> to vector<1x16xf32>
      tpu.vector_store %arg10[%swap3A_222, %swap3A_223], %swap3A_226 {strides = array<i32>} : memref<64x256xf32, #tpu.memory_space<vmem>>, vector<1x16xf32>,
      %get3A_227 = arith.index_cast %scan3A_84 : i32 to index
      %get3A_228 = arith.constant 112 : index
      %get3A_229 = tpu.vector_load %arg10[%get3A_227, %get3A_228] {strides = array<i32>} : memref<64x256xf32, #tpu.memory_space<vmem>>, vector<1x16xf32>,
      %get3A_230 = vector.shape_cast %get3A_229 : vector<1x16xf32> to vector<16xf32>
      %get3A_231 = arith.index_cast %scan3A_84 : i32 to index
      %get3A_232 = arith.constant 112 : index
      %get3A_233 = tpu.vector_load %arg11[%get3A_231, %get3A_232] {strides = array<i32>} : memref<64x256xf32, #tpu.memory_space<vmem>>, vector<1x16xf32>,
      %get3A_234 = vector.shape_cast %get3A_233 : vector<1x16xf32> to vector<16xf32>
      %sub3A_235 = arith.subf %get3A_230, %get3A_234 : vector<16xf32>
      %mul3A_236 = arith.mulf %sub3A_235, %get3A_88 : vector<16xf32>
      %get3A_237 = arith.index_cast %scan3A_84 : i32 to index
      %get3A_238 = arith.constant 112 : index
      %get3A_239 = tpu.vector_load %arg13[%get3A_237, %get3A_238] {strides = array<i32>} : memref<64x256xf32, #tpu.memory_space<vmem>>, vector<1x16xf32>,
      %get3A_240 = vector.shape_cast %get3A_239 : vector<1x16xf32> to vector<16xf32>
      %add3A_241 = arith.addf %mul3A_236, %get3A_240 : vector<16xf32>
      %swap3A_242 = arith.index_cast %scan3A_84 : i32 to index
      %swap3A_243 = arith.constant 112 : index
      %swap3A_244 = tpu.vector_load %arg10[%swap3A_242, %swap3A_243] {strides = array<i32>} : memref<64x256xf32, #tpu.memory_space<vmem>>, vector<1x16xf32>,
      %swap3A_245 = vector.shape_cast %swap3A_244 : vector<1x16xf32> to vector<16xf32>
      %swap3A_246 = vector.shape_cast %add3A_241 : vector<16xf32> to vector<1x16xf32>
      tpu.vector_store %arg10[%swap3A_242, %swap3A_243], %swap3A_246 {strides = array<i32>} : memref<64x256xf32, #tpu.memory_space<vmem>>, vector<1x16xf32>,
      %get3A_247 = arith.index_cast %scan3A_84 : i32 to index
      %get3A_248 = arith.constant 128 : index
      %get3A_249 = tpu.vector_load %arg10[%get3A_247, %get3A_248] {strides = array<i32>} : memref<64x256xf32, #tpu.memory_space<vmem>>, vector<1x16xf32>,
      %get3A_250 = vector.shape_cast %get3A_249 : vector<1x16xf32> to vector<16xf32>
      %get3A_251 = arith.index_cast %scan3A_84 : i32 to index
      %get3A_252 = arith.constant 128 : index
      %get3A_253 = tpu.vector_load %arg11[%get3A_251, %get3A_252] {strides = array<i32>} : memref<64x256xf32, #tpu.memory_space<vmem>>, vector<1x16xf32>,
      %get3A_254 = vector.shape_cast %get3A_253 : vector<1x16xf32> to vector<16xf32>
      %sub3A_255 = arith.subf %get3A_250, %get3A_254 : vector<16xf32>
      %mul3A_256 = arith.mulf %sub3A_255, %get3A_88 : vector<16xf32>
      %get3A_257 = arith.index_cast %scan3A_84 : i32 to index
      %get3A_258 = arith.constant 128 : index
      %get3A_259 = tpu.vector_load %arg13[%get3A_257, %get3A_258] {strides = array<i32>} : memref<64x256xf32, #tpu.memory_space<vmem>>, vector<1x16xf32>,
      %get3A_260 = vector.shape_cast %get3A_259 : vector<1x16xf32> to vector<16xf32>
      %add3A_261 = arith.addf %mul3A_256, %get3A_260 : vector<16xf32>
      %swap3A_262 = arith.index_cast %scan3A_84 : i32 to index
      %swap3A_263 = arith.constant 128 : index
      %swap3A_264 = tpu.vector_load %arg10[%swap3A_262, %swap3A_263] {strides = array<i32>} : memref<64x256xf32, #tpu.memory_space<vmem>>, vector<1x16xf32>,
      %swap3A_265 = vector.shape_cast %swap3A_264 : vector<1x16xf32> to vector<16xf32>
      %swap3A_266 = vector.shape_cast %add3A_261 : vector<16xf32> to vector<1x16xf32>
      tpu.vector_store %arg10[%swap3A_262, %swap3A_263], %swap3A_266 {strides = array<i32>} : memref<64x256xf32, #tpu.memory_space<vmem>>, vector<1x16xf32>,
      %get3A_267 = arith.index_cast %scan3A_84 : i32 to index
      %get3A_268 = arith.constant 144 : index
      %get3A_269 = tpu.vector_load %arg10[%get3A_267, %get3A_268] {strides = array<i32>} : memref<64x256xf32, #tpu.memory_space<vmem>>, vector<1x16xf32>,
      %get3A_270 = vector.shape_cast %get3A_269 : vector<1x16xf32> to vector<16xf32>
      %get3A_271 = arith.index_cast %scan3A_84 : i32 to index
      %get3A_272 = arith.constant 144 : index
      %get3A_273 = tpu.vector_load %arg11[%get3A_271, %get3A_272] {strides = array<i32>} : memref<64x256xf32, #tpu.memory_space<vmem>>, vector<1x16xf32>,
      %get3A_274 = vector.shape_cast %get3A_273 : vector<1x16xf32> to vector<16xf32>
      %sub3A_275 = arith.subf %get3A_270, %get3A_274 : vector<16xf32>
      %mul3A_276 = arith.mulf %sub3A_275, %get3A_88 : vector<16xf32>
      %get3A_277 = arith.index_cast %scan3A_84 : i32 to index
      %get3A_278 = arith.constant 144 : index
      %get3A_279 = tpu.vector_load %arg13[%get3A_277, %get3A_278] {strides = array<i32>} : memref<64x256xf32, #tpu.memory_space<vmem>>, vector<1x16xf32>,
      %get3A_280 = vector.shape_cast %get3A_279 : vector<1x16xf32> to vector<16xf32>
      %add3A_281 = arith.addf %mul3A_276, %get3A_280 : vector<16xf32>
      %swap3A_282 = arith.index_cast %scan3A_84 : i32 to index
      %swap3A_283 = arith.constant 144 : index
      %swap3A_284 = tpu.vector_load %arg10[%swap3A_282, %swap3A_283] {strides = array<i32>} : memref<64x256xf32, #tpu.memory_space<vmem>>, vector<1x16xf32>,
      %swap3A_285 = vector.shape_cast %swap3A_284 : vector<1x16xf32> to vector<16xf32>
      %swap3A_286 = vector.shape_cast %add3A_281 : vector<16xf32> to vector<1x16xf32>
      tpu.vector_store %arg10[%swap3A_282, %swap3A_283], %swap3A_286 {strides = array<i32>} : memref<64x256xf32, #tpu.memory_space<vmem>>, vector<1x16xf32>,
      %get3A_287 = arith.index_cast %scan3A_84 : i32 to index
      %get3A_288 = arith.constant 160 : index
      %get3A_289 = tpu.vector_load %arg10[%get3A_287, %get3A_288] {strides = array<i32>} : memref<64x256xf32, #tpu.memory_space<vmem>>, vector<1x16xf32>,
      %get3A_290 = vector.shape_cast %get3A_289 : vector<1x16xf32> to vector<16xf32>
      %get3A_291 = arith.index_cast %scan3A_84 : i32 to index
      %get3A_292 = arith.constant 160 : index
      %get3A_293 = tpu.vector_load %arg11[%get3A_291, %get3A_292] {strides = array<i32>} : memref<64x256xf32, #tpu.memory_space<vmem>>, vector<1x16xf32>,
      %get3A_294 = vector.shape_cast %get3A_293 : vector<1x16xf32> to vector<16xf32>
      %sub3A_295 = arith.subf %get3A_290, %get3A_294 : vector<16xf32>
      %mul3A_296 = arith.mulf %sub3A_295, %get3A_88 : vector<16xf32>
      %get3A_297 = arith.index_cast %scan3A_84 : i32 to index
      %get3A_298 = arith.constant 160 : index
      %get3A_299 = tpu.vector_load %arg13[%get3A_297, %get3A_298] {strides = array<i32>} : memref<64x256xf32, #tpu.memory_space<vmem>>, vector<1x16xf32>,
      %get3A_300 = vector.shape_cast %get3A_299 : vector<1x16xf32> to vector<16xf32>
      %add3A_301 = arith.addf %mul3A_296, %get3A_300 : vector<16xf32>
      %swap3A_302 = arith.index_cast %scan3A_84 : i32 to index
      %swap3A_303 = arith.constant 160 : index
      %swap3A_304 = tpu.vector_load %arg10[%swap3A_302, %swap3A_303] {strides = array<i32>} : memref<64x256xf32, #tpu.memory_space<vmem>>, vector<1x16xf32>,
      %swap3A_305 = vector.shape_cast %swap3A_304 : vector<1x16xf32> to vector<16xf32>
      %swap3A_306 = vector.shape_cast %add3A_301 : vector<16xf32> to vector<1x16xf32>
      tpu.vector_store %arg10[%swap3A_302, %swap3A_303], %swap3A_306 {strides = array<i32>} : memref<64x256xf32, #tpu.memory_space<vmem>>, vector<1x16xf32>,
      %get3A_307 = arith.index_cast %scan3A_84 : i32 to index
      %get3A_308 = arith.constant 176 : index
      %get3A_309 = tpu.vector_load %arg10[%get3A_307, %get3A_308] {strides = array<i32>} : memref<64x256xf32, #tpu.memory_space<vmem>>, vector<1x16xf32>,
      %get3A_310 = vector.shape_cast %get3A_309 : vector<1x16xf32> to vector<16xf32>
      %get3A_311 = arith.index_cast %scan3A_84 : i32 to index
      %get3A_312 = arith.constant 176 : index
      %get3A_313 = tpu.vector_load %arg11[%get3A_311, %get3A_312] {strides = array<i32>} : memref<64x256xf32, #tpu.memory_space<vmem>>, vector<1x16xf32>,
      %get3A_314 = vector.shape_cast %get3A_313 : vector<1x16xf32> to vector<16xf32>
      %sub3A_315 = arith.subf %get3A_310, %get3A_314 : vector<16xf32>
      %mul3A_316 = arith.mulf %sub3A_315, %get3A_88 : vector<16xf32>
      %get3A_317 = arith.index_cast %scan3A_84 : i32 to index
      %get3A_318 = arith.constant 176 : index
      %get3A_319 = tpu.vector_load %arg13[%get3A_317, %get3A_318] {strides = array<i32>} : memref<64x256xf32, #tpu.memory_space<vmem>>, vector<1x16xf32>,
      %get3A_320 = vector.shape_cast %get3A_319 : vector<1x16xf32> to vector<16xf32>
      %add3A_321 = arith.addf %mul3A_316, %get3A_320 : vector<16xf32>
      %swap3A_322 = arith.index_cast %scan3A_84 : i32 to index
      %swap3A_323 = arith.constant 176 : index
      %swap3A_324 = tpu.vector_load %arg10[%swap3A_322, %swap3A_323] {strides = array<i32>} : memref<64x256xf32, #tpu.memory_space<vmem>>, vector<1x16xf32>,
      %swap3A_325 = vector.shape_cast %swap3A_324 : vector<1x16xf32> to vector<16xf32>
      %swap3A_326 = vector.shape_cast %add3A_321 : vector<16xf32> to vector<1x16xf32>
      tpu.vector_store %arg10[%swap3A_322, %swap3A_323], %swap3A_326 {strides = array<i32>} : memref<64x256xf32, #tpu.memory_space<vmem>>, vector<1x16xf32>,
      %get3A_327 = arith.index_cast %scan3A_84 : i32 to index
      %get3A_328 = arith.constant 192 : index
      %get3A_329 = tpu.vector_load %arg10[%get3A_327, %get3A_328] {strides = array<i32>} : memref<64x256xf32, #tpu.memory_space<vmem>>, vector<1x16xf32>,
      %get3A_330 = vector.shape_cast %get3A_329 : vector<1x16xf32> to vector<16xf32>
      %get3A_331 = arith.index_cast %scan3A_84 : i32 to index
      %get3A_332 = arith.constant 192 : index
      %get3A_333 = tpu.vector_load %arg11[%get3A_331, %get3A_332] {strides = array<i32>} : memref<64x256xf32, #tpu.memory_space<vmem>>, vector<1x16xf32>,
      %get3A_334 = vector.shape_cast %get3A_333 : vector<1x16xf32> to vector<16xf32>
      %sub3A_335 = arith.subf %get3A_330, %get3A_334 : vector<16xf32>
      %mul3A_336 = arith.mulf %sub3A_335, %get3A_88 : vector<16xf32>
      %get3A_337 = arith.index_cast %scan3A_84 : i32 to index
      %get3A_338 = arith.constant 192 : index
      %get3A_339 = tpu.vector_load %arg13[%get3A_337, %get3A_338] {strides = array<i32>} : memref<64x256xf32, #tpu.memory_space<vmem>>, vector<1x16xf32>,
      %get3A_340 = vector.shape_cast %get3A_339 : vector<1x16xf32> to vector<16xf32>
      %add3A_341 = arith.addf %mul3A_336, %get3A_340 : vector<16xf32>
      %swap3A_342 = arith.index_cast %scan3A_84 : i32 to index
      %swap3A_343 = arith.constant 192 : index
      %swap3A_344 = tpu.vector_load %arg10[%swap3A_342, %swap3A_343] {strides = array<i32>} : memref<64x256xf32, #tpu.memory_space<vmem>>, vector<1x16xf32>,
      %swap3A_345 = vector.shape_cast %swap3A_344 : vector<1x16xf32> to vector<16xf32>
      %swap3A_346 = vector.shape_cast %add3A_341 : vector<16xf32> to vector<1x16xf32>
      tpu.vector_store %arg10[%swap3A_342, %swap3A_343], %swap3A_346 {strides = array<i32>} : memref<64x256xf32, #tpu.memory_space<vmem>>, vector<1x16xf32>,
      %get3A_347 = arith.index_cast %scan3A_84 : i32 to index
      %get3A_348 = arith.constant 208 : index
      %get3A_349 = tpu.vector_load %arg10[%get3A_347, %get3A_348] {strides = array<i32>} : memref<64x256xf32, #tpu.memory_space<vmem>>, vector<1x16xf32>,
      %get3A_350 = vector.shape_cast %get3A_349 : vector<1x16xf32> to vector<16xf32>
      %get3A_351 = arith.index_cast %scan3A_84 : i32 to index
      %get3A_352 = arith.constant 208 : index
      %get3A_353 = tpu.vector_load %arg11[%get3A_351, %get3A_352] {strides = array<i32>} : memref<64x256xf32, #tpu.memory_space<vmem>>, vector<1x16xf32>,
      %get3A_354 = vector.shape_cast %get3A_353 : vector<1x16xf32> to vector<16xf32>
      %sub3A_355 = arith.subf %get3A_350, %get3A_354 : vector<16xf32>
      %mul3A_356 = arith.mulf %sub3A_355, %get3A_88 : vector<16xf32>
      %get3A_357 = arith.index_cast %scan3A_84 : i32 to index
      %get3A_358 = arith.constant 208 : index
      %get3A_359 = tpu.vector_load %arg13[%get3A_357, %get3A_358] {strides = array<i32>} : memref<64x256xf32, #tpu.memory_space<vmem>>, vector<1x16xf32>,
      %get3A_360 = vector.shape_cast %get3A_359 : vector<1x16xf32> to vector<16xf32>
      %add3A_361 = arith.addf %mul3A_356, %get3A_360 : vector<16xf32>
      %swap3A_362 = arith.index_cast %scan3A_84 : i32 to index
      %swap3A_363 = arith.constant 208 : index
      %swap3A_364 = tpu.vector_load %arg10[%swap3A_362, %swap3A_363] {strides = array<i32>} : memref<64x256xf32, #tpu.memory_space<vmem>>, vector<1x16xf32>,
      %swap3A_365 = vector.shape_cast %swap3A_364 : vector<1x16xf32> to vector<16xf32>
      %swap3A_366 = vector.shape_cast %add3A_361 : vector<16xf32> to vector<1x16xf32>
      tpu.vector_store %arg10[%swap3A_362, %swap3A_363], %swap3A_366 {strides = array<i32>} : memref<64x256xf32, #tpu.memory_space<vmem>>, vector<1x16xf32>,
      %get3A_367 = arith.index_cast %scan3A_84 : i32 to index
      %get3A_368 = arith.constant 224 : index
      %get3A_369 = tpu.vector_load %arg10[%get3A_367, %get3A_368] {strides = array<i32>} : memref<64x256xf32, #tpu.memory_space<vmem>>, vector<1x16xf32>,
      %get3A_370 = vector.shape_cast %get3A_369 : vector<1x16xf32> to vector<16xf32>
      %get3A_371 = arith.index_cast %scan3A_84 : i32 to index
      %get3A_372 = arith.constant 224 : index
      %get3A_373 = tpu.vector_load %arg11[%get3A_371, %get3A_372] {strides = array<i32>} : memref<64x256xf32, #tpu.memory_space<vmem>>, vector<1x16xf32>,
      %get3A_374 = vector.shape_cast %get3A_373 : vector<1x16xf32> to vector<16xf32>
      %sub3A_375 = arith.subf %get3A_370, %get3A_374 : vector<16xf32>
      %mul3A_376 = arith.mulf %sub3A_375, %get3A_88 : vector<16xf32>
      %get3A_377 = arith.index_cast %scan3A_84 : i32 to index
      %get3A_378 = arith.constant 224 : index
      %get3A_379 = tpu.vector_load %arg13[%get3A_377, %get3A_378] {strides = array<i32>} : memref<64x256xf32, #tpu.memory_space<vmem>>, vector<1x16xf32>,
      %get3A_380 = vector.shape_cast %get3A_379 : vector<1x16xf32> to vector<16xf32>
      %add3A_381 = arith.addf %mul3A_376, %get3A_380 : vector<16xf32>
      %swap3A_382 = arith.index_cast %scan3A_84 : i32 to index
      %swap3A_383 = arith.constant 224 : index
      %swap3A_384 = tpu.vector_load %arg10[%swap3A_382, %swap3A_383] {strides = array<i32>} : memref<64x256xf32, #tpu.memory_space<vmem>>, vector<1x16xf32>,
      %swap3A_385 = vector.shape_cast %swap3A_384 : vector<1x16xf32> to vector<16xf32>
      %swap3A_386 = vector.shape_cast %add3A_381 : vector<16xf32> to vector<1x16xf32>
      tpu.vector_store %arg10[%swap3A_382, %swap3A_383], %swap3A_386 {strides = array<i32>} : memref<64x256xf32, #tpu.memory_space<vmem>>, vector<1x16xf32>,
      %get3A_387 = arith.index_cast %scan3A_84 : i32 to index
      %get3A_388 = arith.constant 240 : index
      %get3A_389 = tpu.vector_load %arg10[%get3A_387, %get3A_388] {strides = array<i32>} : memref<64x256xf32, #tpu.memory_space<vmem>>, vector<1x16xf32>,
      %get3A_390 = vector.shape_cast %get3A_389 : vector<1x16xf32> to vector<16xf32>
      %get3A_391 = arith.index_cast %scan3A_84 : i32 to index
      %get3A_392 = arith.constant 240 : index
      %get3A_393 = tpu.vector_load %arg11[%get3A_391, %get3A_392] {strides = array<i32>} : memref<64x256xf32, #tpu.memory_space<vmem>>, vector<1x16xf32>,
      %get3A_394 = vector.shape_cast %get3A_393 : vector<1x16xf32> to vector<16xf32>
      %sub3A_395 = arith.subf %get3A_390, %get3A_394 : vector<16xf32>
      %mul3A_396 = arith.mulf %sub3A_395, %get3A_88 : vector<16xf32>
      %get3A_397 = arith.index_cast %scan3A_84 : i32 to index
      %get3A_398 = arith.constant 240 : index
      %get3A_399 = tpu.vector_load %arg13[%get3A_397, %get3A_398] {strides = array<i32>} : memref<64x256xf32, #tpu.memory_space<vmem>>, vector<1x16xf32>,
      %get3A_400 = vector.shape_cast %get3A_399 : vector<1x16xf32> to vector<16xf32>
      %add3A_401 = arith.addf %mul3A_396, %get3A_400 : vector<16xf32>
      %swap3A_402 = arith.index_cast %scan3A_84 : i32 to index
      %swap3A_403 = arith.constant 240 : index
      %swap3A_404 = tpu.vector_load %arg10[%swap3A_402, %swap3A_403] {strides = array<i32>} : memref<64x256xf32, #tpu.memory_space<vmem>>, vector<1x16xf32>,
      %swap3A_405 = vector.shape_cast %swap3A_404 : vector<1x16xf32> to vector<16xf32>
      %swap3A_406 = vector.shape_cast %add3A_401 : vector<16xf32> to vector<1x16xf32>
      tpu.vector_store %arg10[%swap3A_402, %swap3A_403], %swap3A_406 {strides = array<i32>} : memref<64x256xf32, #tpu.memory_space<vmem>>, vector<1x16xf32>,
      %scan3A_407 = arith.constant 0 : i32
      scf.yield %scan3A_407 : i32
    }
    %scan3A_83 = arith.constant 64 : i32
    "tpu.region"() ({
      %run_scoped3A = tpu.sem_alloc : memref<!tpu.dma_semaphore, #tpu.memory_space<semaphore_mem>>
      %dma_start3A_84 = arith.constant 0 : i32
      %dma_start3A_85 = tpu.memref_slice %arg7[%add3A_64, %dma_start3A_84] : memref<8192x256xf32, #tpu.memory_space<hbm>> -> memref<64x256xf32, #tpu.memory_space<hbm>>
      %dma_start3A_86 = arith.constant 0 : i32
      %dma_start3A_87 = tpu.memref_slice %arg7[%add3A_64, %dma_start3A_86] : memref<8192x256xf32, #tpu.memory_space<hbm>> -> memref<64x256xf32, #tpu.memory_space<hbm>>
      tpu.enqueue_dma source(%arg10 : memref<64x256xf32, #tpu.memory_space<vmem>>) target(%dma_start3A_87 : memref<64x256xf32, #tpu.memory_space<hbm>>) target_semaphore(%run_scoped3A : memref<!tpu.dma_semaphore, #tpu.memory_space<semaphore_mem>>)
      %dma_wait3A_88 = arith.constant 0 : i32
      %dma_wait3A_89 = tpu.memref_slice %arg7[%add3A_64, %dma_wait3A_88] : memref<8192x256xf32, #tpu.memory_space<hbm>> -> memref<64x256xf32, #tpu.memory_space<hbm>>
      %dma_wait3A_90 = arith.constant 0 : i32
      %dma_wait3A_91 = tpu.memref_slice %arg7[%add3A_64, %dma_wait3A_90] : memref<8192x256xf32, #tpu.memory_space<hbm>> -> memref<64x256xf32, #tpu.memory_space<hbm>>
      tpu.wait_dma2 semaphore(%run_scoped3A : memref<!tpu.dma_semaphore, #tpu.memory_space<semaphore_mem>>) src(%arg10 : memref<64x256xf32, #tpu.memory_space<vmem>>) dst(%dma_wait3A_91 : memref<64x256xf32, #tpu.memory_space<hbm>>)
      tpu.yield
    }) : () -> ()
    return
  }
}

module attributes {stable_mosaic.version = 14 : i64} {
  func.func @_tc_body(%arg0: i32, %arg1: memref<1x4096x256xf32, #tpu.memory_space<vmem>>, %arg2: memref<288x256xf32, #tpu.memory_space<vmem>>, %arg3: memref<256xf32, #tpu.memory_space<vmem>>, %arg4: memref<512x32xf32, #tpu.memory_space<vmem>>, %arg5: memref<1x4104x256xf32, #tpu.memory_space<vmem>>, %arg6: memref<512x256xf32, #tpu.memory_space<vmem>>) attributes {dimension_semantics = [#tpu.dimension_semantics<arbitrary>], iteration_bounds = array<i64: 16>, scalar_prefetch = 0 : i64, scratch_operands = 0 : i64, tpu.core_type = #tpu.core_type<tc>, window_params = [{transform_indices = @transform_0, window_bounds = array<i64: 1, 4096, 256>}, {pipeline_mode = #tpu.pipeline_mode<synchronous>, transform_indices = @transform_1, window_bounds = array<i64: 288, 256>}, {pipeline_mode = #tpu.pipeline_mode<synchronous>, transform_indices = @transform_2, window_bounds = array<i64: 256>}, {pipeline_mode = #tpu.pipeline_mode<synchronous>, transform_indices = @transform_3, window_bounds = array<i64: 512, 32>}, {transform_indices = @transform_4, window_bounds = array<i64: 1, 4104, 256>}, {pipeline_mode = #tpu.pipeline_mode<synchronous>, transform_indices = @transform_5, window_bounds = array<i64: 512, 256>}]} {
    %get3A = arith.constant 0 : index
    %get3A_0 = arith.constant 0 : index
    %get3A_1 = arith.constant 0 : index
    %get3A_2 = vector.load %arg1[%get3A, %get3A_0, %get3A_1] : memref<1x4096x256xf32, #tpu.memory_space<vmem>>, vector<1x4096x256xf32>
    %get3A_3 = vector.shape_cast %get3A_2 : vector<1x4096x256xf32> to vector<4096x256xf32>
    %convert_element_type3A = arith.truncf %get3A_3 : vector<4096x256xf32> to vector<4096x256xbf16>
    %get3A_4 = arith.constant 0 : index
    %get3A_5 = arith.constant 0 : index
    %get3A_6 = vector.load %arg2[%get3A_4, %get3A_5] : memref<288x256xf32, #tpu.memory_space<vmem>>, vector<256x256xf32>
    %convert_element_type3A_7 = arith.truncf %get3A_6 : vector<256x256xf32> to vector<256x256xbf16>
    %dot_general3A = arith.constant dense<0.000000e+00> : vector<4096x256xf32>
    %dot_general3A_8 = tpu.matmul %convert_element_type3A, %convert_element_type3A_7, %dot_general3A {dimension_numbers = #tpu.dot_dimension_numbers<[1], [0], [0], [1], [0, 0, 1, 1], [], []>, transpose_lhs_hint = false} : vector<4096x256xbf16>, vector<256x256xbf16>, vector<4096x256xf32> -> vector<4096x256xf32>
    %iota3A = tpu.iota {dimensions = array<i32: 0>} : vector<256x256xi16>
    %iota3A_9 = tpu.iota {dimensions = array<i32: 1>} : vector<256x256xi16>
    %ge3A = arith.cmpi sge, %iota3A, %iota3A_9 : vector<256x256xi16>
    %jit3A = arith.constant 1.000000e+00 : bf16
    %jit3A_10 = arith.constant 0.000000e+00 : bf16
    %broadcast_in_dim3A = vector.broadcast %jit3A : bf16 to vector<256x256xbf16>
    %broadcast_in_dim3A_11 = vector.broadcast %jit3A_10 : bf16 to vector<256x256xbf16>
    %select_n3A = arith.select %ge3A, %broadcast_in_dim3A, %broadcast_in_dim3A_11 : vector<256x256xi1>, vector<256x256xbf16>
    %broadcast_in_dim3A_12 = arith.constant 0.000000e+00 : f32
    %broadcast_in_dim3A_13 = vector.broadcast %broadcast_in_dim3A_12 : f32 to vector<1x256xf32>
    %slice3A = vector.extract_strided_slice %dot_general3A_8 {offsets = [0, 0], sizes = [256, 256], strides = [1, 1]} : vector<4096x256xf32> to vector<256x256xf32>
    %convert_element_type3A_14 = arith.truncf %slice3A : vector<256x256xf32> to vector<256x256xbf16>
    %dot_general3A_15 = arith.constant dense<0.000000e+00> : vector<256x256xf32>
    %dot_general3A_16 = tpu.matmul %select_n3A, %convert_element_type3A_14, %dot_general3A_15 {dimension_numbers = #tpu.dot_dimension_numbers<[1], [0], [0], [1], [0, 0, 1, 1], [], []>, transpose_lhs_hint = false} : vector<256x256xbf16>, vector<256x256xbf16>, vector<256x256xf32> -> vector<256x256xf32>
    %add3A = vector.broadcast %broadcast_in_dim3A_13 : vector<1x256xf32> to vector<256x256xf32>
    %add3A_17 = arith.addf %dot_general3A_16, %add3A : vector<256x256xf32>
    %swap3A = arith.constant 0 : index
    %swap3A_18 = arith.constant 0 : index
    %swap3A_19 = arith.constant 0 : index
    %swap3A_20 = vector.load %arg5[%swap3A, %swap3A_18, %swap3A_19] : memref<1x4104x256xf32, #tpu.memory_space<vmem>>, vector<1x256x256xf32>
    %swap3A_21 = vector.shape_cast %swap3A_20 : vector<1x256x256xf32> to vector<256x256xf32>
    %swap3A_22 = vector.shape_cast %add3A_17 : vector<256x256xf32> to vector<1x256x256xf32>
    tpu.vector_store %arg5[%swap3A, %swap3A_18, %swap3A_19], %swap3A_22 {strides = array<i32>} : memref<1x4104x256xf32, #tpu.memory_space<vmem>>, vector<1x256x256xf32>,
    %slice3A_23 = vector.extract_strided_slice %dot_general3A_16 {offsets = [255, 0], sizes = [1, 256], strides = [1, 1]} : vector<256x256xf32> to vector<1x256xf32>
    %add3A_24 = arith.addf %broadcast_in_dim3A_13, %slice3A_23 : vector<1x256xf32>
    %slice3A_25 = vector.extract_strided_slice %dot_general3A_8 {offsets = [256, 0], sizes = [256, 256], strides = [1, 1]} : vector<4096x256xf32> to vector<256x256xf32>
    %convert_element_type3A_26 = arith.truncf %slice3A_25 : vector<256x256xf32> to vector<256x256xbf16>
    %dot_general3A_27 = arith.constant dense<0.000000e+00> : vector<256x256xf32>
    %dot_general3A_28 = tpu.matmul %select_n3A, %convert_element_type3A_26, %dot_general3A_27 {dimension_numbers = #tpu.dot_dimension_numbers<[1], [0], [0], [1], [0, 0, 1, 1], [], []>, transpose_lhs_hint = false} : vector<256x256xbf16>, vector<256x256xbf16>, vector<256x256xf32> -> vector<256x256xf32>
    %add3A_29 = vector.broadcast %add3A_24 : vector<1x256xf32> to vector<256x256xf32>
    %add3A_30 = arith.addf %dot_general3A_28, %add3A_29 : vector<256x256xf32>
    %swap3A_31 = arith.constant 0 : index
    %swap3A_32 = arith.constant 256 : index
    %swap3A_33 = arith.constant 0 : index
    %swap3A_34 = vector.load %arg5[%swap3A_31, %swap3A_32, %swap3A_33] : memref<1x4104x256xf32, #tpu.memory_space<vmem>>, vector<1x256x256xf32>
    %swap3A_35 = vector.shape_cast %swap3A_34 : vector<1x256x256xf32> to vector<256x256xf32>
    %swap3A_36 = vector.shape_cast %add3A_30 : vector<256x256xf32> to vector<1x256x256xf32>
    tpu.vector_store %arg5[%swap3A_31, %swap3A_32, %swap3A_33], %swap3A_36 {strides = array<i32>} : memref<1x4104x256xf32, #tpu.memory_space<vmem>>, vector<1x256x256xf32>,
    %slice3A_37 = vector.extract_strided_slice %dot_general3A_28 {offsets = [255, 0], sizes = [1, 256], strides = [1, 1]} : vector<256x256xf32> to vector<1x256xf32>
    %add3A_38 = arith.addf %add3A_24, %slice3A_37 : vector<1x256xf32>
    %slice3A_39 = vector.extract_strided_slice %dot_general3A_8 {offsets = [512, 0], sizes = [256, 256], strides = [1, 1]} : vector<4096x256xf32> to vector<256x256xf32>
    %convert_element_type3A_40 = arith.truncf %slice3A_39 : vector<256x256xf32> to vector<256x256xbf16>
    %dot_general3A_41 = arith.constant dense<0.000000e+00> : vector<256x256xf32>
    %dot_general3A_42 = tpu.matmul %select_n3A, %convert_element_type3A_40, %dot_general3A_41 {dimension_numbers = #tpu.dot_dimension_numbers<[1], [0], [0], [1], [0, 0, 1, 1], [], []>, transpose_lhs_hint = false} : vector<256x256xbf16>, vector<256x256xbf16>, vector<256x256xf32> -> vector<256x256xf32>
    %add3A_43 = vector.broadcast %add3A_38 : vector<1x256xf32> to vector<256x256xf32>
    %add3A_44 = arith.addf %dot_general3A_42, %add3A_43 : vector<256x256xf32>
    %swap3A_45 = arith.constant 0 : index
    %swap3A_46 = arith.constant 512 : index
    %swap3A_47 = arith.constant 0 : index
    %swap3A_48 = vector.load %arg5[%swap3A_45, %swap3A_46, %swap3A_47] : memref<1x4104x256xf32, #tpu.memory_space<vmem>>, vector<1x256x256xf32>
    %swap3A_49 = vector.shape_cast %swap3A_48 : vector<1x256x256xf32> to vector<256x256xf32>
    %swap3A_50 = vector.shape_cast %add3A_44 : vector<256x256xf32> to vector<1x256x256xf32>
    tpu.vector_store %arg5[%swap3A_45, %swap3A_46, %swap3A_47], %swap3A_50 {strides = array<i32>} : memref<1x4104x256xf32, #tpu.memory_space<vmem>>, vector<1x256x256xf32>,
    %slice3A_51 = vector.extract_strided_slice %dot_general3A_42 {offsets = [255, 0], sizes = [1, 256], strides = [1, 1]} : vector<256x256xf32> to vector<1x256xf32>
    %add3A_52 = arith.addf %add3A_38, %slice3A_51 : vector<1x256xf32>
    %slice3A_53 = vector.extract_strided_slice %dot_general3A_8 {offsets = [768, 0], sizes = [256, 256], strides = [1, 1]} : vector<4096x256xf32> to vector<256x256xf32>
    %convert_element_type3A_54 = arith.truncf %slice3A_53 : vector<256x256xf32> to vector<256x256xbf16>
    %dot_general3A_55 = arith.constant dense<0.000000e+00> : vector<256x256xf32>
    %dot_general3A_56 = tpu.matmul %select_n3A, %convert_element_type3A_54, %dot_general3A_55 {dimension_numbers = #tpu.dot_dimension_numbers<[1], [0], [0], [1], [0, 0, 1, 1], [], []>, transpose_lhs_hint = false} : vector<256x256xbf16>, vector<256x256xbf16>, vector<256x256xf32> -> vector<256x256xf32>
    %add3A_57 = vector.broadcast %add3A_52 : vector<1x256xf32> to vector<256x256xf32>
    %add3A_58 = arith.addf %dot_general3A_56, %add3A_57 : vector<256x256xf32>
    %swap3A_59 = arith.constant 0 : index
    %swap3A_60 = arith.constant 768 : index
    %swap3A_61 = arith.constant 0 : index
    %swap3A_62 = vector.load %arg5[%swap3A_59, %swap3A_60, %swap3A_61] : memref<1x4104x256xf32, #tpu.memory_space<vmem>>, vector<1x256x256xf32>
    %swap3A_63 = vector.shape_cast %swap3A_62 : vector<1x256x256xf32> to vector<256x256xf32>
    %swap3A_64 = vector.shape_cast %add3A_58 : vector<256x256xf32> to vector<1x256x256xf32>
    tpu.vector_store %arg5[%swap3A_59, %swap3A_60, %swap3A_61], %swap3A_64 {strides = array<i32>} : memref<1x4104x256xf32, #tpu.memory_space<vmem>>, vector<1x256x256xf32>,
    %slice3A_65 = vector.extract_strided_slice %dot_general3A_56 {offsets = [255, 0], sizes = [1, 256], strides = [1, 1]} : vector<256x256xf32> to vector<1x256xf32>
    %add3A_66 = arith.addf %add3A_52, %slice3A_65 : vector<1x256xf32>
    %slice3A_67 = vector.extract_strided_slice %dot_general3A_8 {offsets = [1024, 0], sizes = [256, 256], strides = [1, 1]} : vector<4096x256xf32> to vector<256x256xf32>
    %convert_element_type3A_68 = arith.truncf %slice3A_67 : vector<256x256xf32> to vector<256x256xbf16>
    %dot_general3A_69 = arith.constant dense<0.000000e+00> : vector<256x256xf32>
    %dot_general3A_70 = tpu.matmul %select_n3A, %convert_element_type3A_68, %dot_general3A_69 {dimension_numbers = #tpu.dot_dimension_numbers<[1], [0], [0], [1], [0, 0, 1, 1], [], []>, transpose_lhs_hint = false} : vector<256x256xbf16>, vector<256x256xbf16>, vector<256x256xf32> -> vector<256x256xf32>
    %add3A_71 = vector.broadcast %add3A_66 : vector<1x256xf32> to vector<256x256xf32>
    %add3A_72 = arith.addf %dot_general3A_70, %add3A_71 : vector<256x256xf32>
    %swap3A_73 = arith.constant 0 : index
    %swap3A_74 = arith.constant 1024 : index
    %swap3A_75 = arith.constant 0 : index
    %swap3A_76 = vector.load %arg5[%swap3A_73, %swap3A_74, %swap3A_75] : memref<1x4104x256xf32, #tpu.memory_space<vmem>>, vector<1x256x256xf32>
    %swap3A_77 = vector.shape_cast %swap3A_76 : vector<1x256x256xf32> to vector<256x256xf32>
    %swap3A_78 = vector.shape_cast %add3A_72 : vector<256x256xf32> to vector<1x256x256xf32>
    tpu.vector_store %arg5[%swap3A_73, %swap3A_74, %swap3A_75], %swap3A_78 {strides = array<i32>} : memref<1x4104x256xf32, #tpu.memory_space<vmem>>, vector<1x256x256xf32>,
    %slice3A_79 = vector.extract_strided_slice %dot_general3A_70 {offsets = [255, 0], sizes = [1, 256], strides = [1, 1]} : vector<256x256xf32> to vector<1x256xf32>
    %add3A_80 = arith.addf %add3A_66, %slice3A_79 : vector<1x256xf32>
    %slice3A_81 = vector.extract_strided_slice %dot_general3A_8 {offsets = [1280, 0], sizes = [256, 256], strides = [1, 1]} : vector<4096x256xf32> to vector<256x256xf32>
    %convert_element_type3A_82 = arith.truncf %slice3A_81 : vector<256x256xf32> to vector<256x256xbf16>
    %dot_general3A_83 = arith.constant dense<0.000000e+00> : vector<256x256xf32>
    %dot_general3A_84 = tpu.matmul %select_n3A, %convert_element_type3A_82, %dot_general3A_83 {dimension_numbers = #tpu.dot_dimension_numbers<[1], [0], [0], [1], [0, 0, 1, 1], [], []>, transpose_lhs_hint = false} : vector<256x256xbf16>, vector<256x256xbf16>, vector<256x256xf32> -> vector<256x256xf32>
    %add3A_85 = vector.broadcast %add3A_80 : vector<1x256xf32> to vector<256x256xf32>
    %add3A_86 = arith.addf %dot_general3A_84, %add3A_85 : vector<256x256xf32>
    %swap3A_87 = arith.constant 0 : index
    %swap3A_88 = arith.constant 1280 : index
    %swap3A_89 = arith.constant 0 : index
    %swap3A_90 = vector.load %arg5[%swap3A_87, %swap3A_88, %swap3A_89] : memref<1x4104x256xf32, #tpu.memory_space<vmem>>, vector<1x256x256xf32>
    %swap3A_91 = vector.shape_cast %swap3A_90 : vector<1x256x256xf32> to vector<256x256xf32>
    %swap3A_92 = vector.shape_cast %add3A_86 : vector<256x256xf32> to vector<1x256x256xf32>
    tpu.vector_store %arg5[%swap3A_87, %swap3A_88, %swap3A_89], %swap3A_92 {strides = array<i32>} : memref<1x4104x256xf32, #tpu.memory_space<vmem>>, vector<1x256x256xf32>,
    %slice3A_93 = vector.extract_strided_slice %dot_general3A_84 {offsets = [255, 0], sizes = [1, 256], strides = [1, 1]} : vector<256x256xf32> to vector<1x256xf32>
    %add3A_94 = arith.addf %add3A_80, %slice3A_93 : vector<1x256xf32>
    %slice3A_95 = vector.extract_strided_slice %dot_general3A_8 {offsets = [1536, 0], sizes = [256, 256], strides = [1, 1]} : vector<4096x256xf32> to vector<256x256xf32>
    %convert_element_type3A_96 = arith.truncf %slice3A_95 : vector<256x256xf32> to vector<256x256xbf16>
    %dot_general3A_97 = arith.constant dense<0.000000e+00> : vector<256x256xf32>
    %dot_general3A_98 = tpu.matmul %select_n3A, %convert_element_type3A_96, %dot_general3A_97 {dimension_numbers = #tpu.dot_dimension_numbers<[1], [0], [0], [1], [0, 0, 1, 1], [], []>, transpose_lhs_hint = false} : vector<256x256xbf16>, vector<256x256xbf16>, vector<256x256xf32> -> vector<256x256xf32>
    %add3A_99 = vector.broadcast %add3A_94 : vector<1x256xf32> to vector<256x256xf32>
    %add3A_100 = arith.addf %dot_general3A_98, %add3A_99 : vector<256x256xf32>
    %swap3A_101 = arith.constant 0 : index
    %swap3A_102 = arith.constant 1536 : index
    %swap3A_103 = arith.constant 0 : index
    %swap3A_104 = vector.load %arg5[%swap3A_101, %swap3A_102, %swap3A_103] : memref<1x4104x256xf32, #tpu.memory_space<vmem>>, vector<1x256x256xf32>
    %swap3A_105 = vector.shape_cast %swap3A_104 : vector<1x256x256xf32> to vector<256x256xf32>
    %swap3A_106 = vector.shape_cast %add3A_100 : vector<256x256xf32> to vector<1x256x256xf32>
    tpu.vector_store %arg5[%swap3A_101, %swap3A_102, %swap3A_103], %swap3A_106 {strides = array<i32>} : memref<1x4104x256xf32, #tpu.memory_space<vmem>>, vector<1x256x256xf32>,
    %slice3A_107 = vector.extract_strided_slice %dot_general3A_98 {offsets = [255, 0], sizes = [1, 256], strides = [1, 1]} : vector<256x256xf32> to vector<1x256xf32>
    %add3A_108 = arith.addf %add3A_94, %slice3A_107 : vector<1x256xf32>
    %slice3A_109 = vector.extract_strided_slice %dot_general3A_8 {offsets = [1792, 0], sizes = [256, 256], strides = [1, 1]} : vector<4096x256xf32> to vector<256x256xf32>
    %convert_element_type3A_110 = arith.truncf %slice3A_109 : vector<256x256xf32> to vector<256x256xbf16>
    %dot_general3A_111 = arith.constant dense<0.000000e+00> : vector<256x256xf32>
    %dot_general3A_112 = tpu.matmul %select_n3A, %convert_element_type3A_110, %dot_general3A_111 {dimension_numbers = #tpu.dot_dimension_numbers<[1], [0], [0], [1], [0, 0, 1, 1], [], []>, transpose_lhs_hint = false} : vector<256x256xbf16>, vector<256x256xbf16>, vector<256x256xf32> -> vector<256x256xf32>
    %add3A_113 = vector.broadcast %add3A_108 : vector<1x256xf32> to vector<256x256xf32>
    %add3A_114 = arith.addf %dot_general3A_112, %add3A_113 : vector<256x256xf32>
    %swap3A_115 = arith.constant 0 : index
    %swap3A_116 = arith.constant 1792 : index
    %swap3A_117 = arith.constant 0 : index
    %swap3A_118 = vector.load %arg5[%swap3A_115, %swap3A_116, %swap3A_117] : memref<1x4104x256xf32, #tpu.memory_space<vmem>>, vector<1x256x256xf32>
    %swap3A_119 = vector.shape_cast %swap3A_118 : vector<1x256x256xf32> to vector<256x256xf32>
    %swap3A_120 = vector.shape_cast %add3A_114 : vector<256x256xf32> to vector<1x256x256xf32>
    tpu.vector_store %arg5[%swap3A_115, %swap3A_116, %swap3A_117], %swap3A_120 {strides = array<i32>} : memref<1x4104x256xf32, #tpu.memory_space<vmem>>, vector<1x256x256xf32>,
    %slice3A_121 = vector.extract_strided_slice %dot_general3A_112 {offsets = [255, 0], sizes = [1, 256], strides = [1, 1]} : vector<256x256xf32> to vector<1x256xf32>
    %add3A_122 = arith.addf %add3A_108, %slice3A_121 : vector<1x256xf32>
    %slice3A_123 = vector.extract_strided_slice %dot_general3A_8 {offsets = [2048, 0], sizes = [256, 256], strides = [1, 1]} : vector<4096x256xf32> to vector<256x256xf32>
    %convert_element_type3A_124 = arith.truncf %slice3A_123 : vector<256x256xf32> to vector<256x256xbf16>
    %dot_general3A_125 = arith.constant dense<0.000000e+00> : vector<256x256xf32>
    %dot_general3A_126 = tpu.matmul %select_n3A, %convert_element_type3A_124, %dot_general3A_125 {dimension_numbers = #tpu.dot_dimension_numbers<[1], [0], [0], [1], [0, 0, 1, 1], [], []>, transpose_lhs_hint = false} : vector<256x256xbf16>, vector<256x256xbf16>, vector<256x256xf32> -> vector<256x256xf32>
    %add3A_127 = vector.broadcast %add3A_122 : vector<1x256xf32> to vector<256x256xf32>
    %add3A_128 = arith.addf %dot_general3A_126, %add3A_127 : vector<256x256xf32>
    %swap3A_129 = arith.constant 0 : index
    %swap3A_130 = arith.constant 2048 : index
    %swap3A_131 = arith.constant 0 : index
    %swap3A_132 = vector.load %arg5[%swap3A_129, %swap3A_130, %swap3A_131] : memref<1x4104x256xf32, #tpu.memory_space<vmem>>, vector<1x256x256xf32>
    %swap3A_133 = vector.shape_cast %swap3A_132 : vector<1x256x256xf32> to vector<256x256xf32>
    %swap3A_134 = vector.shape_cast %add3A_128 : vector<256x256xf32> to vector<1x256x256xf32>
    tpu.vector_store %arg5[%swap3A_129, %swap3A_130, %swap3A_131], %swap3A_134 {strides = array<i32>} : memref<1x4104x256xf32, #tpu.memory_space<vmem>>, vector<1x256x256xf32>,
    %slice3A_135 = vector.extract_strided_slice %dot_general3A_126 {offsets = [255, 0], sizes = [1, 256], strides = [1, 1]} : vector<256x256xf32> to vector<1x256xf32>
    %add3A_136 = arith.addf %add3A_122, %slice3A_135 : vector<1x256xf32>
    %slice3A_137 = vector.extract_strided_slice %dot_general3A_8 {offsets = [2304, 0], sizes = [256, 256], strides = [1, 1]} : vector<4096x256xf32> to vector<256x256xf32>
    %convert_element_type3A_138 = arith.truncf %slice3A_137 : vector<256x256xf32> to vector<256x256xbf16>
    %dot_general3A_139 = arith.constant dense<0.000000e+00> : vector<256x256xf32>
    %dot_general3A_140 = tpu.matmul %select_n3A, %convert_element_type3A_138, %dot_general3A_139 {dimension_numbers = #tpu.dot_dimension_numbers<[1], [0], [0], [1], [0, 0, 1, 1], [], []>, transpose_lhs_hint = false} : vector<256x256xbf16>, vector<256x256xbf16>, vector<256x256xf32> -> vector<256x256xf32>
    %add3A_141 = vector.broadcast %add3A_136 : vector<1x256xf32> to vector<256x256xf32>
    %add3A_142 = arith.addf %dot_general3A_140, %add3A_141 : vector<256x256xf32>
    %swap3A_143 = arith.constant 0 : index
    %swap3A_144 = arith.constant 2304 : index
    %swap3A_145 = arith.constant 0 : index
    %swap3A_146 = vector.load %arg5[%swap3A_143, %swap3A_144, %swap3A_145] : memref<1x4104x256xf32, #tpu.memory_space<vmem>>, vector<1x256x256xf32>
    %swap3A_147 = vector.shape_cast %swap3A_146 : vector<1x256x256xf32> to vector<256x256xf32>
    %swap3A_148 = vector.shape_cast %add3A_142 : vector<256x256xf32> to vector<1x256x256xf32>
    tpu.vector_store %arg5[%swap3A_143, %swap3A_144, %swap3A_145], %swap3A_148 {strides = array<i32>} : memref<1x4104x256xf32, #tpu.memory_space<vmem>>, vector<1x256x256xf32>,
    %slice3A_149 = vector.extract_strided_slice %dot_general3A_140 {offsets = [255, 0], sizes = [1, 256], strides = [1, 1]} : vector<256x256xf32> to vector<1x256xf32>
    %add3A_150 = arith.addf %add3A_136, %slice3A_149 : vector<1x256xf32>
    %slice3A_151 = vector.extract_strided_slice %dot_general3A_8 {offsets = [2560, 0], sizes = [256, 256], strides = [1, 1]} : vector<4096x256xf32> to vector<256x256xf32>
    %convert_element_type3A_152 = arith.truncf %slice3A_151 : vector<256x256xf32> to vector<256x256xbf16>
    %dot_general3A_153 = arith.constant dense<0.000000e+00> : vector<256x256xf32>
    %dot_general3A_154 = tpu.matmul %select_n3A, %convert_element_type3A_152, %dot_general3A_153 {dimension_numbers = #tpu.dot_dimension_numbers<[1], [0], [0], [1], [0, 0, 1, 1], [], []>, transpose_lhs_hint = false} : vector<256x256xbf16>, vector<256x256xbf16>, vector<256x256xf32> -> vector<256x256xf32>
    %add3A_155 = vector.broadcast %add3A_150 : vector<1x256xf32> to vector<256x256xf32>
    %add3A_156 = arith.addf %dot_general3A_154, %add3A_155 : vector<256x256xf32>
    %swap3A_157 = arith.constant 0 : index
    %swap3A_158 = arith.constant 2560 : index
    %swap3A_159 = arith.constant 0 : index
    %swap3A_160 = vector.load %arg5[%swap3A_157, %swap3A_158, %swap3A_159] : memref<1x4104x256xf32, #tpu.memory_space<vmem>>, vector<1x256x256xf32>
    %swap3A_161 = vector.shape_cast %swap3A_160 : vector<1x256x256xf32> to vector<256x256xf32>
    %swap3A_162 = vector.shape_cast %add3A_156 : vector<256x256xf32> to vector<1x256x256xf32>
    tpu.vector_store %arg5[%swap3A_157, %swap3A_158, %swap3A_159], %swap3A_162 {strides = array<i32>} : memref<1x4104x256xf32, #tpu.memory_space<vmem>>, vector<1x256x256xf32>,
    %slice3A_163 = vector.extract_strided_slice %dot_general3A_154 {offsets = [255, 0], sizes = [1, 256], strides = [1, 1]} : vector<256x256xf32> to vector<1x256xf32>
    %add3A_164 = arith.addf %add3A_150, %slice3A_163 : vector<1x256xf32>
    %slice3A_165 = vector.extract_strided_slice %dot_general3A_8 {offsets = [2816, 0], sizes = [256, 256], strides = [1, 1]} : vector<4096x256xf32> to vector<256x256xf32>
    %convert_element_type3A_166 = arith.truncf %slice3A_165 : vector<256x256xf32> to vector<256x256xbf16>
    %dot_general3A_167 = arith.constant dense<0.000000e+00> : vector<256x256xf32>
    %dot_general3A_168 = tpu.matmul %select_n3A, %convert_element_type3A_166, %dot_general3A_167 {dimension_numbers = #tpu.dot_dimension_numbers<[1], [0], [0], [1], [0, 0, 1, 1], [], []>, transpose_lhs_hint = false} : vector<256x256xbf16>, vector<256x256xbf16>, vector<256x256xf32> -> vector<256x256xf32>
    %add3A_169 = vector.broadcast %add3A_164 : vector<1x256xf32> to vector<256x256xf32>
    %add3A_170 = arith.addf %dot_general3A_168, %add3A_169 : vector<256x256xf32>
    %swap3A_171 = arith.constant 0 : index
    %swap3A_172 = arith.constant 2816 : index
    %swap3A_173 = arith.constant 0 : index
    %swap3A_174 = vector.load %arg5[%swap3A_171, %swap3A_172, %swap3A_173] : memref<1x4104x256xf32, #tpu.memory_space<vmem>>, vector<1x256x256xf32>
    %swap3A_175 = vector.shape_cast %swap3A_174 : vector<1x256x256xf32> to vector<256x256xf32>
    %swap3A_176 = vector.shape_cast %add3A_170 : vector<256x256xf32> to vector<1x256x256xf32>
    tpu.vector_store %arg5[%swap3A_171, %swap3A_172, %swap3A_173], %swap3A_176 {strides = array<i32>} : memref<1x4104x256xf32, #tpu.memory_space<vmem>>, vector<1x256x256xf32>,
    %slice3A_177 = vector.extract_strided_slice %dot_general3A_168 {offsets = [255, 0], sizes = [1, 256], strides = [1, 1]} : vector<256x256xf32> to vector<1x256xf32>
    %add3A_178 = arith.addf %add3A_164, %slice3A_177 : vector<1x256xf32>
    %slice3A_179 = vector.extract_strided_slice %dot_general3A_8 {offsets = [3072, 0], sizes = [256, 256], strides = [1, 1]} : vector<4096x256xf32> to vector<256x256xf32>
    %convert_element_type3A_180 = arith.truncf %slice3A_179 : vector<256x256xf32> to vector<256x256xbf16>
    %dot_general3A_181 = arith.constant dense<0.000000e+00> : vector<256x256xf32>
    %dot_general3A_182 = tpu.matmul %select_n3A, %convert_element_type3A_180, %dot_general3A_181 {dimension_numbers = #tpu.dot_dimension_numbers<[1], [0], [0], [1], [0, 0, 1, 1], [], []>, transpose_lhs_hint = false} : vector<256x256xbf16>, vector<256x256xbf16>, vector<256x256xf32> -> vector<256x256xf32>
    %add3A_183 = vector.broadcast %add3A_178 : vector<1x256xf32> to vector<256x256xf32>
    %add3A_184 = arith.addf %dot_general3A_182, %add3A_183 : vector<256x256xf32>
    %swap3A_185 = arith.constant 0 : index
    %swap3A_186 = arith.constant 3072 : index
    %swap3A_187 = arith.constant 0 : index
    %swap3A_188 = vector.load %arg5[%swap3A_185, %swap3A_186, %swap3A_187] : memref<1x4104x256xf32, #tpu.memory_space<vmem>>, vector<1x256x256xf32>
    %swap3A_189 = vector.shape_cast %swap3A_188 : vector<1x256x256xf32> to vector<256x256xf32>
    %swap3A_190 = vector.shape_cast %add3A_184 : vector<256x256xf32> to vector<1x256x256xf32>
    tpu.vector_store %arg5[%swap3A_185, %swap3A_186, %swap3A_187], %swap3A_190 {strides = array<i32>} : memref<1x4104x256xf32, #tpu.memory_space<vmem>>, vector<1x256x256xf32>,
    %slice3A_191 = vector.extract_strided_slice %dot_general3A_182 {offsets = [255, 0], sizes = [1, 256], strides = [1, 1]} : vector<256x256xf32> to vector<1x256xf32>
    %add3A_192 = arith.addf %add3A_178, %slice3A_191 : vector<1x256xf32>
    %slice3A_193 = vector.extract_strided_slice %dot_general3A_8 {offsets = [3328, 0], sizes = [256, 256], strides = [1, 1]} : vector<4096x256xf32> to vector<256x256xf32>
    %convert_element_type3A_194 = arith.truncf %slice3A_193 : vector<256x256xf32> to vector<256x256xbf16>
    %dot_general3A_195 = arith.constant dense<0.000000e+00> : vector<256x256xf32>
    %dot_general3A_196 = tpu.matmul %select_n3A, %convert_element_type3A_194, %dot_general3A_195 {dimension_numbers = #tpu.dot_dimension_numbers<[1], [0], [0], [1], [0, 0, 1, 1], [], []>, transpose_lhs_hint = false} : vector<256x256xbf16>, vector<256x256xbf16>, vector<256x256xf32> -> vector<256x256xf32>
    %add3A_197 = vector.broadcast %add3A_192 : vector<1x256xf32> to vector<256x256xf32>
    %add3A_198 = arith.addf %dot_general3A_196, %add3A_197 : vector<256x256xf32>
    %swap3A_199 = arith.constant 0 : index
    %swap3A_200 = arith.constant 3328 : index
    %swap3A_201 = arith.constant 0 : index
    %swap3A_202 = vector.load %arg5[%swap3A_199, %swap3A_200, %swap3A_201] : memref<1x4104x256xf32, #tpu.memory_space<vmem>>, vector<1x256x256xf32>
    %swap3A_203 = vector.shape_cast %swap3A_202 : vector<1x256x256xf32> to vector<256x256xf32>
    %swap3A_204 = vector.shape_cast %add3A_198 : vector<256x256xf32> to vector<1x256x256xf32>
    tpu.vector_store %arg5[%swap3A_199, %swap3A_200, %swap3A_201], %swap3A_204 {strides = array<i32>} : memref<1x4104x256xf32, #tpu.memory_space<vmem>>, vector<1x256x256xf32>,
    %slice3A_205 = vector.extract_strided_slice %dot_general3A_196 {offsets = [255, 0], sizes = [1, 256], strides = [1, 1]} : vector<256x256xf32> to vector<1x256xf32>
    %add3A_206 = arith.addf %add3A_192, %slice3A_205 : vector<1x256xf32>
    %slice3A_207 = vector.extract_strided_slice %dot_general3A_8 {offsets = [3584, 0], sizes = [256, 256], strides = [1, 1]} : vector<4096x256xf32> to vector<256x256xf32>
    %convert_element_type3A_208 = arith.truncf %slice3A_207 : vector<256x256xf32> to vector<256x256xbf16>
    %dot_general3A_209 = arith.constant dense<0.000000e+00> : vector<256x256xf32>
    %dot_general3A_210 = tpu.matmul %select_n3A, %convert_element_type3A_208, %dot_general3A_209 {dimension_numbers = #tpu.dot_dimension_numbers<[1], [0], [0], [1], [0, 0, 1, 1], [], []>, transpose_lhs_hint = false} : vector<256x256xbf16>, vector<256x256xbf16>, vector<256x256xf32> -> vector<256x256xf32>
    %add3A_211 = vector.broadcast %add3A_206 : vector<1x256xf32> to vector<256x256xf32>
    %add3A_212 = arith.addf %dot_general3A_210, %add3A_211 : vector<256x256xf32>
    %swap3A_213 = arith.constant 0 : index
    %swap3A_214 = arith.constant 3584 : index
    %swap3A_215 = arith.constant 0 : index
    %swap3A_216 = vector.load %arg5[%swap3A_213, %swap3A_214, %swap3A_215] : memref<1x4104x256xf32, #tpu.memory_space<vmem>>, vector<1x256x256xf32>
    %swap3A_217 = vector.shape_cast %swap3A_216 : vector<1x256x256xf32> to vector<256x256xf32>
    %swap3A_218 = vector.shape_cast %add3A_212 : vector<256x256xf32> to vector<1x256x256xf32>
    tpu.vector_store %arg5[%swap3A_213, %swap3A_214, %swap3A_215], %swap3A_218 {strides = array<i32>} : memref<1x4104x256xf32, #tpu.memory_space<vmem>>, vector<1x256x256xf32>,
    %slice3A_219 = vector.extract_strided_slice %dot_general3A_210 {offsets = [255, 0], sizes = [1, 256], strides = [1, 1]} : vector<256x256xf32> to vector<1x256xf32>
    %add3A_220 = arith.addf %add3A_206, %slice3A_219 : vector<1x256xf32>
    %slice3A_221 = vector.extract_strided_slice %dot_general3A_8 {offsets = [3840, 0], sizes = [256, 256], strides = [1, 1]} : vector<4096x256xf32> to vector<256x256xf32>
    %convert_element_type3A_222 = arith.truncf %slice3A_221 : vector<256x256xf32> to vector<256x256xbf16>
    %dot_general3A_223 = arith.constant dense<0.000000e+00> : vector<256x256xf32>
    %dot_general3A_224 = tpu.matmul %select_n3A, %convert_element_type3A_222, %dot_general3A_223 {dimension_numbers = #tpu.dot_dimension_numbers<[1], [0], [0], [1], [0, 0, 1, 1], [], []>, transpose_lhs_hint = false} : vector<256x256xbf16>, vector<256x256xbf16>, vector<256x256xf32> -> vector<256x256xf32>
    %add3A_225 = vector.broadcast %add3A_220 : vector<1x256xf32> to vector<256x256xf32>
    %add3A_226 = arith.addf %dot_general3A_224, %add3A_225 : vector<256x256xf32>
    %swap3A_227 = arith.constant 0 : index
    %swap3A_228 = arith.constant 3840 : index
    %swap3A_229 = arith.constant 0 : index
    %swap3A_230 = vector.load %arg5[%swap3A_227, %swap3A_228, %swap3A_229] : memref<1x4104x256xf32, #tpu.memory_space<vmem>>, vector<1x256x256xf32>
    %swap3A_231 = vector.shape_cast %swap3A_230 : vector<1x256x256xf32> to vector<256x256xf32>
    %swap3A_232 = vector.shape_cast %add3A_226 : vector<256x256xf32> to vector<1x256x256xf32>
    tpu.vector_store %arg5[%swap3A_227, %swap3A_228, %swap3A_229], %swap3A_232 {strides = array<i32>} : memref<1x4104x256xf32, #tpu.memory_space<vmem>>, vector<1x256x256xf32>,
    %broadcast_in_dim3A_233 = arith.constant 0.000000e+00 : f32
    %broadcast_in_dim3A_234 = vector.broadcast %broadcast_in_dim3A_233 : f32 to vector<8x256xf32>
    %swap3A_235 = arith.constant 0 : index
    %swap3A_236 = arith.constant 4096 : index
    %swap3A_237 = arith.constant 0 : index
    %swap3A_238 = vector.load %arg5[%swap3A_235, %swap3A_236, %swap3A_237] : memref<1x4104x256xf32, #tpu.memory_space<vmem>>, vector<1x8x256xf32>
    %swap3A_239 = vector.shape_cast %swap3A_238 : vector<1x8x256xf32> to vector<8x256xf32>
    %swap3A_240 = vector.shape_cast %broadcast_in_dim3A_234 : vector<8x256xf32> to vector<1x8x256xf32>
    tpu.vector_store %arg5[%swap3A_235, %swap3A_236, %swap3A_237], %swap3A_240 {strides = array<i32>} : memref<1x4104x256xf32, #tpu.memory_space<vmem>>, vector<1x8x256xf32>,
    %eq3A = arith.constant 0 : i32
    %eq3A_241 = arith.cmpi eq, %arg0, %eq3A : i32
    %convert_element_type3A_242 = arith.extui %eq3A_241 : i1 to i32
    %cond3A = arith.constant 0 : i32
    %cond3A_243 = arith.cmpi ne, %convert_element_type3A_242, %cond3A : i32
    scf.if %cond3A_243 {
      %get3A_244 = arith.constant 256 : index
      %get3A_245 = arith.constant 0 : index
      %get3A_246 = vector.load %arg2[%get3A_244, %get3A_245] : memref<288x256xf32, #tpu.memory_space<vmem>>, vector<32x256xf32>
      %get3A_247 = arith.constant 0 : index
      %get3A_248 = arith.constant 0 : index
      %get3A_249 = vector.load %arg4[%get3A_247, %get3A_248] : memref<512x32xf32, #tpu.memory_space<vmem>>, vector<512x32xf32>
      %dot_general3A_250 = arith.constant dense<0.000000e+00> : vector<512x256xf32>
      %dot_general3A_251 = tpu.matmul %get3A_249, %get3A_246, %dot_general3A_250 {dimension_numbers = #tpu.dot_dimension_numbers<[1], [0], [0], [1], [0, 0, 1, 1], [], []>, transpose_lhs_hint = false} : vector<512x32xf32>, vector<32x256xf32>, vector<512x256xf32> -> vector<512x256xf32>
      %get3A_252 = arith.constant 0 : index
      %get3A_253 = vector.load %arg3[%get3A_252] : memref<256xf32, #tpu.memory_space<vmem>>, vector<256xf32>
      %broadcast_in_dim3A_254 = vector.shape_cast %get3A_253 : vector<256xf32> to vector<1x256xf32>
      %add3A_255 = vector.broadcast %broadcast_in_dim3A_254 : vector<1x256xf32> to vector<512x256xf32>
      %add3A_256 = arith.addf %dot_general3A_251, %add3A_255 : vector<512x256xf32>
      %swap3A_257 = arith.constant 0 : index
      %swap3A_258 = arith.constant 0 : index
      %swap3A_259 = vector.load %arg6[%swap3A_257, %swap3A_258] : memref<512x256xf32, #tpu.memory_space<vmem>>, vector<512x256xf32>
      tpu.vector_store %arg6[%swap3A_257, %swap3A_258], %add3A_256 {strides = array<i32>} : memref<512x256xf32, #tpu.memory_space<vmem>>, vector<512x256xf32>,
    } else {
    }
    return
  }
  func.func @transform_0(%arg0: i32) -> (i32, i32, i32) {
    %c0_i32 = arith.constant 0 : i32
    %c0_i32_0 = arith.constant 0 : i32
    %c0_i32_1 = arith.constant 0 : i32
    return %arg0, %c0_i32, %c0_i32_0 : i32, i32, i32
  }
  func.func @transform_1(%arg0: i32) -> (i32, i32) {
    %c0_i32 = arith.constant 0 : i32
    %c0_i32_0 = arith.constant 0 : i32
    %c0_i32_1 = arith.constant 0 : i32
    return %c0_i32, %c0_i32_0 : i32, i32
  }
  func.func @transform_2(%arg0: i32) -> i32 {
    %c0_i32 = arith.constant 0 : i32
    %c0_i32_0 = arith.constant 0 : i32
    return %c0_i32 : i32
  }
  func.func @transform_3(%arg0: i32) -> (i32, i32) {
    %c0_i32 = arith.constant 0 : i32
    %c0_i32_0 = arith.constant 0 : i32
    %c0_i32_1 = arith.constant 0 : i32
    return %c0_i32, %c0_i32_0 : i32, i32
  }
  func.func @transform_4(%arg0: i32) -> (i32, i32, i32) {
    %c0_i32 = arith.constant 0 : i32
    %c0_i32_0 = arith.constant 0 : i32
    %c0_i32_1 = arith.constant 0 : i32
    return %arg0, %c0_i32, %c0_i32_0 : i32, i32, i32
  }
  func.func @transform_5(%arg0: i32) -> (i32, i32) {
    %c0_i32 = arith.constant 0 : i32
    %c0_i32_0 = arith.constant 0 : i32
    %c0_i32_1 = arith.constant 0 : i32
    return %c0_i32, %c0_i32_0 : i32, i32
  }
}

</mosaic_0001>

<sc_bundles>
// kernel: kernel.4.cloned.1.call-start
scs
__scs_entry_jumppad:
0x0: {  	(pc) =	sbr.rel $0x88, $3  }
0x1: {  	(tag) =	ssettag $0x0;
	lr =	simm.s32 $0x1  }
0x2: {  	[smem:$0x3F9D] =	sst lr;
	_ =	strace $0xD0000000  }
0x3: {  	_ = 	snop  }
0x4: {  	_ = 	snop  }
0x5: {  	_ = 	snop  }
0x6: {  	_ = 	snop  }
0x7: {  	_ = 	snop  }
__scs_overlays_trampoline_lowered:
0x8: {  	[smem:$0x3FAC] =	sst s0  }
0x9: {  	[smem:$0x3FAD] =	sst s1  }
0xa: {  	[smem:$0x3FAE] =	sst s2  }
0xb: {  	[smem:$0x3FAF] =	sst s3  }
0xc: {  	[smem:$0x3FB0] =	sst s4  }
0xd: {  	[smem:$0x3FB1] =	sst s5  }
0xe: {  	[smem:$0x3FB2] =	sst s6  }
0xf: {  	[smem:$0x3FB3] =	sst s7  }
0x10: {  	[smem:$0x3FB4] =	sst s8  }
0x11: {  	[smem:$0x3FB5] =	sst s9;
	s0 =	simm.s32 @!p0 $0x0  }
0x12: {  	s1 =	sld [smem:$0x3F9B];
	s0 =	simm.s32 @p0 $0x1  }
0x13: {  	[smem:$0x3FB6] =	sst s0;
	s0 =	simm.s32 @!p1 $0x0  }
0x14: {  	s2 =	sld [smem:$0x3F9A];
	s0 =	simm.s32 @p1 $0x1  }
0x15: {  	[smem:$0x3FB7] =	sst s0;
	s0 =	simm.s32 @!p2 $0x0  }
0x16: {  	s3 =	sld [smem:$0x3FDB];
	s0 =	simm.s32 @p2 $0x1  }
0x17: {  	s4 =	simm.s32 $0x1BF5;
	[smem:$0x3FB9] =	sst s0  }
0x18: {  	s0 =	sld [smem:$0x3F9C];
	_ =	swait.ge [sflag:s4], $0x0  }
0x19: {  	s7 =	sld [smem:$0x3F9D]  }
0x1a: {  	s8 =	sadd.s32 $0xFFFFE003, lr  }
0x1b: {  	s9 =	sadd.s32 $0xFFFFFEF7, lr;
	s5 =	simm.s32 $0xFFFFFFFF;
	p2 =	slt.u32 s8, $0xFFFFF086  }
0x1c: {  	p1 =	slt.u32 s9, $0xF7A;
	s5 =	simm.s32 @!p2 $0x0  }
0x1d: {  	s5 =	simm.s32 @p1 $0x1;
	p0 =	seq.s32 s7, s2  }
0x1e: {  	s7 =	smul.u32 @!p0 $0xF7A, s2;
	p2 =	seq.s32 @!p0 s5, $0x0  }
0x1f: {  	s9 =	smul.u32 $0xF7A, s1;
	s8 =	simm.s32 @!p0 $0x1BF5;
	p2 =	por !p2, p0  }
0x20: {  	[sflag:s8] =	ssyncset.s32 @!p0 $0xFFFFF086;
	s6 =	sadd.s32 @!p0 s3, s7;
	s7 =	simm.s32 @!p0 $0x108  }
0x21: {  	s3 =	sadd.s32 s3, s9;
	s6 =	sadd.s32 @!p0 $0x88, s6;
	s7 =	simm.s32 @p2 $0x1082  }
0x22: {  	[simem:s7], [sflag:s8] =	dma.local @!p0 [hbm:s6], $0xF7A  }
0x23: {  	s9 =	sor.u32 $0xD0000000, s2;
	s6 =	simm.s32 $0x108;
	_ =	swait.ge @!p0 [sflag:s8], $0x0  }
0x24: {  	s3 =	sadd.s32 $0x88, s3;
	s6 =	simm.s32 @!p1 $0x1082;
	[sflag:s4] =	ssyncset.s32 $0xFFFFF086  }
0x25: {  	[simem:s6], [sflag:s4] =	dma.local [hbm:s3], $0xF7A  }
0x26: {  	[smem:$0x3F9D] =	sst s1;
	(tag) =	ssettag s2;
	_ =	strace s9  }
0x27: {  	s1 =	sld [smem:$0x3FAD]  }
0x28: {  	s2 =	sld [smem:$0x3FAE]  }
0x29: {  	s4 =	sld [smem:$0x3FB0]  }
0x2a: {  	p0 =	seq.s32 s5, $0x0;
	s5 =	sld [smem:$0x3FB1]  }
0x2b: {  	s6 =	sld [smem:$0x3FB2]  }
0x2c: {  	s7 =	sld [smem:$0x3FB3]  }
0x2d: {  	s3 =	simm.s32 $0x108;
	s8 =	sld [smem:$0x3FB4]  }
0x2e: {  	s3 =	simm.s32 @!p0 $0x1082;
	s9 =	sld [smem:$0x3FB5]  }
0x2f: {  	lr =	sadd.s32 s0, s3;
	s0 =	sld [smem:$0x3FAC]  }
0x30: {  	s3 =	sld [smem:$0x3FAF]  }
0x31: {  	[smem:$0x3FB8] =	sst s10  }
0x32: {  	s10 =	sld [smem:$0x3FB6];
	_ =	sdelay $0x3  }
0x33: {  	p0 =	seq.s32 s10, $0x1;
	s10 =	sld [smem:$0x3FB8];
	_ =	sdelay $0x3  }
0x34: {  	[smem:$0x3FB8] =	sst s10  }
0x35: {  	s10 =	sld [smem:$0x3FB7];
	_ =	sdelay $0x3  }
0x36: {  	p1 =	seq.s32 s10, $0x1;
	s10 =	sld [smem:$0x3FB8];
	_ =	sdelay $0x3  }
0x37: {  	[smem:$0x3FB8] =	sst s10  }
0x38: {  	s10 =	sld [smem:$0x3FB9]  }
0x39: {  	_ = 	snop;
	(pc) =	sbr.ind lr, $3  }
0x3a: {  	_ = 	snop  }
0x3b: {  	_ = 	snop  }
0x3c: {  	p2 =	seq.s32 s10, $0x1;
	s10 =	sld [smem:$0x3FB8]  }
0x3d: {  	_ =	shalt  }
0x3e: {  	_ =	shalt  }
0x3f: {  	_ =	shalt  }
0x40: {  	_ =	shalt  }
0x41: {  	_ =	shalt  }
0x42: {  	_ =	shalt  }
0x43: {  	_ =	shalt  }
0x44: {  	_ =	shalt  }
0x45: {  	_ =	shalt  }
0x46: {  	_ =	shalt  }
0x47: {  	_ =	shalt  }
0x48: {  	_ =	shalt  }
0x49: {  	_ =	shalt  }
0x4a: {  	_ =	shalt  }
0x4b: {  	_ =	shalt  }
0x4c: {  	_ =	shalt  }
0x4d: {  	_ =	shalt  }
0x4e: {  	_ =	shalt  }
0x4f: {  	_ =	shalt  }
0x50: {  	_ =	shalt  }
0x51: {  	_ =	shalt  }
0x52: {  	_ =	shalt  }
0x53: {  	_ =	shalt  }
0x54: {  	_ =	shalt  }
0x55: {  	_ =	shalt  }
0x56: {  	_ =	shalt  }
0x57: {  	_ =	shalt  }
0x58: {  	_ =	shalt  }
0x59: {  	_ =	shalt  }
0x5a: {  	_ =	shalt  }
0x5b: {  	_ =	shalt  }
0x5c: {  	_ =	shalt  }
0x5d: {  	_ =	shalt  }
0x5e: {  	_ =	shalt  }
0x5f: {  	_ =	shalt  }
0x60: {  	_ =	shalt  }
0x61: {  	_ =	shalt  }
0x62: {  	_ =	shalt  }
0x63: {  	_ =	shalt  }
0x64: {  	_ =	shalt  }
0x65: {  	_ =	shalt  }
0x66: {  	_ =	shalt  }
0x67: {  	_ =	shalt  }
0x68: {  	_ =	shalt  }
0x69: {  	_ =	shalt  }
0x6a: {  	_ =	shalt  }
0x6b: {  	_ =	shalt  }
0x6c: {  	_ =	shalt  }
0x6d: {  	_ =	shalt  }
0x6e: {  	_ =	shalt  }
0x6f: {  	_ =	shalt  }
0x70: {  	_ =	shalt  }
0x71: {  	_ =	shalt  }
0x72: {  	_ =	shalt  }
0x73: {  	_ =	shalt  }
0x74: {  	_ =	shalt  }
0x75: {  	_ =	shalt  }
0x76: {  	_ =	shalt  }
0x77: {  	_ =	shalt  }
0x78: {  	_ =	shalt  }
0x79: {  	_ =	shalt  }
0x7a: {  	_ =	shalt  }
0x7b: {  	_ =	shalt  }
0x7c: {  	_ =	shalt  }
0x7d: {  	_ =	shalt  }
0x7e: {  	_ =	shalt  }
0x7f: {  	_ =	shalt  }
0x80: {  	_ =	shalt  }
0x81: {  	_ =	shalt  }
0x82: {  	_ =	shalt  }
0x83: {  	_ =	shalt  }
0x84: {  	_ =	shalt  }
0x85: {  	_ =	shalt  }
0x86: {  	_ =	shalt  }
0x87: {  	_ =	shalt  }
.Lfunc_end0:
.L_simem_size_0:
called_computation_lowered:
.L_overlay_start_0:
0x88: {  	s2 =	sld [smem:$0x3FD9]  }
0x89: {  	s3 =	sld [smem:$0x3FFE];
	_ =	sdelay $0x1  }
0x8a: {  	s1 =	srdreg.scid  }
0x8b: {  	s0 =	sand.u32 $0x1, s1  }
0x8c: {  	s17 =	sshll.u32 s0, $0xA;
	s2 =	sadd.s32 s3, s2  }
0x8d: {  	s2 =	sadd.s32 s2, s17  }
0x8e: {  	[smem:$0x3FC4] =	sst s2  }
0x8f: {  	_ = 	snop  }
0x90: {  	s2 =	sld [smem:$0x3FD0];
	(tm) =	ssettm $0x1  }
0x91: {  	s18 =	sld [smem:$0x3FFB];
	_ =	sdelay $0x3  }
0x92: {  	_ =	strace s18  }
0x93: {  	s3 =	sld [smem:$0x3FFC];
	_ =	sdelay $0x3  }
0x94: {  	_ =	strace s3  }
0x95: {  	s3 =	sld [smem:$0x3FFD];
	_ =	sdelay $0x3  }
0x96: {  	_ =	strace s3  }
0x97: {  	_ =	strace $0x8FFFFFFF  }
0x98: {  	s19 =	sld [smem:$0x3FDB];
	_ =	sdelay $0x1  }
0x99: {  	s4 =	simm.s32 $_scs_section_size  }
0x9a: {  	s5 =	simm.s32 $_size__tile_overlayer_lowered;
	s6 =	simm.s32 $_tile_overlayer_lowered  }
0x9b: {  	s22 =	simm.s32 $0x1BFF;
	s21 =	sshll.u32 s6, $0x1;
	s3 =	sadd.s32 s4, s19  }
0x9c: {  	s7 =	simm.s32 $0x0;
	s20 =	sshll.u32 s5, $0x1;
	s5 =	sadd.s32 s21, s3  }
0x9d: {  	[timem:s7], [sflag:s22] =	dma.local [hbm:s5], s20  }
0x9e: {  	_ =	swait.ge [sflag:s22], s20  }
0x9f: {  	s4 =	ssub.s32 $0x0, s20;
	[sflag:s22] =	ssyncset.done $0x0  }
0xa0: {  	[sflag:s22] =	ssyncadd.s32 s4;
	_ =	sdelay $0x1  }
0xa1: {  	s23 =	simm.s32 $0x1B8B  }
0xa2: {  	_ =	swait.ge [sflag:s23], $0x1  }
0xa3: {  	[sflag:s23] =	ssyncset.done $0x0  }
0xa4: {  	s25 =	simm.s32 $0x1B8E;
	s24 =	sld [smem:$0x3FFE];
	[sflag:s23] =	ssyncadd.s32 $0xFFFFFFFF  }
0xa5: {  	s26 =	simm.s32 $execute0_lowered;
	[smem:$0x3FD2] =	sst s25  }
0xa6: {  	s5 =	sshll.u32 s26, $0x1;
	_ =	strace $0x80000046;
	[dreg:$0x1] =	wrdreg $0xFFFFFFFF  }
0xa7: {  	s28 =	simm.s32 $_size_execute0_lowered;
	s3 =	sadd.s32 s3, s5;
	[dreg:$0x0] =	wrdreg $0x0  }
0xa8: {  	s5 =	sshll.u32 s28, $0x1;
	[dreg:$0x2] =	wrdreg s3  }
0xa9: {  	[dreg:$0x3] =	wrdreg s5  }
0xaa: {  	[dreg:$0x4] =	wrdreg $0xC0  }
0xab: {  	_ =	task [dreg:s7], $0x5FFFF  }
0xac: {  	[dreg:$0x1] =	wrdreg $0xFFFFFFFF  }
0xad: {  	[dreg:$0x0] =	wrdreg $0x60  }
0xae: {  	[dreg:$0x2] =	wrdreg s24  }
0xaf: {  	[dreg:$0x3] =	wrdreg s2  }
0xb0: {  	[dreg:$0x4] =	wrdreg $0x9  }
0xb1: {  	_ =	task.clear_ibuf [dreg:s7], $0x5FFFF;
	_ =	strace $0x90000046  }
0xb2: {  	s29 =	simm.s32 $0x9;
	_ =	strace $0x80000048  }
0xb3: {  	_ =	swait.ge [sflag:s29], $0x1  }
0xb4: {  	[sflag:s29] =	ssyncadd.s32 $0xFFFFFFFF  }
0xb5: {  	_ =	strace $0x90000048  }
0xb6: {  	_ =	sfence  }
0xb7: {  	s30 =	sld [smem:$0x0];
	_ =	sdelay $0x2  }
0xb8: {  	s31 =	sshll.u32 s1, $0xD;
	s1 =	sshrl.u32 s1, $0x2  }
0xb9: {  	s3 =	sand.u32 $0x4000, s31;
	s1 =	sadd.s32 s1, s30  }
0xba: {  	s0 =	sor.u32 s3, s0;
	s1 =	sshll.u32 s1, $0x11  }
0xbb: {  	s0 =	sor.u32 s1, s0  }
0xbc: {  	s0 =	sadd.s32 $0x8F2B, s0  }
0xbd: {  	[sflag:s0] =	ssyncadd.remote.s32 $0x1  }
0xbe: {  	_ =	sfence.sel $0xFFFF  }
0xbf: {  	[dreg:$0x0] =	wrdreg $0xFFFFFFFF;
	(pc) =	sbr.abs _section_cstart, $3  }
0xc0: {  	[dreg:$0x1] =	wrdreg $0xFFFFFFFF  }
0xc1: {  	_ =	task.clear_ibuf [dreg:s7], $0x2FFFF;
	_ =	strace $0x9FFFFFFF  }
0xc2: {  	(tm) =	ssettm $0x7FFFFFFF  }
0xc3: {  	_ =	shalt  }
tec
execute0_lowered:
.L_overlay_start_1:
0x0: {  	(tag) =	ssettag $0x1  }
0x1: {  	s0 =	rddreg [dreg:$0x0]  }
0x2: {  	s2 =	rddreg [dreg:$0x1];
	s1 =	simm.s32 $0x0;
	s5 =	srdreg.scid  }
0x3: {  	s8 =	stileid.u32;
	s28 =	simm.s32 $0xA100;
	s29 =	simm.s32 $0x100  }
0x4: {  	s30 =	simm.s32 $0x900;
	s31 =	simm.s32 $0x1100;
	[smem:$0x7FF] =	sst s1  }
0x5: {  	s3 =	sadd.s32 $0x1800, s0;
	s4 =	sadd.s32 $0x1400, s0;
	s6 =	sadd.s32 $0x1000, s0  }
0x6: {  	s5 =	sand.u32 $0x1, s5;
	s8 =	sshll.u32 s8, $0x9;
	s9 =	sadd.s32 $0x202800, s0  }
0x7: {  	s0 =	sadd.s32 $0x222800, s0;
	s7 =	ssub.s32 $0x2, s5;
	s5 =	sshll.u32 s5, $0x8  }
0x8: {  	_ =	strace $0x80000047;
	s10 =	sshrl.u32 s7, $0x1;
	s5 =	sor.u32 s5, s8  }
0x9: {  	s7 =	ssub.s32 s7, s10;
	s8 =	sshrl.u32 s5, $0x3;
	s22 =	sshll.u32 s5, $0x4  }
0xa: {  	s23 =	sshll.u32 s5, $0x5;
	s24 =	sor.u32 $0x40, s5;
	s13 =	sor.u32 $0x80, s5  }
0xb: {  	s5 =	sor.u32 $0xC0, s5;
	s10 =	simm.s32 $0x5100;
	s21 =	sadd.s32 s4, s8  }
0xc: {  	s8 =	sadd.s32 s6, s8;
	s11 =	sadd.s32 s0, s23;
	[dreg:$0x3] =	wrdreg s21  }
0xd: {  	s25 =	sshrl.u32 s24, $0x3;
	s12 =	sshll.u32 s24, $0x5;
	[dreg:$0x4] =	wrdreg s8  }
0xe: {  	s15 =	sshrl.u32 s13, $0x3;
	s8 =	sadd.s32 s9, s22;
	[dreg:$0x6] =	wrdreg s11  }
0xf: {  	s17 =	sshll.u32 s13, $0x4;
	s26 =	sadd.s32 s4, s25;
	[dreg:$0x5] =	wrdreg s8  }
0x10: {  	s19 =	sshrl.u32 s5, $0x3;
	s14 =	sadd.s32 s0, s12;
	[dreg:$0x8] =	wrdreg s26  }
0x11: {  	s11 =	sshll.u32 s24, $0x4;
	s16 =	sadd.s32 s4, s15;
	[dreg:$0xb] =	wrdreg s14  }
0x12: {  	s18 =	sadd.s32 s9, s17;
	s4 =	sadd.s32 s4, s19;
	[dreg:$0xd] =	wrdreg s16  }
0x13: {  	s20 =	sadd.s32 s6, s19;
	s21 =	sshll.u32 s5, $0x4;
	[dreg:$0xf] =	wrdreg s18  }
0x14: {  	s22 =	sshll.u32 s13, $0x5;
	s13 =	simm.s32 $0x6900;
	[dreg:$0x10] =	wrdreg s4  }
0x15: {  	s17 =	simm.s32 $0x0;
	s8 =	sadd.s32 s2, s23;
	[dreg:$0x11] =	wrdreg s20  }
0x16: {  	s4 =	sadd.s32 s9, s21;
	s23 =	sshll.u32 s5, $0x5;
	[dreg:$0x7] =	wrdreg s8  }
0x17: {  	s24 =	sadd.s32 s0, s22;
	s5 =	simm.s32 $0x3100;
	[dreg:$0x12] =	wrdreg s4  }
0x18: {  	s14 =	simm.s32 $0x7100;
	s8 =	sadd.s32 s6, s25;
	[dreg:$0x13] =	wrdreg s24  }
0x19: {  	s16 =	simm.s32 $0x2;
	s25 =	sadd.s32 s2, s22;
	[dreg:$0x9] =	wrdreg s8  }
0x1a: {  	s0 =	sadd.s32 s0, s23;
	s26 =	sadd.s32 s2, s23;
	[dreg:$0x14] =	wrdreg s25  }
0x1b: {  	s24 =	smax.u32 s7, $0x1;
	s4 =	simm.s32 $0x2900;
	[dreg:$0x15] =	wrdreg s0  }
0x1c: {  	s7 =	simm.s32 $0x1;
	s8 =	sadd.s32 s9, s11;
	[dreg:$0x16] =	wrdreg s26  }
0x1d: {  	s25 =	simm.s32 $0x3;
	s26 =	simm.s32 $0x80;
	s0 =	simm.s32 $0x1900  }
0x1e: {  	s9 =	simm.s32 $0x4900;
	s11 =	simm.s32 $0x5900;
	[dreg:$0xa] =	wrdreg s8  }
0x1f: {  	v2 =	vlaneseq.u32;
	s8 =	sadd.s32 s2, s12;
	s2 =	simm.s32 $0x2100;
	s12 =	simm.s32 $0x6100  }
0x20: {  	vm0 =	vmmov $0xffff;
	v1 =	vshrl.u32 v2, $0x3;
	[dreg:$0xc] =	wrdreg s8;
	s8 =	sadd.s32 s6, s15;
	s6 =	simm.s32 $0x3900  }
0x21: {  	v0 =	vand.u32 $0x7, v2;
	v2 =	vor.u32 $0x8, v2;
	v1 =	vmul.u32 $0x8, v1;
	s15 =	simm.s32 $0x7900;
	[dreg:$0xe] =	wrdreg s8;
	s8 =	simm.s32 $0x4100  }
.LBB2_1:
0x22: {  	s18 =	rddreg [dreg:$0x3]  }
0x23: {  	[tilespmem:s1], [sflag:$0x3] =	stream.linear.gather [hbm4b:s18+s1], $0x40, $0x38;
	[tilespmem:$0xE100] =	vst v63  }
0x24: {  	_ =	swait.ge [sflag:s25], $0x40  }
0x25: {  	[sflag:s25] =	ssyncset.done $0x0  }
0x26: {  	s21 =	rddreg [dreg:$0x4];
	[sflag:s25] =	ssyncadd.s32 $0xFFFFFFC0  }
0x27: {  	[tilespmem:s26], [sflag:$0x3] =	stream.linear.gather [hbm4b:s21+s1], $0x40, $0x38;
	[tilespmem:$0xE100] =	vst v63  }
0x28: {  	_ =	swait.ge [sflag:s25], $0x40  }
0x29: {  	[sflag:s25] =	ssyncset.done $0x0  }
0x2a: {  	s18 =	simm.s32 $0x8100;
	s19 =	rddreg [dreg:$0x5];
	[sflag:s25] =	ssyncadd.s32 $0xFFFFFFC0  }
0x2b: {  	[tilespmem:s18], [sflag:$0x3] =	stream.linear.gather [hbm4b:s19+s1], $0x2000, $0x38;
	[tilespmem:$0xE100] =	vst v63  }
0x2c: {  	_ =	swait.ge [sflag:s25], $0x2000  }
0x2d: {  	[sflag:s25] =	ssyncset.done $0x0  }
0x2e: {  	s22 =	rddreg [dreg:$0x6];
	[sflag:s25] =	ssyncadd.s32 $0xFFFFE000  }
0x2f: {  	[tilespmem:s28], [sflag:$0x3] =	stream.linear.gather [hbm4b:s22+s1], $0x4000, $0x38;
	[tilespmem:$0xE100] =	vst v63  }
0x30: {  	_ =	swait.ge [sflag:s25], $0x4000  }
0x31: {  	[sflag:s25] =	ssyncset.done $0x0  }
0x32: {  	[sflag:s25] =	ssyncadd.s32 $0xFFFFC000  }
0x33: {  	v3 =	vld [tilespmem:$0x0];
	_ =	sdelay $0x4  }
0x34: {  	v4 =	vshll.u32 v3, $0x1  }
0x35: {  	v3 =	vand.u32 $0x7, v3;
	v4 =	vand.u32 $0xFFFFFFF0, v4  }
0x36: {  	v3 =	vor.u32 v3, v4  }
0x37: {  	v4 =	vperm.xlane v3, v0;
	_ =	sdelay $0x1  }
0x38: {  	v3 =	vperm.xlane v3, v2;
	v4 =	vadd.s32 v1, v4;
	_ =	sdelay $0x1  }
0x39: {  	v3 =	vadd.s32 v1, v3;
	_ =	sdelay $0x2  }
0x3a: {  	[tilespmem:s29], [sflag:$0x1] =	stream.indirect_vreg.gather [hbm4b:s3+s1], $0x80, v4, vm0, $0xb8;
	[tilespmem:$0xE100] =	vst v63  }
0x3b: {  	_ = 	snop  }
0x3c: {  	[tilespmem:s30], [sflag:$0x1] =	stream.indirect_vreg.gather [hbm4b:s3+s1], $0x80, v3, vm0, $0xb8;
	[tilespmem:$0xE100] =	vst v63  }
0x3d: {  	v3 =	vld [tilespmem:$0x10];
	_ =	sdelay $0x4  }
0x3e: {  	v4 =	vshll.u32 v3, $0x1  }
0x3f: {  	v3 =	vand.u32 $0x7, v3;
	v4 =	vand.u32 $0xFFFFFFF0, v4  }
0x40: {  	v3 =	vor.u32 v3, v4  }
0x41: {  	v4 =	vperm.xlane v3, v0;
	_ =	sdelay $0x1  }
0x42: {  	v3 =	vperm.xlane v3, v2;
	v4 =	vadd.s32 v1, v4;
	_ =	sdelay $0x1  }
0x43: {  	v3 =	vadd.s32 v1, v3;
	_ =	sdelay $0x2  }
0x44: {  	[tilespmem:s31], [sflag:$0x1] =	stream.indirect_vreg.gather [hbm4b:s3+s1], $0x80, v4, vm0, $0xb8;
	[tilespmem:$0xE100] =	vst v63  }
0x45: {  	_ = 	snop  }
0x46: {  	[tilespmem:s0], [sflag:$0x1] =	stream.indirect_vreg.gather [hbm4b:s3+s1], $0x80, v3, vm0, $0xb8;
	[tilespmem:$0xE100] =	vst v63  }
0x47: {  	v3 =	vld [tilespmem:$0x20];
	_ =	sdelay $0x4  }
0x48: {  	v4 =	vshll.u32 v3, $0x1  }
0x49: {  	v3 =	vand.u32 $0x7, v3;
	v4 =	vand.u32 $0xFFFFFFF0, v4  }
0x4a: {  	v3 =	vor.u32 v3, v4  }
0x4b: {  	v4 =	vperm.xlane v3, v0;
	_ =	sdelay $0x1  }
0x4c: {  	v3 =	vperm.xlane v3, v2;
	v4 =	vadd.s32 v1, v4;
	_ =	sdelay $0x1  }
0x4d: {  	v3 =	vadd.s32 v1, v3;
	_ =	sdelay $0x2  }
0x4e: {  	[tilespmem:s2], [sflag:$0x1] =	stream.indirect_vreg.gather [hbm4b:s3+s1], $0x80, v4, vm0, $0xb8;
	[tilespmem:$0xE100] =	vst v63  }
0x4f: {  	_ = 	snop  }
0x50: {  	[tilespmem:s4], [sflag:$0x1] =	stream.indirect_vreg.gather [hbm4b:s3+s1], $0x80, v3, vm0, $0xb8;
	[tilespmem:$0xE100] =	vst v63  }
0x51: {  	v3 =	vld [tilespmem:$0x30];
	_ =	sdelay $0x4  }
0x52: {  	v4 =	vshll.u32 v3, $0x1  }
0x53: {  	v3 =	vand.u32 $0x7, v3;
	v4 =	vand.u32 $0xFFFFFFF0, v4  }
0x54: {  	v3 =	vor.u32 v3, v4  }
0x55: {  	v4 =	vperm.xlane v3, v0;
	_ =	sdelay $0x1  }
0x56: {  	v3 =	vperm.xlane v3, v2;
	v4 =	vadd.s32 v1, v4;
	_ =	sdelay $0x1  }
0x57: {  	v3 =	vadd.s32 v1, v3;
	_ =	sdelay $0x2  }
0x58: {  	[tilespmem:s5], [sflag:$0x1] =	stream.indirect_vreg.gather [hbm4b:s3+s1], $0x80, v4, vm0, $0xb8;
	[tilespmem:$0xE100] =	vst v63  }
0x59: {  	_ = 	snop  }
0x5a: {  	[tilespmem:s6], [sflag:$0x1] =	stream.indirect_vreg.gather [hbm4b:s3+s1], $0x80, v3, vm0, $0xb8;
	[tilespmem:$0xE100] =	vst v63  }
0x5b: {  	_ =	swait.ge [sflag:s7], $0x4000  }
0x5c: {  	[sflag:s7] =	ssyncset.done $0x0  }
0x5d: {  	[sflag:s7] =	ssyncadd.s32 $0xFFFFC000  }
0x5e: {  	v3 =	vld [tilespmem:$0x80];
	_ =	sdelay $0x4  }
0x5f: {  	v4 =	vshll.u32 v3, $0x1  }
0x60: {  	v3 =	vand.u32 $0x7, v3;
	v4 =	vand.u32 $0xFFFFFFF0, v4  }
0x61: {  	v3 =	vor.u32 v3, v4  }
0x62: {  	v4 =	vperm.xlane v3, v0;
	_ =	sdelay $0x1  }
0x63: {  	v3 =	vperm.xlane v3, v2;
	v4 =	vadd.s32 v1, v4;
	_ =	sdelay $0x1  }
0x64: {  	v3 =	vadd.s32 v1, v3;
	_ =	sdelay $0x2  }
0x65: {  	[tilespmem:s8], [sflag:$0x2] =	stream.indirect_vreg.gather [hbm4b:s3+s1], $0x80, v4, vm0, $0xb8;
	[tilespmem:$0xE100] =	vst v63  }
0x66: {  	_ = 	snop  }
0x67: {  	[tilespmem:s9], [sflag:$0x2] =	stream.indirect_vreg.gather [hbm4b:s3+s1], $0x80, v3, vm0, $0xb8;
	[tilespmem:$0xE100] =	vst v63  }
0x68: {  	v3 =	vld [tilespmem:$0x90];
	_ =	sdelay $0x4  }
0x69: {  	v4 =	vshll.u32 v3, $0x1  }
0x6a: {  	v3 =	vand.u32 $0x7, v3;
	v4 =	vand.u32 $0xFFFFFFF0, v4  }
0x6b: {  	v3 =	vor.u32 v3, v4  }
0x6c: {  	v4 =	vperm.xlane v3, v0;
	_ =	sdelay $0x1  }
0x6d: {  	v3 =	vperm.xlane v3, v2;
	v4 =	vadd.s32 v1, v4;
	_ =	sdelay $0x1  }
0x6e: {  	v3 =	vadd.s32 v1, v3;
	_ =	sdelay $0x2  }
0x6f: {  	[tilespmem:s10], [sflag:$0x2] =	stream.indirect_vreg.gather [hbm4b:s3+s1], $0x80, v4, vm0, $0xb8;
	[tilespmem:$0xE100] =	vst v63  }
0x70: {  	_ = 	snop  }
0x71: {  	[tilespmem:s11], [sflag:$0x2] =	stream.indirect_vreg.gather [hbm4b:s3+s1], $0x80, v3, vm0, $0xb8;
	[tilespmem:$0xE100] =	vst v63  }
0x72: {  	v3 =	vld [tilespmem:$0xA0];
	_ =	sdelay $0x4  }
0x73: {  	v4 =	vshll.u32 v3, $0x1  }
0x74: {  	v3 =	vand.u32 $0x7, v3;
	v4 =	vand.u32 $0xFFFFFFF0, v4  }
0x75: {  	v3 =	vor.u32 v3, v4  }
0x76: {  	v4 =	vperm.xlane v3, v0;
	_ =	sdelay $0x1  }
0x77: {  	v3 =	vperm.xlane v3, v2;
	v4 =	vadd.s32 v1, v4;
	_ =	sdelay $0x1  }
0x78: {  	v3 =	vadd.s32 v1, v3;
	_ =	sdelay $0x2  }
0x79: {  	[tilespmem:s12], [sflag:$0x2] =	stream.indirect_vreg.gather [hbm4b:s3+s1], $0x80, v4, vm0, $0xb8;
	[tilespmem:$0xE100] =	vst v63  }
0x7a: {  	_ = 	snop  }
0x7b: {  	[tilespmem:s13], [sflag:$0x2] =	stream.indirect_vreg.gather [hbm4b:s3+s1], $0x80, v3, vm0, $0xb8;
	[tilespmem:$0xE100] =	vst v63  }
0x7c: {  	v3 =	vld [tilespmem:$0xB0];
	_ =	sdelay $0x4  }
0x7d: {  	v4 =	vshll.u32 v3, $0x1  }
0x7e: {  	v3 =	vand.u32 $0x7, v3;
	v4 =	vand.u32 $0xFFFFFFF0, v4  }
0x7f: {  	v3 =	vor.u32 v3, v4  }
0x80: {  	v4 =	vperm.xlane v3, v0;
	_ =	sdelay $0x1  }
0x81: {  	v3 =	vperm.xlane v3, v2;
	v4 =	vadd.s32 v1, v4;
	_ =	sdelay $0x1  }
0x82: {  	v3 =	vadd.s32 v1, v3;
	_ =	sdelay $0x2  }
0x83: {  	[tilespmem:s14], [sflag:$0x2] =	stream.indirect_vreg.gather [hbm4b:s3+s1], $0x80, v4, vm0, $0xb8;
	[tilespmem:$0xE100] =	vst v63  }
0x84: {  	_ = 	snop  }
0x85: {  	[tilespmem:s15], [sflag:$0x2] =	stream.indirect_vreg.gather [hbm4b:s3+s1], $0x80, v3, vm0, $0xb8;
	[tilespmem:$0xE100] =	vst v63  }
0x86: {  	_ =	swait.ge [sflag:s16], $0x4000  }
0x87: {  	s23 =	sand.u32 $0x3800, s1;
	s20 =	sand.u32 $0x380, s1;
	[sflag:s16] =	ssyncset.done $0x0  }
0x88: {  	s19 =	sor.u32 s20, s23;
	[sflag:s16] =	ssyncadd.s32 $0xFFFFC000  }
0x89: {  	v3 =	vld [tilespmem:s19+$0xA140]  }
0x8a: {  	v4 =	vld [tilespmem:s19+$0xA150]  }
0x8b: {  	v6 =	vld [tilespmem:s19+$0xA160]  }
0x8c: {  	v7 =	vld [tilespmem:s19+$0xA170]  }
0x8d: {  	v9 =	vld [tilespmem:s19+$0xA500]  }
0x8e: {  	v12 =	vld [tilespmem:s19+$0xA510]  }
0x8f: {  	v13 =	vld [tilespmem:s19+$0xA520]  }
0x90: {  	v5 =	vld [tilespmem:s18+$0x0]  }
0x91: {  	v28 =	vld [tilespmem:s19+$0xA530]  }
0x92: {  	v19 =	vld [tilespmem:s19+$0xA540]  }
0x93: {  	v22 =	vld [tilespmem:s19+$0xA550]  }
0x94: {  	v18 =	vld [tilespmem:s19+$0xA560]  }
0x95: {  	v21 =	vld [tilespmem:s19+$0xA570]  }
0x96: {  	v8 =	vld [tilespmem:s19+$0x4100]  }
0x97: {  	v10 =	vld [tilespmem:s19+$0x4110]  }
0x98: {  	v11 =	vld [tilespmem:s19+$0x4120]  }
0x99: {  	v14 =	vld [tilespmem:s19+$0x4130]  }
0x9a: {  	v15 =	vld [tilespmem:s19+$0x4140]  }
0x9b: {  	v16 =	vld [tilespmem:s19+$0x4150]  }
0x9c: {  	v17 =	vld [tilespmem:s19+$0x4160]  }
0x9d: {  	v23 =	vld [tilespmem:s19+$0x4170]  }
0x9e: {  	v24 =	vld [tilespmem:s19+$0x4500]  }
0x9f: {  	v25 =	vld [tilespmem:s19+$0x4510]  }
0xa0: {  	v26 =	vld [tilespmem:s19+$0x4520]  }
0xa1: {  	v27 =	vld [tilespmem:s19+$0x4530]  }
0xa2: {  	v20 =	vld [tilespmem:s19+$0x4540]  }
0xa3: {  	v29 =	vld [tilespmem:s19+$0x4550]  }
0xa4: {  	v30 =	vld [tilespmem:s19+$0x4560]  }
0xa5: {  	v31 =	vld [tilespmem:s19+$0x4570]  }
0xa6: {  	v32 =	vld [tilespmem:s19+$0x570]  }
0xa7: {  	v33 =	vld [tilespmem:s19+$0x560]  }
0xa8: {  	v34 =	vld [tilespmem:s19+$0x550]  }
0xa9: {  	v35 =	vld [tilespmem:s19+$0x540]  }
0xaa: {  	v36 =	vld [tilespmem:s19+$0x530]  }
0xab: {  	v37 =	vld [tilespmem:s19+$0x520];
	v31 =	vsub.f32 v32, v31  }
0xac: {  	v61 =	vld [tilespmem:s19+$0x510];
	v30 =	vsub.f32 v33, v30  }
0xad: {  	v62 =	vld [tilespmem:s19+$0x500];
	v29 =	vsub.f32 v34, v29;
	v31 =	vmul.f32 v31, v5  }
0xae: {  	v63 =	vld [tilespmem:s19+$0x170];
	v35 =	vsub.f32 v35, v20;
	v30 =	vmul.f32 v30, v5  }
0xaf: {  	v20 =	vld [tilespmem:s19+$0x160];
	v27 =	vsub.f32 v36, v27;
	v29 =	vmul.f32 v29, v5;
	v31 =	vadd.f32 v31, v21  }
0xb0: {  	v26 =	vsub.f32 v37, v26;
	v35 =	vmul.f32 v35, v5;
	v21 =	vld [tilespmem:s19+$0x150];
	v30 =	vadd.f32 v30, v18  }
0xb1: {  	v32 =	vsub.f32 v61, v25;
	v36 =	vmul.f32 v27, v5;
	v18 =	vld [tilespmem:s19+$0x140];
	v29 =	vadd.f32 v29, v22;
	[tilespmem:s19+$0x570] =	vst v31  }
0xb2: {  	v24 =	vsub.f32 v62, v24;
	v25 =	vmul.f32 v26, v5;
	v22 =	vld [tilespmem:s19+$0x130];
	v27 =	vadd.f32 v35, v19;
	[tilespmem:s19+$0x560] =	vst v30  }
0xb3: {  	s21 =	simm.s32 $0x0;
	s20 =	simm.s32 $0x100;
	v23 =	vsub.f32 v63, v23;
	v26 =	vmul.f32 v32, v5;
	v19 =	vld [tilespmem:s19+$0x120];
	v28 =	vadd.f32 v36, v28;
	[tilespmem:s19+$0x550] =	vst v29  }
.LBB2_2:
0xb4: {  	p0 =	sne.s32 s20, $0x3F00;
	v29 =	vld [tilespmem:s19+$0x110];
	v17 =	vsub.f32 v20, v17;
	v20 =	vmul.f32 v24, v5;
	v13 =	vadd.f32 v25, v13;
	[tilespmem:s19+$0x540] =	vst v27  }
0xb5: {  	v24 =	vld [tilespmem:s19+$0x100];
	v16 =	vsub.f32 v21, v16;
	v21 =	vmul.f32 v23, v5;
	v12 =	vadd.f32 v26, v12;
	[tilespmem:s19+$0x530] =	vst v28  }
0xb6: {  	v23 =	vld [tilespmem:s19+$0xA130];
	v15 =	vsub.f32 v18, v15;
	v17 =	vmul.f32 v17, v5;
	v9 =	vadd.f32 v20, v9;
	[tilespmem:s19+$0x520] =	vst v13  }
0xb7: {  	s21 =	sadd.s32 $0x80, s21;
	v13 =	vld [tilespmem:s19+$0xA120];
	v14 =	vsub.f32 v22, v14;
	v16 =	vmul.f32 v16, v5;
	v7 =	vadd.f32 v21, v7;
	[tilespmem:s19+$0x510] =	vst v12  }
0xb8: {  	s22 =	sand.u32 $0x3800, s20;
	s23 =	sand.u32 $0x380, s21;
	v12 =	vld [tilespmem:s19+$0xA110];
	v11 =	vsub.f32 v19, v11;
	v15 =	vmul.f32 v15, v5;
	v6 =	vadd.f32 v17, v6;
	[tilespmem:s19+$0x500] =	vst v9  }
0xb9: {  	s22 =	sor.u32 s23, s22;
	v17 =	vld [tilespmem:s19+$0xA100];
	v9 =	vsub.f32 v29, v10;
	v10 =	vmul.f32 v14, v5;
	v14 =	vadd.f32 v16, v4;
	[tilespmem:s19+$0x170] =	vst v7  }
0xba: {  	v7 =	vsub.f32 v24, v8;
	v8 =	vmul.f32 v11, v5;
	v11 =	vadd.f32 v15, v3;
	v3 =	vld [tilespmem:s22+$0xA140];
	[tilespmem:s19+$0x160] =	vst v6  }
0xbb: {  	v4 =	vld [tilespmem:s22+$0xA150];
	v9 =	vmul.f32 v9, v5;
	v10 =	vadd.f32 v10, v23;
	[tilespmem:s19+$0x150] =	vst v14  }
0xbc: {  	v6 =	vld [tilespmem:s22+$0xA160];
	v5 =	vmul.f32 v7, v5;
	v8 =	vadd.f32 v8, v13;
	[tilespmem:s19+$0x140] =	vst v11  }
0xbd: {  	v7 =	vld [tilespmem:s22+$0xA170];
	v11 =	vadd.f32 v9, v12;
	[tilespmem:s19+$0x130] =	vst v10  }
0xbe: {  	v9 =	vld [tilespmem:s22+$0xA500];
	v5 =	vadd.f32 v5, v17;
	[tilespmem:s19+$0x120] =	vst v8  }
0xbf: {  	v12 =	vld [tilespmem:s22+$0xA510];
	[tilespmem:s19+$0x110] =	vst v11  }
0xc0: {  	s18 =	sadd.s32 $0x80, s18;
	v13 =	vld [tilespmem:s22+$0xA520];
	[tilespmem:s19+$0x100] =	vst v5;
	s19 =	smov.u32 s22  }
0xc1: {  	v5 =	vld [tilespmem:s18+$0x0]  }
0xc2: {  	v28 =	vld [tilespmem:s19+$0xA530]  }
0xc3: {  	v19 =	vld [tilespmem:s19+$0xA540]  }
0xc4: {  	v22 =	vld [tilespmem:s19+$0xA550]  }
0xc5: {  	v18 =	vld [tilespmem:s19+$0xA560]  }
0xc6: {  	v21 =	vld [tilespmem:s19+$0xA570]  }
0xc7: {  	v8 =	vld [tilespmem:s19+$0x4100]  }
0xc8: {  	v10 =	vld [tilespmem:s19+$0x4110]  }
0xc9: {  	v11 =	vld [tilespmem:s19+$0x4120]  }
0xca: {  	v14 =	vld [tilespmem:s19+$0x4130]  }
0xcb: {  	v15 =	vld [tilespmem:s19+$0x4140]  }
0xcc: {  	v16 =	vld [tilespmem:s19+$0x4150]  }
0xcd: {  	v17 =	vld [tilespmem:s19+$0x4160]  }
0xce: {  	v23 =	vld [tilespmem:s19+$0x4170]  }
0xcf: {  	v24 =	vld [tilespmem:s19+$0x4500]  }
0xd0: {  	v25 =	vld [tilespmem:s19+$0x4510]  }
0xd1: {  	v26 =	vld [tilespmem:s19+$0x4520]  }
0xd2: {  	v27 =	vld [tilespmem:s19+$0x4530]  }
0xd3: {  	v20 =	vld [tilespmem:s19+$0x4540]  }
0xd4: {  	v29 =	vld [tilespmem:s19+$0x4550]  }
0xd5: {  	v30 =	vld [tilespmem:s19+$0x4560]  }
0xd6: {  	v31 =	vld [tilespmem:s19+$0x4570]  }
0xd7: {  	v32 =	vld [tilespmem:s19+$0x570]  }
0xd8: {  	v33 =	vld [tilespmem:s19+$0x560]  }
0xd9: {  	v34 =	vld [tilespmem:s19+$0x550]  }
0xda: {  	v35 =	vld [tilespmem:s19+$0x540]  }
0xdb: {  	v36 =	vld [tilespmem:s19+$0x530]  }
0xdc: {  	v37 =	vld [tilespmem:s19+$0x520];
	v31 =	vsub.f32 v32, v31  }
0xdd: {  	v32 =	vld [tilespmem:s19+$0x510];
	v30 =	vsub.f32 v33, v30  }
0xde: {  	v33 =	vld [tilespmem:s19+$0x500];
	v29 =	vsub.f32 v34, v29;
	v31 =	vmul.f32 v31, v5  }
0xdf: {  	v34 =	vld [tilespmem:s19+$0x170];
	v35 =	vsub.f32 v35, v20;
	v30 =	vmul.f32 v30, v5  }
.Ltmp0:
0xe0: {  	v20 =	vld [tilespmem:s19+$0x160];
	v27 =	vsub.f32 v36, v27;
	v29 =	vmul.f32 v29, v5;
	v31 =	vadd.f32 v31, v21;
	(pc) =	sbr.rel @p0 .LBB2_2-.Ltmp0, $4  }
0xe1: {  	v21 =	vld [tilespmem:s19+$0x150];
	v26 =	vsub.f32 v37, v26;
	v35 =	vmul.f32 v35, v5;
	v30 =	vadd.f32 v30, v18  }
0xe2: {  	v18 =	vld [tilespmem:s19+$0x140];
	v32 =	vsub.f32 v32, v25;
	v36 =	vmul.f32 v27, v5;
	v29 =	vadd.f32 v29, v22;
	[tilespmem:s19+$0x570] =	vst v31  }
0xe3: {  	v22 =	vld [tilespmem:s19+$0x130];
	v24 =	vsub.f32 v33, v24;
	v25 =	vmul.f32 v26, v5;
	v27 =	vadd.f32 v35, v19;
	[tilespmem:s19+$0x560] =	vst v30  }
0xe4: {  	s20 =	sadd.s32 $0x100, s20;
	v19 =	vld [tilespmem:s19+$0x120];
	v23 =	vsub.f32 v34, v23;
	v26 =	vmul.f32 v32, v5;
	v28 =	vadd.f32 v36, v28;
	[tilespmem:s19+$0x550] =	vst v29  }
0xe5: {  	v13 =	vadd.f32 v25, v13  }
0xe6: {  	[tilespmem:s19+$0x540] =	vst v27;
	v27 =	vld [tilespmem:s19+$0x110];
	v24 =	vmul.f32 v24, v5;
	v12 =	vadd.f32 v26, v12;
	v16 =	vsub.f32 v21, v16  }
0xe7: {  	v21 =	vmul.f32 v23, v5;
	[tilespmem:s19+$0x520] =	vst v13;
	v13 =	vsub.f32 v20, v17;
	v20 =	vld [tilespmem:s19+$0x100]  }
0xe8: {  	v25 =	vld [tilespmem:s19+$0xA130];
	v9 =	vadd.f32 v24, v9;
	[tilespmem:s19+$0x510] =	vst v12;
	v12 =	vsub.f32 v18, v15;
	v16 =	vmul.f32 v16, v5  }
0xe9: {  	[tilespmem:s19+$0x530] =	vst v28;
	v17 =	vld [tilespmem:s19+$0xA120];
	v14 =	vsub.f32 v22, v14;
	v7 =	vadd.f32 v21, v7;
	v13 =	vmul.f32 v13, v5  }
0xea: {  	v15 =	vld [tilespmem:s19+$0xA110];
	[tilespmem:s19+$0x500] =	vst v9;
	v9 =	vsub.f32 v19, v11;
	v11 =	vmul.f32 v12, v5;
	v4 =	vadd.f32 v16, v4  }
0xeb: {  	v12 =	vld [tilespmem:s19+$0xA100];
	v10 =	vsub.f32 v27, v10;
	[tilespmem:s19+$0x170] =	vst v7;
	v6 =	vadd.f32 v13, v6;
	v13 =	vmul.f32 v14, v5  }
0xec: {  	v7 =	vsub.f32 v20, v8;
	v8 =	vmul.f32 v9, v5;
	v3 =	vadd.f32 v11, v3;
	[tilespmem:s19+$0x150] =	vst v4  }
0xed: {  	[tilespmem:s19+$0x160] =	vst v6;
	v6 =	vmul.f32 v10, v5;
	v9 =	vadd.f32 v13, v25  }
0xee: {  	v4 =	vmul.f32 v7, v5;
	v5 =	vadd.f32 v8, v17;
	[tilespmem:s19+$0x140] =	vst v3  }
0xef: {  	v3 =	vadd.f32 v6, v15;
	[tilespmem:s19+$0x130] =	vst v9  }
0xf0: {  	v4 =	vadd.f32 v4, v12;
	[tilespmem:s19+$0x120] =	vst v5  }
0xf1: {  	[tilespmem:s19+$0x110] =	vst v3  }
0xf2: {  	s18 =	simm.s32 $0x0;
	s23 =	rddreg [dreg:$0x7];
	[tilespmem:s19+$0x100] =	vst v4  }
0xf3: {  	[hbm4b:s23+s18] =	stream.linear.scatter [tilespmem:s29], [sflag:$0x3], $0x4000, $0x38;
	[tilespmem:$0xE100] =	vst v63  }
0xf4: {  	_ =	swait.ge [sflag:s25], $0x4000  }
0xf5: {  	[sflag:s25] =	ssyncset.done $0x0  }
0xf6: {  	s20 =	rddreg [dreg:$0x8];
	[sflag:s25] =	ssyncadd.s32 $0xFFFFC000  }
0xf7: {  	[tilespmem:s18], [sflag:$0x3] =	stream.linear.gather [hbm4b:s20+s18], $0x40, $0x38;
	[tilespmem:$0xE100] =	vst v63  }
0xf8: {  	_ =	swait.ge [sflag:s25], $0x40  }
0xf9: {  	[sflag:s25] =	ssyncset.done $0x0  }
0xfa: {  	s21 =	rddreg [dreg:$0x9];
	[sflag:s25] =	ssyncadd.s32 $0xFFFFFFC0  }
0xfb: {  	[tilespmem:s26], [sflag:$0x3] =	stream.linear.gather [hbm4b:s21+s18], $0x40, $0x38;
	[tilespmem:$0xE100] =	vst v63  }
0xfc: {  	_ =	swait.ge [sflag:s25], $0x40  }
0xfd: {  	[sflag:s25] =	ssyncset.done $0x0  }
0xfe: {  	s19 =	simm.s32 $0x8100;
	s20 =	rddreg [dreg:$0xa];
	[sflag:s25] =	ssyncadd.s32 $0xFFFFFFC0  }
0xff: {  	[tilespmem:s19], [sflag:$0x3] =	stream.linear.gather [hbm4b:s20+s18], $0x2000, $0x38;
	[tilespmem:$0xE100] =	vst v63  }
0x100: {  	_ =	swait.ge [sflag:s25], $0x2000  }
0x101: {  	[sflag:s25] =	ssyncset.done $0x0  }
0x102: {  	s22 =	rddreg [dreg:$0xb];
	[sflag:s25] =	ssyncadd.s32 $0xFFFFE000  }
0x103: {  	[tilespmem:s28], [sflag:$0x3] =	stream.linear.gather [hbm4b:s22+s18], $0x4000, $0x38;
	[tilespmem:$0xE100] =	vst v63  }
0x104: {  	_ =	swait.ge [sflag:s25], $0x4000  }
0x105: {  	[sflag:s25] =	ssyncset.done $0x0  }
0x106: {  	[sflag:s25] =	ssyncadd.s32 $0xFFFFC000  }
0x107: {  	v3 =	vld [tilespmem:$0x0];
	_ =	sdelay $0x4  }
0x108: {  	v4 =	vshll.u32 v3, $0x1  }
0x109: {  	v3 =	vand.u32 $0x7, v3;
	v4 =	vand.u32 $0xFFFFFFF0, v4  }
0x10a: {  	v3 =	vor.u32 v3, v4  }
0x10b: {  	v4 =	vperm.xlane v3, v0;
	_ =	sdelay $0x1  }
0x10c: {  	v3 =	vperm.xlane v3, v2;
	v4 =	vadd.s32 v1, v4;
	_ =	sdelay $0x1  }
0x10d: {  	v3 =	vadd.s32 v1, v3;
	_ =	sdelay $0x2  }
0x10e: {  	[tilespmem:s29], [sflag:$0x1] =	stream.indirect_vreg.gather [hbm4b:s3+s18], $0x80, v4, vm0, $0xb8;
	[tilespmem:$0xE100] =	vst v63  }
0x10f: {  	_ = 	snop  }
0x110: {  	[tilespmem:s30], [sflag:$0x1] =	stream.indirect_vreg.gather [hbm4b:s3+s18], $0x80, v3, vm0, $0xb8;
	[tilespmem:$0xE100] =	vst v63  }
0x111: {  	v3 =	vld [tilespmem:$0x10];
	_ =	sdelay $0x4  }
0x112: {  	v4 =	vshll.u32 v3, $0x1  }
0x113: {  	v3 =	vand.u32 $0x7, v3;
	v4 =	vand.u32 $0xFFFFFFF0, v4  }
0x114: {  	v3 =	vor.u32 v3, v4  }
0x115: {  	v4 =	vperm.xlane v3, v0;
	_ =	sdelay $0x1  }
0x116: {  	v3 =	vperm.xlane v3, v2;
	v4 =	vadd.s32 v1, v4;
	_ =	sdelay $0x1  }
0x117: {  	v3 =	vadd.s32 v1, v3;
	_ =	sdelay $0x2  }
0x118: {  	[tilespmem:s31], [sflag:$0x1] =	stream.indirect_vreg.gather [hbm4b:s3+s18], $0x80, v4, vm0, $0xb8;
	[tilespmem:$0xE100] =	vst v63  }
0x119: {  	_ = 	snop  }
0x11a: {  	[tilespmem:s0], [sflag:$0x1] =	stream.indirect_vreg.gather [hbm4b:s3+s18], $0x80, v3, vm0, $0xb8;
	[tilespmem:$0xE100] =	vst v63  }
0x11b: {  	v3 =	vld [tilespmem:$0x20];
	_ =	sdelay $0x4  }
0x11c: {  	v4 =	vshll.u32 v3, $0x1  }
0x11d: {  	v3 =	vand.u32 $0x7, v3;
	v4 =	vand.u32 $0xFFFFFFF0, v4  }
0x11e: {  	v3 =	vor.u32 v3, v4  }
0x11f: {  	v4 =	vperm.xlane v3, v0;
	_ =	sdelay $0x1  }
0x120: {  	v3 =	vperm.xlane v3, v2;
	v4 =	vadd.s32 v1, v4;
	_ =	sdelay $0x1  }
0x121: {  	v3 =	vadd.s32 v1, v3;
	_ =	sdelay $0x2  }
0x122: {  	[tilespmem:s2], [sflag:$0x1] =	stream.indirect_vreg.gather [hbm4b:s3+s18], $0x80, v4, vm0, $0xb8;
	[tilespmem:$0xE100] =	vst v63  }
0x123: {  	_ = 	snop  }
0x124: {  	[tilespmem:s4], [sflag:$0x1] =	stream.indirect_vreg.gather [hbm4b:s3+s18], $0x80, v3, vm0, $0xb8;
	[tilespmem:$0xE100] =	vst v63  }
0x125: {  	v3 =	vld [tilespmem:$0x30];
	_ =	sdelay $0x4  }
0x126: {  	v4 =	vshll.u32 v3, $0x1  }
0x127: {  	v3 =	vand.u32 $0x7, v3;
	v4 =	vand.u32 $0xFFFFFFF0, v4  }
0x128: {  	v3 =	vor.u32 v3, v4  }
0x129: {  	v4 =	vperm.xlane v3, v0;
	_ =	sdelay $0x1  }
0x12a: {  	v3 =	vperm.xlane v3, v2;
	v4 =	vadd.s32 v1, v4;
	_ =	sdelay $0x1  }
0x12b: {  	v3 =	vadd.s32 v1, v3;
	_ =	sdelay $0x2  }
0x12c: {  	[tilespmem:s5], [sflag:$0x1] =	stream.indirect_vreg.gather [hbm4b:s3+s18], $0x80, v4, vm0, $0xb8;
	[tilespmem:$0xE100] =	vst v63  }
0x12d: {  	_ = 	snop  }
0x12e: {  	[tilespmem:s6], [sflag:$0x1] =	stream.indirect_vreg.gather [hbm4b:s3+s18], $0x80, v3, vm0, $0xb8;
	[tilespmem:$0xE100] =	vst v63  }
0x12f: {  	_ =	swait.ge [sflag:s7], $0x4000  }
0x130: {  	[sflag:s7] =	ssyncset.done $0x0  }
0x131: {  	[sflag:s7] =	ssyncadd.s32 $0xFFFFC000  }
0x132: {  	v3 =	vld [tilespmem:$0x80];
	_ =	sdelay $0x4  }
0x133: {  	v4 =	vshll.u32 v3, $0x1  }
0x134: {  	v3 =	vand.u32 $0x7, v3;
	v4 =	vand.u32 $0xFFFFFFF0, v4  }
0x135: {  	v3 =	vor.u32 v3, v4  }
0x136: {  	v4 =	vperm.xlane v3, v0;
	_ =	sdelay $0x1  }
0x137: {  	v3 =	vperm.xlane v3, v2;
	v4 =	vadd.s32 v1, v4;
	_ =	sdelay $0x1  }
0x138: {  	v3 =	vadd.s32 v1, v3;
	_ =	sdelay $0x2  }
0x139: {  	[tilespmem:s8], [sflag:$0x2] =	stream.indirect_vreg.gather [hbm4b:s3+s18], $0x80, v4, vm0, $0xb8;
	[tilespmem:$0xE100] =	vst v63  }
0x13a: {  	_ = 	snop  }
0x13b: {  	[tilespmem:s9], [sflag:$0x2] =	stream.indirect_vreg.gather [hbm4b:s3+s18], $0x80, v3, vm0, $0xb8;
	[tilespmem:$0xE100] =	vst v63  }
0x13c: {  	v3 =	vld [tilespmem:$0x90];
	_ =	sdelay $0x4  }
0x13d: {  	v4 =	vshll.u32 v3, $0x1  }
0x13e: {  	v3 =	vand.u32 $0x7, v3;
	v4 =	vand.u32 $0xFFFFFFF0, v4  }
0x13f: {  	v3 =	vor.u32 v3, v4  }
0x140: {  	v4 =	vperm.xlane v3, v0;
	_ =	sdelay $0x1  }
0x141: {  	v3 =	vperm.xlane v3, v2;
	v4 =	vadd.s32 v1, v4;
	_ =	sdelay $0x1  }
0x142: {  	v3 =	vadd.s32 v1, v3;
	_ =	sdelay $0x2  }
0x143: {  	[tilespmem:s10], [sflag:$0x2] =	stream.indirect_vreg.gather [hbm4b:s3+s18], $0x80, v4, vm0, $0xb8;
	[tilespmem:$0xE100] =	vst v63  }
0x144: {  	_ = 	snop  }
0x145: {  	[tilespmem:s11], [sflag:$0x2] =	stream.indirect_vreg.gather [hbm4b:s3+s18], $0x80, v3, vm0, $0xb8;
	[tilespmem:$0xE100] =	vst v63  }
0x146: {  	v3 =	vld [tilespmem:$0xA0];
	_ =	sdelay $0x4  }
0x147: {  	v4 =	vshll.u32 v3, $0x1  }
0x148: {  	v3 =	vand.u32 $0x7, v3;
	v4 =	vand.u32 $0xFFFFFFF0, v4  }
0x149: {  	v3 =	vor.u32 v3, v4  }
0x14a: {  	v4 =	vperm.xlane v3, v0;
	_ =	sdelay $0x1  }
0x14b: {  	v3 =	vperm.xlane v3, v2;
	v4 =	vadd.s32 v1, v4;
	_ =	sdelay $0x1  }
0x14c: {  	v3 =	vadd.s32 v1, v3;
	_ =	sdelay $0x2  }
0x14d: {  	[tilespmem:s12], [sflag:$0x2] =	stream.indirect_vreg.gather [hbm4b:s3+s18], $0x80, v4, vm0, $0xb8;
	[tilespmem:$0xE100] =	vst v63  }
0x14e: {  	_ = 	snop  }
0x14f: {  	[tilespmem:s13], [sflag:$0x2] =	stream.indirect_vreg.gather [hbm4b:s3+s18], $0x80, v3, vm0, $0xb8;
	[tilespmem:$0xE100] =	vst v63  }
0x150: {  	v3 =	vld [tilespmem:$0xB0];
	_ =	sdelay $0x4  }
0x151: {  	v4 =	vshll.u32 v3, $0x1  }
0x152: {  	v3 =	vand.u32 $0x7, v3;
	v4 =	vand.u32 $0xFFFFFFF0, v4  }
0x153: {  	v3 =	vor.u32 v3, v4  }
0x154: {  	v4 =	vperm.xlane v3, v0;
	_ =	sdelay $0x1  }
0x155: {  	v3 =	vperm.xlane v3, v2;
	v4 =	vadd.s32 v1, v4;
	_ =	sdelay $0x1  }
0x156: {  	v3 =	vadd.s32 v1, v3;
	_ =	sdelay $0x2  }
0x157: {  	[tilespmem:s14], [sflag:$0x2] =	stream.indirect_vreg.gather [hbm4b:s3+s18], $0x80, v4, vm0, $0xb8;
	[tilespmem:$0xE100] =	vst v63  }
0x158: {  	_ = 	snop  }
0x159: {  	[tilespmem:s15], [sflag:$0x2] =	stream.indirect_vreg.gather [hbm4b:s3+s18], $0x80, v3, vm0, $0xb8;
	[tilespmem:$0xE100] =	vst v63  }
0x15a: {  	_ =	swait.ge [sflag:s16], $0x4000  }
0x15b: {  	s23 =	sand.u32 $0x3800, s18;
	s21 =	sand.u32 $0x380, s18;
	[sflag:s16] =	ssyncset.done $0x0  }
0x15c: {  	s20 =	sor.u32 s21, s23;
	[sflag:s16] =	ssyncadd.s32 $0xFFFFC000  }
0x15d: {  	v3 =	vld [tilespmem:s20+$0xA140]  }
0x15e: {  	v4 =	vld [tilespmem:s20+$0xA150]  }
0x15f: {  	v6 =	vld [tilespmem:s20+$0xA160]  }
0x160: {  	v7 =	vld [tilespmem:s20+$0xA170]  }
0x161: {  	v9 =	vld [tilespmem:s20+$0xA500]  }
0x162: {  	v12 =	vld [tilespmem:s20+$0xA510]  }
0x163: {  	v13 =	vld [tilespmem:s20+$0xA520]  }
0x164: {  	v5 =	vld [tilespmem:s19+$0x0]  }
0x165: {  	v28 =	vld [tilespmem:s20+$0xA530]  }
0x166: {  	v19 =	vld [tilespmem:s20+$0xA540]  }
0x167: {  	v22 =	vld [tilespmem:s20+$0xA550]  }
0x168: {  	v18 =	vld [tilespmem:s20+$0xA560]  }
0x169: {  	v21 =	vld [tilespmem:s20+$0xA570]  }
0x16a: {  	v8 =	vld [tilespmem:s20+$0x4100]  }
0x16b: {  	v10 =	vld [tilespmem:s20+$0x4110]  }
0x16c: {  	v11 =	vld [tilespmem:s20+$0x4120]  }
0x16d: {  	v14 =	vld [tilespmem:s20+$0x4130]  }
0x16e: {  	v15 =	vld [tilespmem:s20+$0x4140]  }
0x16f: {  	v16 =	vld [tilespmem:s20+$0x4150]  }
0x170: {  	v17 =	vld [tilespmem:s20+$0x4160]  }
0x171: {  	v23 =	vld [tilespmem:s20+$0x4170]  }
0x172: {  	v24 =	vld [tilespmem:s20+$0x4500]  }
0x173: {  	v25 =	vld [tilespmem:s20+$0x4510]  }
0x174: {  	v26 =	vld [tilespmem:s20+$0x4520]  }
0x175: {  	v27 =	vld [tilespmem:s20+$0x4530]  }
0x176: {  	v20 =	vld [tilespmem:s20+$0x4540]  }
0x177: {  	v29 =	vld [tilespmem:s20+$0x4550]  }
0x178: {  	v30 =	vld [tilespmem:s20+$0x4560]  }
0x179: {  	v31 =	vld [tilespmem:s20+$0x4570]  }
0x17a: {  	v32 =	vld [tilespmem:s20+$0x570]  }
0x17b: {  	v33 =	vld [tilespmem:s20+$0x560]  }
0x17c: {  	v34 =	vld [tilespmem:s20+$0x550]  }
0x17d: {  	v35 =	vld [tilespmem:s20+$0x540]  }
0x17e: {  	v36 =	vld [tilespmem:s20+$0x530]  }
0x17f: {  	v37 =	vld [tilespmem:s20+$0x520];
	v31 =	vsub.f32 v32, v31  }
0x180: {  	v61 =	vld [tilespmem:s20+$0x510];
	v30 =	vsub.f32 v33, v30  }
0x181: {  	v62 =	vld [tilespmem:s20+$0x500];
	v29 =	vsub.f32 v34, v29;
	v31 =	vmul.f32 v31, v5  }
0x182: {  	v63 =	vld [tilespmem:s20+$0x170];
	v35 =	vsub.f32 v35, v20;
	v30 =	vmul.f32 v30, v5  }
0x183: {  	v20 =	vld [tilespmem:s20+$0x160];
	v27 =	vsub.f32 v36, v27;
	v29 =	vmul.f32 v29, v5;
	v31 =	vadd.f32 v31, v21  }
0x184: {  	v26 =	vsub.f32 v37, v26;
	v35 =	vmul.f32 v35, v5;
	v21 =	vld [tilespmem:s20+$0x150];
	v30 =	vadd.f32 v30, v18  }
0x185: {  	v32 =	vsub.f32 v61, v25;
	v36 =	vmul.f32 v27, v5;
	v18 =	vld [tilespmem:s20+$0x140];
	v29 =	vadd.f32 v29, v22;
	[tilespmem:s20+$0x570] =	vst v31  }
0x186: {  	v24 =	vsub.f32 v62, v24;
	v25 =	vmul.f32 v26, v5;
	v22 =	vld [tilespmem:s20+$0x130];
	v27 =	vadd.f32 v35, v19;
	[tilespmem:s20+$0x560] =	vst v30  }
0x187: {  	s21 =	simm.s32 $0x100;
	v23 =	vsub.f32 v63, v23;
	v26 =	vmul.f32 v32, v5;
	v19 =	vld [tilespmem:s20+$0x120];
	v28 =	vadd.f32 v36, v28;
	[tilespmem:s20+$0x550] =	vst v29  }
.LBB2_4:
0x188: {  	p0 =	sne.s32 s21, $0x3F00;
	v29 =	vld [tilespmem:s20+$0x110];
	v17 =	vsub.f32 v20, v17;
	v20 =	vmul.f32 v24, v5;
	v13 =	vadd.f32 v25, v13;
	[tilespmem:s20+$0x540] =	vst v27  }
0x189: {  	v24 =	vld [tilespmem:s20+$0x100];
	v16 =	vsub.f32 v21, v16;
	v21 =	vmul.f32 v23, v5;
	v12 =	vadd.f32 v26, v12;
	[tilespmem:s20+$0x530] =	vst v28  }
0x18a: {  	v23 =	vld [tilespmem:s20+$0xA130];
	v15 =	vsub.f32 v18, v15;
	v17 =	vmul.f32 v17, v5;
	v9 =	vadd.f32 v20, v9;
	[tilespmem:s20+$0x520] =	vst v13  }
0x18b: {  	s18 =	sadd.s32 $0x80, s18;
	v13 =	vld [tilespmem:s20+$0xA120];
	v14 =	vsub.f32 v22, v14;
	v16 =	vmul.f32 v16, v5;
	v7 =	vadd.f32 v21, v7;
	[tilespmem:s20+$0x510] =	vst v12  }
0x18c: {  	s22 =	sand.u32 $0x3800, s21;
	s23 =	sand.u32 $0x380, s18;
	v12 =	vld [tilespmem:s20+$0xA110];
	v11 =	vsub.f32 v19, v11;
	v15 =	vmul.f32 v15, v5;
	v6 =	vadd.f32 v17, v6;
	[tilespmem:s20+$0x500] =	vst v9  }
0x18d: {  	s22 =	sor.u32 s23, s22;
	v17 =	vld [tilespmem:s20+$0xA100];
	v9 =	vsub.f32 v29, v10;
	v10 =	vmul.f32 v14, v5;
	v14 =	vadd.f32 v16, v4;
	[tilespmem:s20+$0x170] =	vst v7  }
0x18e: {  	v7 =	vsub.f32 v24, v8;
	v8 =	vmul.f32 v11, v5;
	v11 =	vadd.f32 v15, v3;
	v3 =	vld [tilespmem:s22+$0xA140];
	[tilespmem:s20+$0x160] =	vst v6  }
0x18f: {  	v4 =	vld [tilespmem:s22+$0xA150];
	v9 =	vmul.f32 v9, v5;
	v10 =	vadd.f32 v10, v23;
	[tilespmem:s20+$0x150] =	vst v14  }
0x190: {  	v6 =	vld [tilespmem:s22+$0xA160];
	v5 =	vmul.f32 v7, v5;
	v8 =	vadd.f32 v8, v13;
	[tilespmem:s20+$0x140] =	vst v11  }
0x191: {  	v7 =	vld [tilespmem:s22+$0xA170];
	v11 =	vadd.f32 v9, v12;
	[tilespmem:s20+$0x130] =	vst v10  }
0x192: {  	v9 =	vld [tilespmem:s22+$0xA500];
	v5 =	vadd.f32 v5, v17;
	[tilespmem:s20+$0x120] =	vst v8  }
0x193: {  	v12 =	vld [tilespmem:s22+$0xA510];
	[tilespmem:s20+$0x110] =	vst v11  }
0x194: {  	s19 =	sadd.s32 $0x80, s19;
	v13 =	vld [tilespmem:s22+$0xA520];
	[tilespmem:s20+$0x100] =	vst v5;
	s20 =	smov.u32 s22  }
0x195: {  	v5 =	vld [tilespmem:s19+$0x0]  }
0x196: {  	v28 =	vld [tilespmem:s20+$0xA530]  }
0x197: {  	v19 =	vld [tilespmem:s20+$0xA540]  }
0x198: {  	v22 =	vld [tilespmem:s20+$0xA550]  }
0x199: {  	v18 =	vld [tilespmem:s20+$0xA560]  }
0x19a: {  	v21 =	vld [tilespmem:s20+$0xA570]  }
0x19b: {  	v8 =	vld [tilespmem:s20+$0x4100]  }
0x19c: {  	v10 =	vld [tilespmem:s20+$0x4110]  }
0x19d: {  	v11 =	vld [tilespmem:s20+$0x4120]  }
0x19e: {  	v14 =	vld [tilespmem:s20+$0x4130]  }
0x19f: {  	v15 =	vld [tilespmem:s20+$0x4140]  }
0x1a0: {  	v16 =	vld [tilespmem:s20+$0x4150]  }
0x1a1: {  	v17 =	vld [tilespmem:s20+$0x4160]  }
0x1a2: {  	v23 =	vld [tilespmem:s20+$0x4170]  }
0x1a3: {  	v24 =	vld [tilespmem:s20+$0x4500]  }
0x1a4: {  	v25 =	vld [tilespmem:s20+$0x4510]  }
0x1a5: {  	v26 =	vld [tilespmem:s20+$0x4520]  }
0x1a6: {  	v27 =	vld [tilespmem:s20+$0x4530]  }
0x1a7: {  	v20 =	vld [tilespmem:s20+$0x4540]  }
0x1a8: {  	v29 =	vld [tilespmem:s20+$0x4550]  }
0x1a9: {  	v30 =	vld [tilespmem:s20+$0x4560]  }
0x1aa: {  	v31 =	vld [tilespmem:s20+$0x4570]  }
0x1ab: {  	v32 =	vld [tilespmem:s20+$0x570]  }
0x1ac: {  	v33 =	vld [tilespmem:s20+$0x560]  }
0x1ad: {  	v34 =	vld [tilespmem:s20+$0x550]  }
0x1ae: {  	v35 =	vld [tilespmem:s20+$0x540]  }
0x1af: {  	v36 =	vld [tilespmem:s20+$0x530]  }
0x1b0: {  	v37 =	vld [tilespmem:s20+$0x520];
	v31 =	vsub.f32 v32, v31  }
0x1b1: {  	v32 =	vld [tilespmem:s20+$0x510];
	v30 =	vsub.f32 v33, v30  }
0x1b2: {  	v33 =	vld [tilespmem:s20+$0x500];
	v29 =	vsub.f32 v34, v29;
	v31 =	vmul.f32 v31, v5  }
0x1b3: {  	v34 =	vld [tilespmem:s20+$0x170];
	v35 =	vsub.f32 v35, v20;
	v30 =	vmul.f32 v30, v5  }
.Ltmp1:
0x1b4: {  	v20 =	vld [tilespmem:s20+$0x160];
	v27 =	vsub.f32 v36, v27;
	v29 =	vmul.f32 v29, v5;
	v31 =	vadd.f32 v31, v21;
	(pc) =	sbr.rel @p0 .LBB2_4-.Ltmp1, $4  }
0x1b5: {  	v21 =	vld [tilespmem:s20+$0x150];
	v26 =	vsub.f32 v37, v26;
	v35 =	vmul.f32 v35, v5;
	v30 =	vadd.f32 v30, v18  }
0x1b6: {  	v18 =	vld [tilespmem:s20+$0x140];
	v32 =	vsub.f32 v32, v25;
	v36 =	vmul.f32 v27, v5;
	v29 =	vadd.f32 v29, v22;
	[tilespmem:s20+$0x570] =	vst v31  }
0x1b7: {  	v22 =	vld [tilespmem:s20+$0x130];
	v24 =	vsub.f32 v33, v24;
	v25 =	vmul.f32 v26, v5;
	v27 =	vadd.f32 v35, v19;
	[tilespmem:s20+$0x560] =	vst v30  }
0x1b8: {  	s21 =	sadd.s32 $0x100, s21;
	v19 =	vld [tilespmem:s20+$0x120];
	v23 =	vsub.f32 v34, v23;
	v26 =	vmul.f32 v32, v5;
	v28 =	vadd.f32 v36, v28;
	[tilespmem:s20+$0x550] =	vst v29  }
0x1b9: {  	v13 =	vadd.f32 v25, v13  }
0x1ba: {  	[tilespmem:s20+$0x540] =	vst v27;
	v27 =	vld [tilespmem:s20+$0x110];
	v24 =	vmul.f32 v24, v5;
	v12 =	vadd.f32 v26, v12;
	v16 =	vsub.f32 v21, v16  }
0x1bb: {  	v21 =	vmul.f32 v23, v5;
	[tilespmem:s20+$0x520] =	vst v13;
	v13 =	vsub.f32 v20, v17;
	v20 =	vld [tilespmem:s20+$0x100]  }
0x1bc: {  	v25 =	vld [tilespmem:s20+$0xA130];
	v9 =	vadd.f32 v24, v9;
	[tilespmem:s20+$0x510] =	vst v12;
	v12 =	vsub.f32 v18, v15;
	v16 =	vmul.f32 v16, v5  }
0x1bd: {  	[tilespmem:s20+$0x530] =	vst v28;
	v17 =	vld [tilespmem:s20+$0xA120];
	v14 =	vsub.f32 v22, v14;
	v7 =	vadd.f32 v21, v7;
	v13 =	vmul.f32 v13, v5  }
0x1be: {  	v15 =	vld [tilespmem:s20+$0xA110];
	[tilespmem:s20+$0x500] =	vst v9;
	v9 =	vsub.f32 v19, v11;
	v11 =	vmul.f32 v12, v5;
	v4 =	vadd.f32 v16, v4  }
0x1bf: {  	v12 =	vld [tilespmem:s20+$0xA100];
	v10 =	vsub.f32 v27, v10;
	[tilespmem:s20+$0x170] =	vst v7;
	v6 =	vadd.f32 v13, v6;
	v13 =	vmul.f32 v14, v5  }
0x1c0: {  	v7 =	vsub.f32 v20, v8;
	v8 =	vmul.f32 v9, v5;
	v3 =	vadd.f32 v11, v3;
	[tilespmem:s20+$0x150] =	vst v4  }
0x1c1: {  	[tilespmem:s20+$0x160] =	vst v6;
	v6 =	vmul.f32 v10, v5;
	v9 =	vadd.f32 v13, v25  }
0x1c2: {  	v4 =	vmul.f32 v7, v5;
	v5 =	vadd.f32 v8, v17;
	[tilespmem:s20+$0x140] =	vst v3  }
0x1c3: {  	v3 =	vadd.f32 v6, v15;
	[tilespmem:s20+$0x130] =	vst v9  }
0x1c4: {  	v4 =	vadd.f32 v4, v12;
	[tilespmem:s20+$0x120] =	vst v5  }
0x1c5: {  	[tilespmem:s20+$0x110] =	vst v3  }
0x1c6: {  	s18 =	simm.s32 $0x0;
	s19 =	rddreg [dreg:$0xc];
	[tilespmem:s20+$0x100] =	vst v4  }
0x1c7: {  	[hbm4b:s19+s18] =	stream.linear.scatter [tilespmem:s29], [sflag:$0x3], $0x4000, $0x38;
	[tilespmem:$0xE100] =	vst v63  }
0x1c8: {  	_ =	swait.ge [sflag:s25], $0x4000  }
0x1c9: {  	[sflag:s25] =	ssyncset.done $0x0  }
0x1ca: {  	s23 =	rddreg [dreg:$0xd];
	[sflag:s25] =	ssyncadd.s32 $0xFFFFC000  }
0x1cb: {  	[tilespmem:s18], [sflag:$0x3] =	stream.linear.gather [hbm4b:s23+s18], $0x40, $0x38;
	[tilespmem:$0xE100] =	vst v63  }
0x1cc: {  	_ =	swait.ge [sflag:s25], $0x40  }
0x1cd: {  	[sflag:s25] =	ssyncset.done $0x0  }
0x1ce: {  	s20 =	rddreg [dreg:$0xe];
	[sflag:s25] =	ssyncadd.s32 $0xFFFFFFC0  }
0x1cf: {  	[tilespmem:s26], [sflag:$0x3] =	stream.linear.gather [hbm4b:s20+s18], $0x40, $0x38;
	[tilespmem:$0xE100] =	vst v63  }
0x1d0: {  	_ =	swait.ge [sflag:s25], $0x40  }
0x1d1: {  	[sflag:s25] =	ssyncset.done $0x0  }
0x1d2: {  	s19 =	simm.s32 $0x8100;
	s21 =	rddreg [dreg:$0xf];
	[sflag:s25] =	ssyncadd.s32 $0xFFFFFFC0  }
0x1d3: {  	[tilespmem:s19], [sflag:$0x3] =	stream.linear.gather [hbm4b:s21+s18], $0x2000, $0x38;
	[tilespmem:$0xE100] =	vst v63  }
0x1d4: {  	_ =	swait.ge [sflag:s25], $0x2000  }
0x1d5: {  	[sflag:s25] =	ssyncset.done $0x0  }
0x1d6: {  	s22 =	rddreg [dreg:$0x13];
	[sflag:s25] =	ssyncadd.s32 $0xFFFFE000  }
0x1d7: {  	[tilespmem:s28], [sflag:$0x3] =	stream.linear.gather [hbm4b:s22+s18], $0x4000, $0x38;
	[tilespmem:$0xE100] =	vst v63  }
0x1d8: {  	_ =	swait.ge [sflag:s25], $0x4000  }
0x1d9: {  	[sflag:s25] =	ssyncset.done $0x0  }
0x1da: {  	[sflag:s25] =	ssyncadd.s32 $0xFFFFC000  }
0x1db: {  	v3 =	vld [tilespmem:$0x0];
	_ =	sdelay $0x4  }
0x1dc: {  	v4 =	vshll.u32 v3, $0x1  }
0x1dd: {  	v3 =	vand.u32 $0x7, v3;
	v4 =	vand.u32 $0xFFFFFFF0, v4  }
0x1de: {  	v3 =	vor.u32 v3, v4  }
0x1df: {  	v4 =	vperm.xlane v3, v0;
	_ =	sdelay $0x1  }
0x1e0: {  	v3 =	vperm.xlane v3, v2;
	v4 =	vadd.s32 v1, v4;
	_ =	sdelay $0x1  }
0x1e1: {  	v3 =	vadd.s32 v1, v3;
	_ =	sdelay $0x2  }
0x1e2: {  	[tilespmem:s29], [sflag:$0x1] =	stream.indirect_vreg.gather [hbm4b:s3+s18], $0x80, v4, vm0, $0xb8;
	[tilespmem:$0xE100] =	vst v63  }
0x1e3: {  	_ = 	snop  }
0x1e4: {  	[tilespmem:s30], [sflag:$0x1] =	stream.indirect_vreg.gather [hbm4b:s3+s18], $0x80, v3, vm0, $0xb8;
	[tilespmem:$0xE100] =	vst v63  }
0x1e5: {  	v3 =	vld [tilespmem:$0x10];
	_ =	sdelay $0x4  }
0x1e6: {  	v4 =	vshll.u32 v3, $0x1  }
0x1e7: {  	v3 =	vand.u32 $0x7, v3;
	v4 =	vand.u32 $0xFFFFFFF0, v4  }
0x1e8: {  	v3 =	vor.u32 v3, v4  }
0x1e9: {  	v4 =	vperm.xlane v3, v0;
	_ =	sdelay $0x1  }
0x1ea: {  	v3 =	vperm.xlane v3, v2;
	v4 =	vadd.s32 v1, v4;
	_ =	sdelay $0x1  }
0x1eb: {  	v3 =	vadd.s32 v1, v3;
	_ =	sdelay $0x2  }
0x1ec: {  	[tilespmem:s31], [sflag:$0x1] =	stream.indirect_vreg.gather [hbm4b:s3+s18], $0x80, v4, vm0, $0xb8;
	[tilespmem:$0xE100] =	vst v63  }
0x1ed: {  	_ = 	snop  }
0x1ee: {  	[tilespmem:s0], [sflag:$0x1] =	stream.indirect_vreg.gather [hbm4b:s3+s18], $0x80, v3, vm0, $0xb8;
	[tilespmem:$0xE100] =	vst v63  }
0x1ef: {  	v3 =	vld [tilespmem:$0x20];
	_ =	sdelay $0x4  }
0x1f0: {  	v4 =	vshll.u32 v3, $0x1  }
0x1f1: {  	v3 =	vand.u32 $0x7, v3;
	v4 =	vand.u32 $0xFFFFFFF0, v4  }
0x1f2: {  	v3 =	vor.u32 v3, v4  }
0x1f3: {  	v4 =	vperm.xlane v3, v0;
	_ =	sdelay $0x1  }
0x1f4: {  	v3 =	vperm.xlane v3, v2;
	v4 =	vadd.s32 v1, v4;
	_ =	sdelay $0x1  }
0x1f5: {  	v3 =	vadd.s32 v1, v3;
	_ =	sdelay $0x2  }
0x1f6: {  	[tilespmem:s2], [sflag:$0x1] =	stream.indirect_vreg.gather [hbm4b:s3+s18], $0x80, v4, vm0, $0xb8;
	[tilespmem:$0xE100] =	vst v63  }
0x1f7: {  	_ = 	snop  }
0x1f8: {  	[tilespmem:s4], [sflag:$0x1] =	stream.indirect_vreg.gather [hbm4b:s3+s18], $0x80, v3, vm0, $0xb8;
	[tilespmem:$0xE100] =	vst v63  }
0x1f9: {  	v3 =	vld [tilespmem:$0x30];
	_ =	sdelay $0x4  }
0x1fa: {  	v4 =	vshll.u32 v3, $0x1  }
0x1fb: {  	v3 =	vand.u32 $0x7, v3;
	v4 =	vand.u32 $0xFFFFFFF0, v4  }
0x1fc: {  	v3 =	vor.u32 v3, v4  }
0x1fd: {  	v4 =	vperm.xlane v3, v0;
	_ =	sdelay $0x1  }
0x1fe: {  	v3 =	vperm.xlane v3, v2;
	v4 =	vadd.s32 v1, v4;
	_ =	sdelay $0x1  }
0x1ff: {  	v3 =	vadd.s32 v1, v3;
	_ =	sdelay $0x2  }
0x200: {  	[tilespmem:s5], [sflag:$0x1] =	stream.indirect_vreg.gather [hbm4b:s3+s18], $0x80, v4, vm0, $0xb8;
	[tilespmem:$0xE100] =	vst v63  }
0x201: {  	_ = 	snop  }
0x202: {  	[tilespmem:s6], [sflag:$0x1] =	stream.indirect_vreg.gather [hbm4b:s3+s18], $0x80, v3, vm0, $0xb8;
	[tilespmem:$0xE100] =	vst v63  }
0x203: {  	_ =	swait.ge [sflag:s7], $0x4000  }
0x204: {  	[sflag:s7] =	ssyncset.done $0x0  }
0x205: {  	[sflag:s7] =	ssyncadd.s32 $0xFFFFC000  }
0x206: {  	v3 =	vld [tilespmem:$0x80];
	_ =	sdelay $0x4  }
0x207: {  	v4 =	vshll.u32 v3, $0x1  }
0x208: {  	v3 =	vand.u32 $0x7, v3;
	v4 =	vand.u32 $0xFFFFFFF0, v4  }
0x209: {  	v3 =	vor.u32 v3, v4  }
0x20a: {  	v4 =	vperm.xlane v3, v0;
	_ =	sdelay $0x1  }
0x20b: {  	v3 =	vperm.xlane v3, v2;
	v4 =	vadd.s32 v1, v4;
	_ =	sdelay $0x1  }
0x20c: {  	v3 =	vadd.s32 v1, v3;
	_ =	sdelay $0x2  }
0x20d: {  	[tilespmem:s8], [sflag:$0x2] =	stream.indirect_vreg.gather [hbm4b:s3+s18], $0x80, v4, vm0, $0xb8;
	[tilespmem:$0xE100] =	vst v63  }
0x20e: {  	_ = 	snop  }
0x20f: {  	[tilespmem:s9], [sflag:$0x2] =	stream.indirect_vreg.gather [hbm4b:s3+s18], $0x80, v3, vm0, $0xb8;
	[tilespmem:$0xE100] =	vst v63  }
0x210: {  	v3 =	vld [tilespmem:$0x90];
	_ =	sdelay $0x4  }
0x211: {  	v4 =	vshll.u32 v3, $0x1  }
0x212: {  	v3 =	vand.u32 $0x7, v3;
	v4 =	vand.u32 $0xFFFFFFF0, v4  }
0x213: {  	v3 =	vor.u32 v3, v4  }
0x214: {  	v4 =	vperm.xlane v3, v0;
	_ =	sdelay $0x1  }
0x215: {  	v3 =	vperm.xlane v3, v2;
	v4 =	vadd.s32 v1, v4;
	_ =	sdelay $0x1  }
0x216: {  	v3 =	vadd.s32 v1, v3;
	_ =	sdelay $0x2  }
0x217: {  	[tilespmem:s10], [sflag:$0x2] =	stream.indirect_vreg.gather [hbm4b:s3+s18], $0x80, v4, vm0, $0xb8;
	[tilespmem:$0xE100] =	vst v63  }
0x218: {  	_ = 	snop  }
0x219: {  	[tilespmem:s11], [sflag:$0x2] =	stream.indirect_vreg.gather [hbm4b:s3+s18], $0x80, v3, vm0, $0xb8;
	[tilespmem:$0xE100] =	vst v63  }
0x21a: {  	v3 =	vld [tilespmem:$0xA0];
	_ =	sdelay $0x4  }
0x21b: {  	v4 =	vshll.u32 v3, $0x1  }
0x21c: {  	v3 =	vand.u32 $0x7, v3;
	v4 =	vand.u32 $0xFFFFFFF0, v4  }
0x21d: {  	v3 =	vor.u32 v3, v4  }
0x21e: {  	v4 =	vperm.xlane v3, v0;
	_ =	sdelay $0x1  }
0x21f: {  	v3 =	vperm.xlane v3, v2;
	v4 =	vadd.s32 v1, v4;
	_ =	sdelay $0x1  }
0x220: {  	v3 =	vadd.s32 v1, v3;
	_ =	sdelay $0x2  }
0x221: {  	[tilespmem:s12], [sflag:$0x2] =	stream.indirect_vreg.gather [hbm4b:s3+s18], $0x80, v4, vm0, $0xb8;
	[tilespmem:$0xE100] =	vst v63  }
0x222: {  	_ = 	snop  }
0x223: {  	[tilespmem:s13], [sflag:$0x2] =	stream.indirect_vreg.gather [hbm4b:s3+s18], $0x80, v3, vm0, $0xb8;
	[tilespmem:$0xE100] =	vst v63  }
0x224: {  	v3 =	vld [tilespmem:$0xB0];
	_ =	sdelay $0x4  }
0x225: {  	v4 =	vshll.u32 v3, $0x1  }
0x226: {  	v3 =	vand.u32 $0x7, v3;
	v4 =	vand.u32 $0xFFFFFFF0, v4  }
0x227: {  	v3 =	vor.u32 v3, v4  }
0x228: {  	v4 =	vperm.xlane v3, v0;
	_ =	sdelay $0x1  }
0x229: {  	v3 =	vperm.xlane v3, v2;
	v4 =	vadd.s32 v1, v4;
	_ =	sdelay $0x1  }
0x22a: {  	v3 =	vadd.s32 v1, v3;
	_ =	sdelay $0x2  }
0x22b: {  	[tilespmem:s14], [sflag:$0x2] =	stream.indirect_vreg.gather [hbm4b:s3+s18], $0x80, v4, vm0, $0xb8;
	[tilespmem:$0xE100] =	vst v63  }
0x22c: {  	_ = 	snop  }
0x22d: {  	[tilespmem:s15], [sflag:$0x2] =	stream.indirect_vreg.gather [hbm4b:s3+s18], $0x80, v3, vm0, $0xb8;
	[tilespmem:$0xE100] =	vst v63  }
0x22e: {  	_ =	swait.ge [sflag:s16], $0x4000  }
0x22f: {  	s23 =	sand.u32 $0x3800, s18;
	s21 =	sand.u32 $0x380, s18;
	[sflag:s16] =	ssyncset.done $0x0  }
0x230: {  	s20 =	sor.u32 s21, s23;
	[sflag:s16] =	ssyncadd.s32 $0xFFFFC000  }
0x231: {  	v3 =	vld [tilespmem:s20+$0xA140]  }
0x232: {  	v4 =	vld [tilespmem:s20+$0xA150]  }
0x233: {  	v6 =	vld [tilespmem:s20+$0xA160]  }
0x234: {  	v7 =	vld [tilespmem:s20+$0xA170]  }
0x235: {  	v9 =	vld [tilespmem:s20+$0xA500]  }
0x236: {  	v12 =	vld [tilespmem:s20+$0xA510]  }
0x237: {  	v13 =	vld [tilespmem:s20+$0xA520]  }
0x238: {  	v5 =	vld [tilespmem:s19+$0x0]  }
0x239: {  	v28 =	vld [tilespmem:s20+$0xA530]  }
0x23a: {  	v19 =	vld [tilespmem:s20+$0xA540]  }
0x23b: {  	v22 =	vld [tilespmem:s20+$0xA550]  }
0x23c: {  	v18 =	vld [tilespmem:s20+$0xA560]  }
0x23d: {  	v21 =	vld [tilespmem:s20+$0xA570]  }
0x23e: {  	v8 =	vld [tilespmem:s20+$0x4100]  }
0x23f: {  	v10 =	vld [tilespmem:s20+$0x4110]  }
0x240: {  	v11 =	vld [tilespmem:s20+$0x4120]  }
0x241: {  	v14 =	vld [tilespmem:s20+$0x4130]  }
0x242: {  	v15 =	vld [tilespmem:s20+$0x4140]  }
0x243: {  	v16 =	vld [tilespmem:s20+$0x4150]  }
0x244: {  	v17 =	vld [tilespmem:s20+$0x4160]  }
0x245: {  	v23 =	vld [tilespmem:s20+$0x4170]  }
0x246: {  	v24 =	vld [tilespmem:s20+$0x4500]  }
0x247: {  	v25 =	vld [tilespmem:s20+$0x4510]  }
0x248: {  	v26 =	vld [tilespmem:s20+$0x4520]  }
0x249: {  	v27 =	vld [tilespmem:s20+$0x4530]  }
0x24a: {  	v20 =	vld [tilespmem:s20+$0x4540]  }
0x24b: {  	v29 =	vld [tilespmem:s20+$0x4550]  }
0x24c: {  	v30 =	vld [tilespmem:s20+$0x4560]  }
0x24d: {  	v31 =	vld [tilespmem:s20+$0x4570]  }
0x24e: {  	v32 =	vld [tilespmem:s20+$0x570]  }
0x24f: {  	v33 =	vld [tilespmem:s20+$0x560]  }
0x250: {  	v34 =	vld [tilespmem:s20+$0x550]  }
0x251: {  	v35 =	vld [tilespmem:s20+$0x540]  }
0x252: {  	v36 =	vld [tilespmem:s20+$0x530]  }
0x253: {  	v37 =	vld [tilespmem:s20+$0x520];
	v31 =	vsub.f32 v32, v31  }
0x254: {  	v61 =	vld [tilespmem:s20+$0x510];
	v30 =	vsub.f32 v33, v30  }
0x255: {  	v62 =	vld [tilespmem:s20+$0x500];
	v29 =	vsub.f32 v34, v29;
	v31 =	vmul.f32 v31, v5  }
0x256: {  	v63 =	vld [tilespmem:s20+$0x170];
	v35 =	vsub.f32 v35, v20;
	v30 =	vmul.f32 v30, v5  }
0x257: {  	v20 =	vld [tilespmem:s20+$0x160];
	v27 =	vsub.f32 v36, v27;
	v29 =	vmul.f32 v29, v5;
	v31 =	vadd.f32 v31, v21  }
0x258: {  	v26 =	vsub.f32 v37, v26;
	v35 =	vmul.f32 v35, v5;
	v21 =	vld [tilespmem:s20+$0x150];
	v30 =	vadd.f32 v30, v18  }
0x259: {  	v32 =	vsub.f32 v61, v25;
	v36 =	vmul.f32 v27, v5;
	v18 =	vld [tilespmem:s20+$0x140];
	v29 =	vadd.f32 v29, v22;
	[tilespmem:s20+$0x570] =	vst v31  }
0x25a: {  	v24 =	vsub.f32 v62, v24;
	v25 =	vmul.f32 v26, v5;
	v22 =	vld [tilespmem:s20+$0x130];
	v27 =	vadd.f32 v35, v19;
	[tilespmem:s20+$0x560] =	vst v30  }
0x25b: {  	s21 =	simm.s32 $0x100;
	v23 =	vsub.f32 v63, v23;
	v26 =	vmul.f32 v32, v5;
	v19 =	vld [tilespmem:s20+$0x120];
	v28 =	vadd.f32 v36, v28;
	[tilespmem:s20+$0x550] =	vst v29  }
.LBB2_6:
0x25c: {  	p0 =	sne.s32 s21, $0x3F00;
	v29 =	vld [tilespmem:s20+$0x110];
	v17 =	vsub.f32 v20, v17;
	v20 =	vmul.f32 v24, v5;
	v13 =	vadd.f32 v25, v13;
	[tilespmem:s20+$0x540] =	vst v27  }
0x25d: {  	v24 =	vld [tilespmem:s20+$0x100];
	v16 =	vsub.f32 v21, v16;
	v21 =	vmul.f32 v23, v5;
	v12 =	vadd.f32 v26, v12;
	[tilespmem:s20+$0x530] =	vst v28  }
0x25e: {  	v23 =	vld [tilespmem:s20+$0xA130];
	v15 =	vsub.f32 v18, v15;
	v17 =	vmul.f32 v17, v5;
	v9 =	vadd.f32 v20, v9;
	[tilespmem:s20+$0x520] =	vst v13  }
0x25f: {  	s18 =	sadd.s32 $0x80, s18;
	v13 =	vld [tilespmem:s20+$0xA120];
	v14 =	vsub.f32 v22, v14;
	v16 =	vmul.f32 v16, v5;
	v7 =	vadd.f32 v21, v7;
	[tilespmem:s20+$0x510] =	vst v12  }
0x260: {  	s22 =	sand.u32 $0x3800, s21;
	s23 =	sand.u32 $0x380, s18;
	v12 =	vld [tilespmem:s20+$0xA110];
	v11 =	vsub.f32 v19, v11;
	v15 =	vmul.f32 v15, v5;
	v6 =	vadd.f32 v17, v6;
	[tilespmem:s20+$0x500] =	vst v9  }
0x261: {  	s22 =	sor.u32 s23, s22;
	v17 =	vld [tilespmem:s20+$0xA100];
	v9 =	vsub.f32 v29, v10;
	v10 =	vmul.f32 v14, v5;
	v14 =	vadd.f32 v16, v4;
	[tilespmem:s20+$0x170] =	vst v7  }
0x262: {  	v7 =	vsub.f32 v24, v8;
	v8 =	vmul.f32 v11, v5;
	v11 =	vadd.f32 v15, v3;
	v3 =	vld [tilespmem:s22+$0xA140];
	[tilespmem:s20+$0x160] =	vst v6  }
0x263: {  	v4 =	vld [tilespmem:s22+$0xA150];
	v9 =	vmul.f32 v9, v5;
	v10 =	vadd.f32 v10, v23;
	[tilespmem:s20+$0x150] =	vst v14  }
0x264: {  	v6 =	vld [tilespmem:s22+$0xA160];
	v5 =	vmul.f32 v7, v5;
	v8 =	vadd.f32 v8, v13;
	[tilespmem:s20+$0x140] =	vst v11  }
0x265: {  	v7 =	vld [tilespmem:s22+$0xA170];
	v11 =	vadd.f32 v9, v12;
	[tilespmem:s20+$0x130] =	vst v10  }
0x266: {  	v9 =	vld [tilespmem:s22+$0xA500];
	v5 =	vadd.f32 v5, v17;
	[tilespmem:s20+$0x120] =	vst v8  }
0x267: {  	v12 =	vld [tilespmem:s22+$0xA510];
	[tilespmem:s20+$0x110] =	vst v11  }
0x268: {  	s19 =	sadd.s32 $0x80, s19;
	v13 =	vld [tilespmem:s22+$0xA520];
	[tilespmem:s20+$0x100] =	vst v5;
	s20 =	smov.u32 s22  }
0x269: {  	v5 =	vld [tilespmem:s19+$0x0]  }
0x26a: {  	v28 =	vld [tilespmem:s20+$0xA530]  }
0x26b: {  	v19 =	vld [tilespmem:s20+$0xA540]  }
0x26c: {  	v22 =	vld [tilespmem:s20+$0xA550]  }
0x26d: {  	v18 =	vld [tilespmem:s20+$0xA560]  }
0x26e: {  	v21 =	vld [tilespmem:s20+$0xA570]  }
0x26f: {  	v8 =	vld [tilespmem:s20+$0x4100]  }
0x270: {  	v10 =	vld [tilespmem:s20+$0x4110]  }
0x271: {  	v11 =	vld [tilespmem:s20+$0x4120]  }
0x272: {  	v14 =	vld [tilespmem:s20+$0x4130]  }
0x273: {  	v15 =	vld [tilespmem:s20+$0x4140]  }
0x274: {  	v16 =	vld [tilespmem:s20+$0x4150]  }
0x275: {  	v17 =	vld [tilespmem:s20+$0x4160]  }
0x276: {  	v23 =	vld [tilespmem:s20+$0x4170]  }
0x277: {  	v24 =	vld [tilespmem:s20+$0x4500]  }
0x278: {  	v25 =	vld [tilespmem:s20+$0x4510]  }
0x279: {  	v26 =	vld [tilespmem:s20+$0x4520]  }
0x27a: {  	v27 =	vld [tilespmem:s20+$0x4530]  }
0x27b: {  	v20 =	vld [tilespmem:s20+$0x4540]  }
0x27c: {  	v29 =	vld [tilespmem:s20+$0x4550]  }
0x27d: {  	v30 =	vld [tilespmem:s20+$0x4560]  }
0x27e: {  	v31 =	vld [tilespmem:s20+$0x4570]  }
0x27f: {  	v32 =	vld [tilespmem:s20+$0x570]  }
0x280: {  	v33 =	vld [tilespmem:s20+$0x560]  }
0x281: {  	v34 =	vld [tilespmem:s20+$0x550]  }
0x282: {  	v35 =	vld [tilespmem:s20+$0x540]  }
0x283: {  	v36 =	vld [tilespmem:s20+$0x530]  }
0x284: {  	v37 =	vld [tilespmem:s20+$0x520];
	v31 =	vsub.f32 v32, v31  }
0x285: {  	v32 =	vld [tilespmem:s20+$0x510];
	v30 =	vsub.f32 v33, v30  }
0x286: {  	v33 =	vld [tilespmem:s20+$0x500];
	v29 =	vsub.f32 v34, v29;
	v31 =	vmul.f32 v31, v5  }
0x287: {  	v34 =	vld [tilespmem:s20+$0x170];
	v35 =	vsub.f32 v35, v20;
	v30 =	vmul.f32 v30, v5  }
.Ltmp2:
0x288: {  	v20 =	vld [tilespmem:s20+$0x160];
	v27 =	vsub.f32 v36, v27;
	v29 =	vmul.f32 v29, v5;
	v31 =	vadd.f32 v31, v21;
	(pc) =	sbr.rel @p0 .LBB2_6-.Ltmp2, $4  }
0x289: {  	v21 =	vld [tilespmem:s20+$0x150];
	v26 =	vsub.f32 v37, v26;
	v35 =	vmul.f32 v35, v5;
	v30 =	vadd.f32 v30, v18  }
0x28a: {  	v18 =	vld [tilespmem:s20+$0x140];
	v32 =	vsub.f32 v32, v25;
	v36 =	vmul.f32 v27, v5;
	v29 =	vadd.f32 v29, v22;
	[tilespmem:s20+$0x570] =	vst v31  }
0x28b: {  	v22 =	vld [tilespmem:s20+$0x130];
	v24 =	vsub.f32 v33, v24;
	v25 =	vmul.f32 v26, v5;
	v27 =	vadd.f32 v35, v19;
	[tilespmem:s20+$0x560] =	vst v30  }
0x28c: {  	s21 =	sadd.s32 $0x100, s21;
	v19 =	vld [tilespmem:s20+$0x120];
	v23 =	vsub.f32 v34, v23;
	v26 =	vmul.f32 v32, v5;
	v28 =	vadd.f32 v36, v28;
	[tilespmem:s20+$0x550] =	vst v29  }
0x28d: {  	v13 =	vadd.f32 v25, v13  }
0x28e: {  	[tilespmem:s20+$0x540] =	vst v27;
	v27 =	vld [tilespmem:s20+$0x110];
	v24 =	vmul.f32 v24, v5;
	v12 =	vadd.f32 v26, v12;
	v16 =	vsub.f32 v21, v16  }
0x28f: {  	v21 =	vmul.f32 v23, v5;
	[tilespmem:s20+$0x520] =	vst v13;
	v13 =	vsub.f32 v20, v17;
	v20 =	vld [tilespmem:s20+$0x100]  }
0x290: {  	v25 =	vld [tilespmem:s20+$0xA130];
	v9 =	vadd.f32 v24, v9;
	[tilespmem:s20+$0x510] =	vst v12;
	v12 =	vsub.f32 v18, v15;
	v16 =	vmul.f32 v16, v5  }
0x291: {  	[tilespmem:s20+$0x530] =	vst v28;
	v17 =	vld [tilespmem:s20+$0xA120];
	v14 =	vsub.f32 v22, v14;
	v7 =	vadd.f32 v21, v7;
	v13 =	vmul.f32 v13, v5  }
0x292: {  	v15 =	vld [tilespmem:s20+$0xA110];
	[tilespmem:s20+$0x500] =	vst v9;
	v9 =	vsub.f32 v19, v11;
	v11 =	vmul.f32 v12, v5;
	v4 =	vadd.f32 v16, v4  }
0x293: {  	v12 =	vld [tilespmem:s20+$0xA100];
	v10 =	vsub.f32 v27, v10;
	[tilespmem:s20+$0x170] =	vst v7;
	v6 =	vadd.f32 v13, v6;
	v13 =	vmul.f32 v14, v5  }
0x294: {  	v7 =	vsub.f32 v20, v8;
	v8 =	vmul.f32 v9, v5;
	v3 =	vadd.f32 v11, v3;
	[tilespmem:s20+$0x150] =	vst v4  }
0x295: {  	[tilespmem:s20+$0x160] =	vst v6;
	v6 =	vmul.f32 v10, v5;
	v9 =	vadd.f32 v13, v25  }
0x296: {  	v4 =	vmul.f32 v7, v5;
	v5 =	vadd.f32 v8, v17;
	[tilespmem:s20+$0x140] =	vst v3  }
0x297: {  	v3 =	vadd.f32 v6, v15;
	[tilespmem:s20+$0x130] =	vst v9  }
0x298: {  	v4 =	vadd.f32 v4, v12;
	[tilespmem:s20+$0x120] =	vst v5  }
0x299: {  	[tilespmem:s20+$0x110] =	vst v3  }
0x29a: {  	s18 =	simm.s32 $0x0;
	s19 =	rddreg [dreg:$0x14];
	[tilespmem:s20+$0x100] =	vst v4  }
0x29b: {  	[hbm4b:s19+s18] =	stream.linear.scatter [tilespmem:s29], [sflag:$0x3], $0x4000, $0x38;
	[tilespmem:$0xE100] =	vst v63  }
0x29c: {  	_ =	swait.ge [sflag:s25], $0x4000  }
0x29d: {  	[sflag:s25] =	ssyncset.done $0x0  }
0x29e: {  	s23 =	rddreg [dreg:$0x10];
	[sflag:s25] =	ssyncadd.s32 $0xFFFFC000  }
0x29f: {  	[tilespmem:s18], [sflag:$0x3] =	stream.linear.gather [hbm4b:s23+s18], $0x40, $0x38;
	[tilespmem:$0xE100] =	vst v63  }
0x2a0: {  	_ =	swait.ge [sflag:s25], $0x40  }
0x2a1: {  	[sflag:s25] =	ssyncset.done $0x0  }
0x2a2: {  	s20 =	rddreg [dreg:$0x11];
	[sflag:s25] =	ssyncadd.s32 $0xFFFFFFC0  }
0x2a3: {  	[tilespmem:s26], [sflag:$0x3] =	stream.linear.gather [hbm4b:s20+s18], $0x40, $0x38;
	[tilespmem:$0xE100] =	vst v63  }
0x2a4: {  	_ =	swait.ge [sflag:s25], $0x40  }
0x2a5: {  	[sflag:s25] =	ssyncset.done $0x0  }
0x2a6: {  	s19 =	simm.s32 $0x8100;
	s21 =	rddreg [dreg:$0x12];
	[sflag:s25] =	ssyncadd.s32 $0xFFFFFFC0  }
0x2a7: {  	[tilespmem:s19], [sflag:$0x3] =	stream.linear.gather [hbm4b:s21+s18], $0x2000, $0x38;
	[tilespmem:$0xE100] =	vst v63  }
0x2a8: {  	_ =	swait.ge [sflag:s25], $0x2000  }
0x2a9: {  	[sflag:s25] =	ssyncset.done $0x0  }
0x2aa: {  	s22 =	rddreg [dreg:$0x15];
	[sflag:s25] =	ssyncadd.s32 $0xFFFFE000  }
0x2ab: {  	[tilespmem:s28], [sflag:$0x3] =	stream.linear.gather [hbm4b:s22+s18], $0x4000, $0x38;
	[tilespmem:$0xE100] =	vst v63  }
0x2ac: {  	_ =	swait.ge [sflag:s25], $0x4000  }
0x2ad: {  	[sflag:s25] =	ssyncset.done $0x0  }
0x2ae: {  	[sflag:s25] =	ssyncadd.s32 $0xFFFFC000  }
0x2af: {  	v3 =	vld [tilespmem:$0x0];
	_ =	sdelay $0x4  }
0x2b0: {  	v4 =	vshll.u32 v3, $0x1  }
0x2b1: {  	v3 =	vand.u32 $0x7, v3;
	v4 =	vand.u32 $0xFFFFFFF0, v4  }
0x2b2: {  	v3 =	vor.u32 v3, v4  }
0x2b3: {  	v4 =	vperm.xlane v3, v0;
	_ =	sdelay $0x1  }
0x2b4: {  	v3 =	vperm.xlane v3, v2;
	v4 =	vadd.s32 v1, v4;
	_ =	sdelay $0x1  }
0x2b5: {  	v3 =	vadd.s32 v1, v3;
	_ =	sdelay $0x2  }
0x2b6: {  	[tilespmem:s29], [sflag:$0x1] =	stream.indirect_vreg.gather [hbm4b:s3+s18], $0x80, v4, vm0, $0xb8;
	[tilespmem:$0xE100] =	vst v63  }
0x2b7: {  	_ = 	snop  }
0x2b8: {  	[tilespmem:s30], [sflag:$0x1] =	stream.indirect_vreg.gather [hbm4b:s3+s18], $0x80, v3, vm0, $0xb8;
	[tilespmem:$0xE100] =	vst v63  }
0x2b9: {  	v3 =	vld [tilespmem:$0x10];
	_ =	sdelay $0x4  }
0x2ba: {  	v4 =	vshll.u32 v3, $0x1  }
0x2bb: {  	v3 =	vand.u32 $0x7, v3;
	v4 =	vand.u32 $0xFFFFFFF0, v4  }
0x2bc: {  	v3 =	vor.u32 v3, v4  }
0x2bd: {  	v4 =	vperm.xlane v3, v0;
	_ =	sdelay $0x1  }
0x2be: {  	v3 =	vperm.xlane v3, v2;
	v4 =	vadd.s32 v1, v4;
	_ =	sdelay $0x1  }
0x2bf: {  	v3 =	vadd.s32 v1, v3;
	_ =	sdelay $0x2  }
0x2c0: {  	[tilespmem:s31], [sflag:$0x1] =	stream.indirect_vreg.gather [hbm4b:s3+s18], $0x80, v4, vm0, $0xb8;
	[tilespmem:$0xE100] =	vst v63  }
0x2c1: {  	_ = 	snop  }
0x2c2: {  	[tilespmem:s0], [sflag:$0x1] =	stream.indirect_vreg.gather [hbm4b:s3+s18], $0x80, v3, vm0, $0xb8;
	[tilespmem:$0xE100] =	vst v63  }
0x2c3: {  	v3 =	vld [tilespmem:$0x20];
	_ =	sdelay $0x4  }
0x2c4: {  	v4 =	vshll.u32 v3, $0x1  }
0x2c5: {  	v3 =	vand.u32 $0x7, v3;
	v4 =	vand.u32 $0xFFFFFFF0, v4  }
0x2c6: {  	v3 =	vor.u32 v3, v4  }
0x2c7: {  	v4 =	vperm.xlane v3, v0;
	_ =	sdelay $0x1  }
0x2c8: {  	v3 =	vperm.xlane v3, v2;
	v4 =	vadd.s32 v1, v4;
	_ =	sdelay $0x1  }
0x2c9: {  	v3 =	vadd.s32 v1, v3;
	_ =	sdelay $0x2  }
0x2ca: {  	[tilespmem:s2], [sflag:$0x1] =	stream.indirect_vreg.gather [hbm4b:s3+s18], $0x80, v4, vm0, $0xb8;
	[tilespmem:$0xE100] =	vst v63  }
0x2cb: {  	_ = 	snop  }
0x2cc: {  	[tilespmem:s4], [sflag:$0x1] =	stream.indirect_vreg.gather [hbm4b:s3+s18], $0x80, v3, vm0, $0xb8;
	[tilespmem:$0xE100] =	vst v63  }
0x2cd: {  	v3 =	vld [tilespmem:$0x30];
	_ =	sdelay $0x4  }
0x2ce: {  	v4 =	vshll.u32 v3, $0x1  }
0x2cf: {  	v3 =	vand.u32 $0x7, v3;
	v4 =	vand.u32 $0xFFFFFFF0, v4  }
0x2d0: {  	v3 =	vor.u32 v3, v4  }
0x2d1: {  	v4 =	vperm.xlane v3, v0;
	_ =	sdelay $0x1  }
0x2d2: {  	v3 =	vperm.xlane v3, v2;
	v4 =	vadd.s32 v1, v4;
	_ =	sdelay $0x1  }
0x2d3: {  	v3 =	vadd.s32 v1, v3;
	_ =	sdelay $0x2  }
0x2d4: {  	[tilespmem:s5], [sflag:$0x1] =	stream.indirect_vreg.gather [hbm4b:s3+s18], $0x80, v4, vm0, $0xb8;
	[tilespmem:$0xE100] =	vst v63  }
0x2d5: {  	_ = 	snop  }
0x2d6: {  	[tilespmem:s6], [sflag:$0x1] =	stream.indirect_vreg.gather [hbm4b:s3+s18], $0x80, v3, vm0, $0xb8;
	[tilespmem:$0xE100] =	vst v63  }
0x2d7: {  	_ =	swait.ge [sflag:s7], $0x4000  }
0x2d8: {  	[sflag:s7] =	ssyncset.done $0x0  }
0x2d9: {  	[sflag:s7] =	ssyncadd.s32 $0xFFFFC000  }
0x2da: {  	v3 =	vld [tilespmem:$0x80];
	_ =	sdelay $0x4  }
0x2db: {  	v4 =	vshll.u32 v3, $0x1  }
0x2dc: {  	v3 =	vand.u32 $0x7, v3;
	v4 =	vand.u32 $0xFFFFFFF0, v4  }
0x2dd: {  	v3 =	vor.u32 v3, v4  }
0x2de: {  	v4 =	vperm.xlane v3, v0;
	_ =	sdelay $0x1  }
0x2df: {  	v3 =	vperm.xlane v3, v2;
	v4 =	vadd.s32 v1, v4;
	_ =	sdelay $0x1  }
0x2e0: {  	v3 =	vadd.s32 v1, v3;
	_ =	sdelay $0x2  }
0x2e1: {  	[tilespmem:s8], [sflag:$0x2] =	stream.indirect_vreg.gather [hbm4b:s3+s18], $0x80, v4, vm0, $0xb8;
	[tilespmem:$0xE100] =	vst v63  }
0x2e2: {  	_ = 	snop  }
0x2e3: {  	[tilespmem:s9], [sflag:$0x2] =	stream.indirect_vreg.gather [hbm4b:s3+s18], $0x80, v3, vm0, $0xb8;
	[tilespmem:$0xE100] =	vst v63  }
0x2e4: {  	v3 =	vld [tilespmem:$0x90];
	_ =	sdelay $0x4  }
0x2e5: {  	v4 =	vshll.u32 v3, $0x1  }
0x2e6: {  	v3 =	vand.u32 $0x7, v3;
	v4 =	vand.u32 $0xFFFFFFF0, v4  }
0x2e7: {  	v3 =	vor.u32 v3, v4  }
0x2e8: {  	v4 =	vperm.xlane v3, v0;
	_ =	sdelay $0x1  }
0x2e9: {  	v3 =	vperm.xlane v3, v2;
	v4 =	vadd.s32 v1, v4;
	_ =	sdelay $0x1  }
0x2ea: {  	v3 =	vadd.s32 v1, v3;
	_ =	sdelay $0x2  }
0x2eb: {  	[tilespmem:s10], [sflag:$0x2] =	stream.indirect_vreg.gather [hbm4b:s3+s18], $0x80, v4, vm0, $0xb8;
	[tilespmem:$0xE100] =	vst v63  }
0x2ec: {  	_ = 	snop  }
0x2ed: {  	[tilespmem:s11], [sflag:$0x2] =	stream.indirect_vreg.gather [hbm4b:s3+s18], $0x80, v3, vm0, $0xb8;
	[tilespmem:$0xE100] =	vst v63  }
0x2ee: {  	v3 =	vld [tilespmem:$0xA0];
	_ =	sdelay $0x4  }
0x2ef: {  	v4 =	vshll.u32 v3, $0x1  }
0x2f0: {  	v3 =	vand.u32 $0x7, v3;
	v4 =	vand.u32 $0xFFFFFFF0, v4  }
0x2f1: {  	v3 =	vor.u32 v3, v4  }
0x2f2: {  	v4 =	vperm.xlane v3, v0;
	_ =	sdelay $0x1  }
0x2f3: {  	v3 =	vperm.xlane v3, v2;
	v4 =	vadd.s32 v1, v4;
	_ =	sdelay $0x1  }
0x2f4: {  	v3 =	vadd.s32 v1, v3;
	_ =	sdelay $0x2  }
0x2f5: {  	[tilespmem:s12], [sflag:$0x2] =	stream.indirect_vreg.gather [hbm4b:s3+s18], $0x80, v4, vm0, $0xb8;
	[tilespmem:$0xE100] =	vst v63  }
0x2f6: {  	_ = 	snop  }
0x2f7: {  	[tilespmem:s13], [sflag:$0x2] =	stream.indirect_vreg.gather [hbm4b:s3+s18], $0x80, v3, vm0, $0xb8;
	[tilespmem:$0xE100] =	vst v63  }
0x2f8: {  	v3 =	vld [tilespmem:$0xB0];
	_ =	sdelay $0x4  }
0x2f9: {  	v4 =	vshll.u32 v3, $0x1  }
0x2fa: {  	v3 =	vand.u32 $0x7, v3;
	v4 =	vand.u32 $0xFFFFFFF0, v4  }
0x2fb: {  	v3 =	vor.u32 v3, v4  }
0x2fc: {  	v4 =	vperm.xlane v3, v0;
	_ =	sdelay $0x1  }
0x2fd: {  	v3 =	vperm.xlane v3, v2;
	v4 =	vadd.s32 v1, v4;
	_ =	sdelay $0x1  }
0x2fe: {  	v3 =	vadd.s32 v1, v3;
	_ =	sdelay $0x2  }
0x2ff: {  	[tilespmem:s14], [sflag:$0x2] =	stream.indirect_vreg.gather [hbm4b:s3+s18], $0x80, v4, vm0, $0xb8;
	[tilespmem:$0xE100] =	vst v63  }
0x300: {  	_ = 	snop  }
0x301: {  	[tilespmem:s15], [sflag:$0x2] =	stream.indirect_vreg.gather [hbm4b:s3+s18], $0x80, v3, vm0, $0xb8;
	[tilespmem:$0xE100] =	vst v63  }
0x302: {  	_ =	swait.ge [sflag:s16], $0x4000  }
0x303: {  	s23 =	sand.u32 $0x3800, s18;
	s21 =	sand.u32 $0x380, s18;
	[sflag:s16] =	ssyncset.done $0x0  }
0x304: {  	s20 =	sor.u32 s21, s23;
	[sflag:s16] =	ssyncadd.s32 $0xFFFFC000  }
0x305: {  	v3 =	vld [tilespmem:s20+$0xA140]  }
0x306: {  	v4 =	vld [tilespmem:s20+$0xA150]  }
0x307: {  	v6 =	vld [tilespmem:s20+$0xA160]  }
0x308: {  	v7 =	vld [tilespmem:s20+$0xA170]  }
0x309: {  	v9 =	vld [tilespmem:s20+$0xA500]  }
0x30a: {  	v12 =	vld [tilespmem:s20+$0xA510]  }
0x30b: {  	v13 =	vld [tilespmem:s20+$0xA520]  }
0x30c: {  	v5 =	vld [tilespmem:s19+$0x0]  }
0x30d: {  	v28 =	vld [tilespmem:s20+$0xA530]  }
0x30e: {  	v19 =	vld [tilespmem:s20+$0xA540]  }
0x30f: {  	v22 =	vld [tilespmem:s20+$0xA550]  }
0x310: {  	v18 =	vld [tilespmem:s20+$0xA560]  }
0x311: {  	v21 =	vld [tilespmem:s20+$0xA570]  }
0x312: {  	v8 =	vld [tilespmem:s20+$0x4100]  }
0x313: {  	v10 =	vld [tilespmem:s20+$0x4110]  }
0x314: {  	v11 =	vld [tilespmem:s20+$0x4120]  }
0x315: {  	v14 =	vld [tilespmem:s20+$0x4130]  }
0x316: {  	v15 =	vld [tilespmem:s20+$0x4140]  }
0x317: {  	v16 =	vld [tilespmem:s20+$0x4150]  }
0x318: {  	v17 =	vld [tilespmem:s20+$0x4160]  }
0x319: {  	v23 =	vld [tilespmem:s20+$0x4170]  }
0x31a: {  	v24 =	vld [tilespmem:s20+$0x4500]  }
0x31b: {  	v25 =	vld [tilespmem:s20+$0x4510]  }
0x31c: {  	v26 =	vld [tilespmem:s20+$0x4520]  }
0x31d: {  	v27 =	vld [tilespmem:s20+$0x4530]  }
0x31e: {  	v20 =	vld [tilespmem:s20+$0x4540]  }
0x31f: {  	v29 =	vld [tilespmem:s20+$0x4550]  }
0x320: {  	v30 =	vld [tilespmem:s20+$0x4560]  }
0x321: {  	v31 =	vld [tilespmem:s20+$0x4570]  }
0x322: {  	v32 =	vld [tilespmem:s20+$0x570]  }
0x323: {  	v33 =	vld [tilespmem:s20+$0x560]  }
0x324: {  	v34 =	vld [tilespmem:s20+$0x550]  }
0x325: {  	v35 =	vld [tilespmem:s20+$0x540]  }
0x326: {  	v36 =	vld [tilespmem:s20+$0x530]  }
0x327: {  	v37 =	vld [tilespmem:s20+$0x520];
	v31 =	vsub.f32 v32, v31  }
0x328: {  	v61 =	vld [tilespmem:s20+$0x510];
	v30 =	vsub.f32 v33, v30  }
0x329: {  	v62 =	vld [tilespmem:s20+$0x500];
	v29 =	vsub.f32 v34, v29;
	v31 =	vmul.f32 v31, v5  }
0x32a: {  	v63 =	vld [tilespmem:s20+$0x170];
	v35 =	vsub.f32 v35, v20;
	v30 =	vmul.f32 v30, v5  }
0x32b: {  	v20 =	vld [tilespmem:s20+$0x160];
	v27 =	vsub.f32 v36, v27;
	v29 =	vmul.f32 v29, v5;
	v31 =	vadd.f32 v31, v21  }
0x32c: {  	v26 =	vsub.f32 v37, v26;
	v35 =	vmul.f32 v35, v5;
	v21 =	vld [tilespmem:s20+$0x150];
	v30 =	vadd.f32 v30, v18  }
0x32d: {  	v32 =	vsub.f32 v61, v25;
	v36 =	vmul.f32 v27, v5;
	v18 =	vld [tilespmem:s20+$0x140];
	v29 =	vadd.f32 v29, v22;
	[tilespmem:s20+$0x570] =	vst v31  }
0x32e: {  	v24 =	vsub.f32 v62, v24;
	v25 =	vmul.f32 v26, v5;
	v22 =	vld [tilespmem:s20+$0x130];
	v27 =	vadd.f32 v35, v19;
	[tilespmem:s20+$0x560] =	vst v30  }
0x32f: {  	s21 =	simm.s32 $0x100;
	v23 =	vsub.f32 v63, v23;
	v26 =	vmul.f32 v32, v5;
	v19 =	vld [tilespmem:s20+$0x120];
	v28 =	vadd.f32 v36, v28;
	[tilespmem:s20+$0x550] =	vst v29  }
.LBB2_8:
0x330: {  	p0 =	sne.s32 s21, $0x3F00;
	v29 =	vld [tilespmem:s20+$0x110];
	v17 =	vsub.f32 v20, v17;
	v20 =	vmul.f32 v24, v5;
	v13 =	vadd.f32 v25, v13;
	[tilespmem:s20+$0x540] =	vst v27  }
0x331: {  	v24 =	vld [tilespmem:s20+$0x100];
	v16 =	vsub.f32 v21, v16;
	v21 =	vmul.f32 v23, v5;
	v12 =	vadd.f32 v26, v12;
	[tilespmem:s20+$0x530] =	vst v28  }
0x332: {  	v23 =	vld [tilespmem:s20+$0xA130];
	v15 =	vsub.f32 v18, v15;
	v17 =	vmul.f32 v17, v5;
	v9 =	vadd.f32 v20, v9;
	[tilespmem:s20+$0x520] =	vst v13  }
0x333: {  	s18 =	sadd.s32 $0x80, s18;
	v13 =	vld [tilespmem:s20+$0xA120];
	v14 =	vsub.f32 v22, v14;
	v16 =	vmul.f32 v16, v5;
	v7 =	vadd.f32 v21, v7;
	[tilespmem:s20+$0x510] =	vst v12  }
0x334: {  	s22 =	sand.u32 $0x3800, s21;
	s23 =	sand.u32 $0x380, s18;
	v12 =	vld [tilespmem:s20+$0xA110];
	v11 =	vsub.f32 v19, v11;
	v15 =	vmul.f32 v15, v5;
	v6 =	vadd.f32 v17, v6;
	[tilespmem:s20+$0x500] =	vst v9  }
0x335: {  	s22 =	sor.u32 s23, s22;
	v17 =	vld [tilespmem:s20+$0xA100];
	v9 =	vsub.f32 v29, v10;
	v10 =	vmul.f32 v14, v5;
	v14 =	vadd.f32 v16, v4;
	[tilespmem:s20+$0x170] =	vst v7  }
0x336: {  	v7 =	vsub.f32 v24, v8;
	v8 =	vmul.f32 v11, v5;
	v11 =	vadd.f32 v15, v3;
	v3 =	vld [tilespmem:s22+$0xA140];
	[tilespmem:s20+$0x160] =	vst v6  }
0x337: {  	v4 =	vld [tilespmem:s22+$0xA150];
	v9 =	vmul.f32 v9, v5;
	v10 =	vadd.f32 v10, v23;
	[tilespmem:s20+$0x150] =	vst v14  }
0x338: {  	v6 =	vld [tilespmem:s22+$0xA160];
	v5 =	vmul.f32 v7, v5;
	v8 =	vadd.f32 v8, v13;
	[tilespmem:s20+$0x140] =	vst v11  }
0x339: {  	v7 =	vld [tilespmem:s22+$0xA170];
	v11 =	vadd.f32 v9, v12;
	[tilespmem:s20+$0x130] =	vst v10  }
0x33a: {  	v9 =	vld [tilespmem:s22+$0xA500];
	v5 =	vadd.f32 v5, v17;
	[tilespmem:s20+$0x120] =	vst v8  }
0x33b: {  	v12 =	vld [tilespmem:s22+$0xA510];
	[tilespmem:s20+$0x110] =	vst v11  }
0x33c: {  	s19 =	sadd.s32 $0x80, s19;
	v13 =	vld [tilespmem:s22+$0xA520];
	[tilespmem:s20+$0x100] =	vst v5;
	s20 =	smov.u32 s22  }
0x33d: {  	v5 =	vld [tilespmem:s19+$0x0]  }
0x33e: {  	v28 =	vld [tilespmem:s20+$0xA530]  }
0x33f: {  	v19 =	vld [tilespmem:s20+$0xA540]  }
0x340: {  	v22 =	vld [tilespmem:s20+$0xA550]  }
0x341: {  	v18 =	vld [tilespmem:s20+$0xA560]  }
0x342: {  	v21 =	vld [tilespmem:s20+$0xA570]  }
0x343: {  	v8 =	vld [tilespmem:s20+$0x4100]  }
0x344: {  	v10 =	vld [tilespmem:s20+$0x4110]  }
0x345: {  	v11 =	vld [tilespmem:s20+$0x4120]  }
0x346: {  	v14 =	vld [tilespmem:s20+$0x4130]  }
0x347: {  	v15 =	vld [tilespmem:s20+$0x4140]  }
0x348: {  	v16 =	vld [tilespmem:s20+$0x4150]  }
0x349: {  	v17 =	vld [tilespmem:s20+$0x4160]  }
0x34a: {  	v23 =	vld [tilespmem:s20+$0x4170]  }
0x34b: {  	v24 =	vld [tilespmem:s20+$0x4500]  }
0x34c: {  	v25 =	vld [tilespmem:s20+$0x4510]  }
0x34d: {  	v26 =	vld [tilespmem:s20+$0x4520]  }
0x34e: {  	v27 =	vld [tilespmem:s20+$0x4530]  }
0x34f: {  	v20 =	vld [tilespmem:s20+$0x4540]  }
0x350: {  	v29 =	vld [tilespmem:s20+$0x4550]  }
0x351: {  	v30 =	vld [tilespmem:s20+$0x4560]  }
0x352: {  	v31 =	vld [tilespmem:s20+$0x4570]  }
0x353: {  	v32 =	vld [tilespmem:s20+$0x570]  }
0x354: {  	v33 =	vld [tilespmem:s20+$0x560]  }
0x355: {  	v34 =	vld [tilespmem:s20+$0x550]  }
0x356: {  	v35 =	vld [tilespmem:s20+$0x540]  }
0x357: {  	v36 =	vld [tilespmem:s20+$0x530]  }
0x358: {  	v37 =	vld [tilespmem:s20+$0x520];
	v31 =	vsub.f32 v32, v31  }
0x359: {  	v32 =	vld [tilespmem:s20+$0x510];
	v30 =	vsub.f32 v33, v30  }
0x35a: {  	v33 =	vld [tilespmem:s20+$0x500];
	v29 =	vsub.f32 v34, v29;
	v31 =	vmul.f32 v31, v5  }
0x35b: {  	v34 =	vld [tilespmem:s20+$0x170];
	v35 =	vsub.f32 v35, v20;
	v30 =	vmul.f32 v30, v5  }
.Ltmp3:
0x35c: {  	v20 =	vld [tilespmem:s20+$0x160];
	v27 =	vsub.f32 v36, v27;
	v29 =	vmul.f32 v29, v5;
	v31 =	vadd.f32 v31, v21;
	(pc) =	sbr.rel @p0 .LBB2_8-.Ltmp3, $4  }
0x35d: {  	v21 =	vld [tilespmem:s20+$0x150];
	v26 =	vsub.f32 v37, v26;
	v35 =	vmul.f32 v35, v5;
	v30 =	vadd.f32 v30, v18  }
0x35e: {  	v18 =	vld [tilespmem:s20+$0x140];
	v32 =	vsub.f32 v32, v25;
	v36 =	vmul.f32 v27, v5;
	v29 =	vadd.f32 v29, v22;
	[tilespmem:s20+$0x570] =	vst v31  }
0x35f: {  	v22 =	vld [tilespmem:s20+$0x130];
	v24 =	vsub.f32 v33, v24;
	v25 =	vmul.f32 v26, v5;
	v27 =	vadd.f32 v35, v19;
	[tilespmem:s20+$0x560] =	vst v30  }
0x360: {  	s21 =	sadd.s32 $0x100, s21;
	v19 =	vld [tilespmem:s20+$0x120];
	v23 =	vsub.f32 v34, v23;
	v26 =	vmul.f32 v32, v5;
	v28 =	vadd.f32 v36, v28;
	[tilespmem:s20+$0x550] =	vst v29  }
0x361: {  	[tilespmem:s20+$0x540] =	vst v27;
	v13 =	vadd.f32 v25, v13;
	v47 =	vld [tilespmem:s20+$0x110];
	v24 =	vmul.f32 v24, v5;
	v48 =	vsub.f32 v20, v17  }
0x362: {  	v50 =	vld [tilespmem:s20+$0x100];
	[tilespmem:s20+$0x530] =	vst v28;
	v12 =	vadd.f32 v26, v12;
	v16 =	vsub.f32 v21, v16;
	v51 =	vmul.f32 v23, v5  }
0x363: {  	v46 =	vld [tilespmem:s20+$0xA130];
	[tilespmem:s20+$0x520] =	vst v13;
	v9 =	vadd.f32 v24, v9;
	v52 =	vsub.f32 v18, v15;
	v13 =	vmul.f32 v48, v5  }
0x364: {  	v49 =	vld [tilespmem:s20+$0xA120];
	[tilespmem:s20+$0x510] =	vst v12;
	v14 =	vsub.f32 v22, v14;
	v16 =	vmul.f32 v16, v5;
	v7 =	vadd.f32 v51, v7  }
0x365: {  	v53 =	vld [tilespmem:s20+$0xA110];
	[tilespmem:s20+$0x500] =	vst v9;
	v54 =	vsub.f32 v19, v11;
	v55 =	vmul.f32 v52, v5;
	v6 =	vadd.f32 v13, v6  }
0x366: {  	v56 =	vld [tilespmem:s20+$0xA100];
	v10 =	vsub.f32 v47, v10;
	v57 =	vmul.f32 v14, v5;
	v4 =	vadd.f32 v16, v4;
	[tilespmem:s20+$0x170] =	vst v7  }
0x367: {  	v58 =	vsub.f32 v50, v8;
	v59 =	vmul.f32 v54, v5;
	v3 =	vadd.f32 v55, v3;
	[tilespmem:s20+$0x160] =	vst v6  }
0x368: {  	v60 =	vmul.f32 v10, v5;
	v61 =	vadd.f32 v57, v46;
	[tilespmem:s20+$0x150] =	vst v4  }
0x369: {  	v62 =	vmul.f32 v58, v5;
	v63 =	vadd.f32 v59, v49;
	[tilespmem:s20+$0x140] =	vst v3  }
0x36a: {  	v3 =	vadd.f32 v60, v53;
	[tilespmem:s20+$0x130] =	vst v61  }
0x36b: {  	s17 =	sadd.s32 $0x1, s17;
	v4 =	vadd.f32 v62, v56;
	[tilespmem:s20+$0x120] =	vst v63  }
0x36c: {  	p0 =	sne.s32 s17, s24;
	[tilespmem:s20+$0x110] =	vst v3  }
.Ltmp4:
0x36d: {  	s18 =	rddreg [dreg:$0x16];
	[tilespmem:s20+$0x100] =	vst v4;
	(pc) =	sbr.rel @p0 .LBB2_1-.Ltmp4, $4  }
0x36e: {  	[hbm4b:s18+s1] =	stream.linear.scatter [tilespmem:s29], [sflag:$0x3], $0x4000, $0x38;
	[tilespmem:$0xE100] =	vst v63  }
0x36f: {  	_ =	swait.ge [sflag:s25], $0x4000  }
0x370: {  	[sflag:s25] =	ssyncset.done $0x0  }
0x371: {  	[sflag:s25] =	ssyncadd.s32 $0xFFFFC000  }
0x372: {  	_ =	sfence.sel $0x180000  }
0x373: {  	[bflag:$0x0] =	sbarrier.arrive $0xFFFF  }
0x374: {  	_ =	strace $0x90000047  }
0x375: {  	s0 =	stileid.u32;
	[bflag:$0x2] =	sbarrier.arrive $0xFFFF  }
0x376: {  	p0 =	sne.s32 s0, $0x0;
	s0 =	rddreg [dreg:$0x2]  }
0x377: {  	s0 =	sadd.s32 @!p0 $0x100000, s0  }
0x378: {  	[sflag:s0] =	ssyncadd.tile.s32 @!p0 $0x1;
	_ =	shalt  }
.Lfunc_end2:
_tile_overlayer_lowered:
.L_overlay_start_2:
0x379: {  	(tag) =	ssettag $0x2  }
0x37a: {  	s0 =	rddreg [dreg:$0x0];
	s2 =	stileid.u32  }
0x37b: {  	s1 =	rddreg [dreg:$0x1];
	p0 =	sne.s32 s2, $0x0  }
0x37c: {  	s3 =	rddreg [dreg:$0x2];
	[bflag:$0x3] =	sbarrier.arrive $0xFFFF;
	s2 =	simm.s32 @!p0 $0x1C03  }
0x37d: {  	[timem:s3], [sflag:s2] =	dma.local @!p0 [hbm:s0], s1  }
0x37e: {  	s0 =	simm.s32 @!p0 $0x3  }
0x37f: {  	_ =	swait.ge @!p0 [sflag:s0], s1  }
0x380: {  	s1 =	ssub.s32 @!p0 $0x0, s1;
	[sflag:s0] =	ssyncset.done @!p0 $0x0  }
0x381: {  	[sflag:s0] =	ssyncadd.s32 @!p0 s1  }
0x382: {  	[bflag:$0x3] =	sbarrier.arrive $0xFFFF  }
0x383: {  	_ =	shalt  }

</sc_bundles>
